<compile_context>
chip_gen: v7x
topology: tpu7x:2x2x1
jax: 0.10.2.dev20260603
libtpu: 0.0.44.dev20260713+nightly
codegen_flags: <defaults>
</compile_context>

<pallas_src>
import functools

import jax
import jax.numpy as jnp
from jax import lax
from jax.experimental import pallas as pl
from jax.experimental.pallas import tpu as pltpu
from jax.experimental.pallas import tpu_sc as plsc

_NC = 2
_NS = 16
_NW = _NC * _NS
_L = 16
_R = 4
_IDX_BITS = 13
_HMASK = -65536


def _bf16_bits(v):
    return lax.bitcast_convert_type(v, jnp.int32) + 0x8000


def _prep_body(wt_ref, ia_ref, ib_ref, c01_ref, c23_ref, pk_ref):
    wt = wt_ref[...]
    m = jnp.max(wt, axis=0, keepdims=True)
    e = jnp.exp(wt - m)
    s = e / jnp.sum(e, axis=0, keepdims=True)
    r = [s[i : i + 1, :] for i in range(14)]
    c0 = r[7] + r[8] + r[9] + r[10] + r[11] + r[12] + r[13]
    c1 = r[1] + r[2] + r[5] + r[6] - r[7] - r[8] - r[11] - r[12]
    c2 = r[3] + r[4] + r[5] + r[6] - r[7] - r[8] - r[9] - r[10]
    c3 = (r[0] - r[1] - r[3] - 2.0 * r[5] - r[6] + r[7] + 2.0 * r[8]
          + r[10] + r[12] - r[13])
    c01_ref[...] = (
        ((_bf16_bits(c0) >> 16) & 0xFFFF) | (_bf16_bits(c1) & _HMASK))
    c23_ref[...] = (
        ((_bf16_bits(c2) >> 16) & 0xFFFF) | (_bf16_bits(c3) & _HMASK))
    pk_ref[...] = ia_ref[...] | (ib_ref[...] << _IDX_BITS)


def _prep(weights, idx_a, idx_b):
    out_dim = weights.shape[0]
    shp = jax.ShapeDtypeStruct((1, out_dim), jnp.int32)
    return pl.pallas_call(
        _prep_body,
        out_shape=[shp, shp, shp],
    )(weights.T, idx_a[None, :], idx_b[None, :])


def _make_sc_kernel(batch, in_dim, out_dim):
    rows_per_w = batch // _NW
    ngroups = rows_per_w // _R
    half = out_dim // 2
    hchunks = half // _L
    mesh = plsc.VectorSubcoreMesh(
        core_axis_name="c", subcore_axis_name="s",
        num_cores=_NC, num_subcores=_NS)

    @functools.partial(
        pl.kernel,
        mesh=mesh,
        compiler_params=pltpu.CompilerParams(needs_layout_passes=False),
        out_type=jax.ShapeDtypeStruct((batch, out_dim), jnp.float32),
        scratch_types=[
            pltpu.VMEM((out_dim,), jnp.int32),
            pltpu.VMEM((out_dim,), jnp.int32),
            pltpu.VMEM((out_dim,), jnp.int32),
            pltpu.VMEM((_R, in_dim), jnp.float32),
            pltpu.VMEM((_R, in_dim), jnp.float32),
            pltpu.VMEM((_R, half), jnp.float32),
            pltpu.VMEM((_R, half), jnp.float32),
            pltpu.SemaphoreType.DMA,
            pltpu.SemaphoreType.DMA,
            pltpu.SemaphoreType.DMA,
            pltpu.SemaphoreType.DMA,
        ],
    )
    def sc_kernel(x_hbm, c01_hbm, c23_hbm, pk_hbm, out_hbm,
                  pk_v, c01_v, c23_v, x0_v, x1_v, oh0_v, oh1_v,
                  xs0, xs1, os0, os1):
        wid = lax.axis_index("s") * _NC + lax.axis_index("c")
        base = wid * rows_per_w
        pltpu.sync_copy(pk_hbm, pk_v)
        pltpu.sync_copy(c01_hbm, c01_v)
        pltpu.sync_copy(c23_hbm, c23_v)

        xbufs = (x0_v, x1_v)
        xsems = (xs0, xs1)
        obufs = (oh0_v, oh1_v)
        osems = (os0, os1)

        def x_dma(g, phase):
            return pltpu.make_async_copy(
                x_hbm.at[pl.ds(base + g * _R, _R)], xbufs[phase], xsems[phase])

        def o_dma(g, h):
            return pltpu.make_async_copy(
                obufs[h],
                out_hbm.at[pl.ds(base + g * _R, _R), pl.ds(h * half, half)],
                osems[h])

        def unpack_pair(v):
            lo = plsc.bitcast(v << 16, jnp.float32)
            hi = plsc.bitcast(lax.bitwise_and(v, _HMASK), jnp.float32)
            return lo, hi

        x_dma(0, 0).start()

        def outer(i, carry):
            go = i * 2
            for phase in range(2):
                g = go + phase
                xbuf = xbufs[phase]
                x_dma(g, phase).wait()

                @pl.when(g + 1 < ngroups)
                def _():
                    x_dma(g + 1, 1 - phase).start()

                for h in range(2):
                    obuf = obufs[h]

                    @pl.when(g >= 1)
                    def _():
                        o_dma(g - 1, h).wait()

                    @plsc.parallel_loop(0, hchunks, unroll=2)
                    def chunk(jc):
                        offl = jc * _L
                        offg = h * half + offl
                        pv = pk_v[pl.ds(offg, _L)]
                        ja = lax.bitwise_and(pv, (1 << _IDX_BITS) - 1)
                        jb = lax.shift_right_logical(pv, _IDX_BITS)
                        c0, c1 = unpack_pair(c01_v[pl.ds(offg, _L)])
                        c2, c3 = unpack_pair(c23_v[pl.ds(offg, _L)])
                        for r in range(_R):
                            rv = jnp.full((_L,), r, jnp.int32)
                            a = plsc.load_gather(xbuf, [rv, ja])
                            b = plsc.load_gather(xbuf, [rv, jb])
                            obuf[r, pl.ds(offl, _L)] = (
                                c0 + a * (c1 + c3 * b) + c2 * b)

                    o_dma(g, h).start()
            return carry

        lax.fori_loop(0, ngroups // 2, outer, 0)
        o_dma(ngroups - 1, 0).wait()
        o_dma(ngroups - 1, 1).wait()

    return sc_kernel


def kernel(x, weights, idx_a, idx_b):
    batch, in_dim = x.shape
    out_dim = weights.shape[0]
    c01, c23, pk = _prep(
        weights, idx_a.astype(jnp.int32), idx_b.astype(jnp.int32))
    sc = _make_sc_kernel(batch, in_dim, out_dim)
    return sc(x, c01.reshape(-1), c23.reshape(-1), pk.reshape(-1))

# --- scband reference (transcript-rebuilt; emitter-appended) ---
"""Pipeline reference for scband-logic-layer-31078383354129 (READ-ONLY COPY).

The authoritative reference and input builder live on the scoring server;
editing this copy changes nothing except your own understanding.
"""

import jax, jax.numpy as jnp
import numpy as np

BATCH = 4096
IN_DIM = 8192
OUT_DIM = 8192


def _bin_op(a, b, i):
    if i == 0:
        return a * b
    elif i == 1:
        return a - a * b
    elif i == 2:
        return a
    elif i == 3:
        return b - a * b
    elif i == 4:
        return b
    elif i == 5:
        return a + b - 2 * a * b
    elif i == 6:
        return a + b - a * b
    elif i == 7:
        return 1 - (a + b - a * b)
    elif i == 8:
        return 1 - (a + b - 2 * a * b)
    elif i == 9:
        return 1 - b
    elif i == 10:
        return 1 - b + a * b
    elif i == 11:
        return 1 - a
    elif i == 12:
        return 1 - a + a * b
    elif i == 13:
        return 1 - a * b


def setup_inputs(seed: int = 0) -> dict:
    key = jax.random.key(seed)
    k1, k2, k3, k4 = jax.random.split(key, 4)
    x = jax.random.uniform(k1, (BATCH, IN_DIM), dtype=jnp.float32)
    # learned per-neuron logits over the 14 binary logic ops
    weights = jax.random.normal(k2, (OUT_DIM, 14), dtype=jnp.float32)
    # 'random' connections: mimic torch randperm-based wiring with uniform ints in [0, IN_DIM)
    idx_a = jax.random.randint(k3, (OUT_DIM,), 0, IN_DIM, dtype=jnp.int64 if jax.config.jax_enable_x64 else jnp.int32)
    idx_b = jax.random.randint(k4, (OUT_DIM,), 0, IN_DIM, dtype=jnp.int64 if jax.config.jax_enable_x64 else jnp.int32)
    return {"x": x, "weights": weights, "idx_a": idx_a, "idx_b": idx_b}


def reference(x, weights, idx_a, idx_b):
    # training-mode forward of LogicLayer (softmax relaxation over 14 logic gates)
    a = jnp.take(x, idx_a, axis=-1)
    b = jnp.take(x, idx_b, axis=-1)
    i_s = jax.nn.softmax(weights, axis=-1)  # [OUT_DIM, 14]
    r = jnp.zeros_like(a)
    for i in range(14):
        u = _bin_op(a, b, i)
        r = r + i_s[..., i] * u
    return r

if __name__ == "__main__":
    import jax
    _d = setup_inputs()
    print(jax.jit(kernel)(*tuple(_d.values())))

</pallas_src>

<mosaic_0001>
#map = affine_map<(d0, d1) -> (0, 0)>
#map1 = affine_map<(d0, d1) -> (0)>
module attributes {stable_mosaic.version = 14 : i64} {
  func.func @sc_kernel(%arg0: i32, %arg1: i32, %arg2: memref<4096x8192xf32, #tpu.memory_space<hbm>>, %arg3: memref<8192xi32, #tpu.memory_space<hbm>>, %arg4: memref<8192xi32, #tpu.memory_space<hbm>>, %arg5: memref<8192xi32, #tpu.memory_space<hbm>>, %arg6: memref<4096x8192xf32, #tpu.memory_space<hbm>>, %arg7: memref<8192xi32, #tpu.memory_space<vmem>>, %arg8: memref<8192xi32, #tpu.memory_space<vmem>>, %arg9: memref<8192xi32, #tpu.memory_space<vmem>>, %arg10: memref<4x8192xf32, #tpu.memory_space<vmem>>, %arg11: memref<4x8192xf32, #tpu.memory_space<vmem>>, %arg12: memref<4x4096xf32, #tpu.memory_space<vmem>>, %arg13: memref<4x4096xf32, #tpu.memory_space<vmem>>, %arg14: memref<!tpu.dma_semaphore, #tpu.memory_space<semaphore_mem>>, %arg15: memref<!tpu.dma_semaphore, #tpu.memory_space<semaphore_mem>>, %arg16: memref<!tpu.dma_semaphore, #tpu.memory_space<semaphore_mem>>, %arg17: memref<!tpu.dma_semaphore, #tpu.memory_space<semaphore_mem>>) attributes {dimension_semantics = [#tpu.dimension_semantics<core_parallel>, #tpu.dimension_semantics<subcore_parallel>], iteration_bounds = array<i64: 2, 16>, scalar_prefetch = 0 : i64, scratch_operands = 11 : i64, tpu.core_type = #tpu.core_type<sc_vector_subcore>, window_params = [{transform_indices = #map}, {transform_indices = #map1}, {transform_indices = #map1}, {transform_indices = #map1}, {transform_indices = #map}]} {
    %mul3A = arith.constant 2 : i32
    %mul3A_0 = arith.muli %arg1, %mul3A : i32
    %add3A = arith.addi %mul3A_0, %arg0 : i32
    %mul3A_1 = arith.constant 128 : i32
    %mul3A_2 = arith.muli %add3A, %mul3A_1 : i32
    "tpu.region"() ({
      %run_scoped3A = tpu.sem_alloc : memref<!tpu.dma_semaphore, #tpu.memory_space<semaphore_mem>>
      tpu.enqueue_dma source(%arg5 : memref<8192xi32, #tpu.memory_space<hbm>>) target(%arg7 : memref<8192xi32, #tpu.memory_space<vmem>>) target_semaphore(%run_scoped3A : memref<!tpu.dma_semaphore, #tpu.memory_space<semaphore_mem>>)
      tpu.wait_dma2 semaphore(%run_scoped3A : memref<!tpu.dma_semaphore, #tpu.memory_space<semaphore_mem>>) src(%arg5 : memref<8192xi32, #tpu.memory_space<hbm>>) dst(%arg7 : memref<8192xi32, #tpu.memory_space<vmem>>)
      tpu.yield
    }) : () -> ()
    "tpu.region"() ({
      %run_scoped3A = tpu.sem_alloc : memref<!tpu.dma_semaphore, #tpu.memory_space<semaphore_mem>>
      tpu.enqueue_dma source(%arg3 : memref<8192xi32, #tpu.memory_space<hbm>>) target(%arg8 : memref<8192xi32, #tpu.memory_space<vmem>>) target_semaphore(%run_scoped3A : memref<!tpu.dma_semaphore, #tpu.memory_space<semaphore_mem>>)
      tpu.wait_dma2 semaphore(%run_scoped3A : memref<!tpu.dma_semaphore, #tpu.memory_space<semaphore_mem>>) src(%arg3 : memref<8192xi32, #tpu.memory_space<hbm>>) dst(%arg8 : memref<8192xi32, #tpu.memory_space<vmem>>)
      tpu.yield
    }) : () -> ()
    "tpu.region"() ({
      %run_scoped3A = tpu.sem_alloc : memref<!tpu.dma_semaphore, #tpu.memory_space<semaphore_mem>>
      tpu.enqueue_dma source(%arg4 : memref<8192xi32, #tpu.memory_space<hbm>>) target(%arg9 : memref<8192xi32, #tpu.memory_space<vmem>>) target_semaphore(%run_scoped3A : memref<!tpu.dma_semaphore, #tpu.memory_space<semaphore_mem>>)
      tpu.wait_dma2 semaphore(%run_scoped3A : memref<!tpu.dma_semaphore, #tpu.memory_space<semaphore_mem>>) src(%arg4 : memref<8192xi32, #tpu.memory_space<hbm>>) dst(%arg9 : memref<8192xi32, #tpu.memory_space<vmem>>)
      tpu.yield
    }) : () -> ()
    %add3A_3 = arith.constant 0 : i32
    %add3A_4 = arith.addi %mul3A_2, %add3A_3 : i32
    %dma_start3A = arith.constant 0 : i32
    %dma_start3A_5 = tpu.memref_slice %arg2[%add3A_4, %dma_start3A] : memref<4096x8192xf32, #tpu.memory_space<hbm>> -> memref<4x8192xf32, #tpu.memory_space<hbm>>
    %dma_start3A_6 = arith.constant 0 : i32
    %dma_start3A_7 = tpu.memref_slice %arg2[%add3A_4, %dma_start3A_6] : memref<4096x8192xf32, #tpu.memory_space<hbm>> -> memref<4x8192xf32, #tpu.memory_space<hbm>>
    tpu.enqueue_dma source(%dma_start3A_7 : memref<4x8192xf32, #tpu.memory_space<hbm>>) target(%arg10 : memref<4x8192xf32, #tpu.memory_space<vmem>>) target_semaphore(%arg14 : memref<!tpu.dma_semaphore, #tpu.memory_space<semaphore_mem>>)
    %scan3A = arith.constant 0 : i32
    %scan3A_8 = arith.constant 0 : i32
    %scan3A_9 = arith.constant 16 : i32
    %scan3A_10 = arith.addi %scan3A_8, %scan3A_9 : i32
    %scan3A_11 = arith.constant 1 : i32
    scf.for %scan3A_24 = %scan3A_8 to %scan3A_10 step %scan3A_11  : i32 {
      %mul3A_25 = arith.constant 2 : i32
      %mul3A_26 = arith.muli %scan3A_24, %mul3A_25 : i32
      %add3A_27 = arith.constant 0 : i32
      %add3A_28 = arith.addi %mul3A_26, %add3A_27 : i32
      %mul3A_29 = arith.constant 4 : i32
      %mul3A_30 = arith.muli %add3A_28, %mul3A_29 : i32
      %add3A_31 = arith.addi %mul3A_2, %mul3A_30 : i32
      %dma_wait3A_32 = arith.constant 0 : i32
      %dma_wait3A_33 = tpu.memref_slice %arg2[%add3A_31, %dma_wait3A_32] : memref<4096x8192xf32, #tpu.memory_space<hbm>> -> memref<4x8192xf32, #tpu.memory_space<hbm>>
      %dma_wait3A_34 = arith.constant 0 : i32
      %dma_wait3A_35 = tpu.memref_slice %arg2[%add3A_31, %dma_wait3A_34] : memref<4096x8192xf32, #tpu.memory_space<hbm>> -> memref<4x8192xf32, #tpu.memory_space<hbm>>
      tpu.wait_dma2 semaphore(%arg14 : memref<!tpu.dma_semaphore, #tpu.memory_space<semaphore_mem>>) src(%dma_wait3A_35 : memref<4x8192xf32, #tpu.memory_space<hbm>>) dst(%arg10 : memref<4x8192xf32, #tpu.memory_space<vmem>>)
      %add3A_36 = arith.constant 1 : i32
      %add3A_37 = arith.addi %add3A_28, %add3A_36 : i32
      %lt3A = arith.constant 32 : i32
      %lt3A_38 = arith.cmpi slt, %add3A_37, %lt3A : i32
      %convert_element_type3A = arith.extui %lt3A_38 : i1 to i32
      %cond3A = arith.constant 0 : i32
      %cond3A_39 = arith.cmpi ne, %convert_element_type3A, %cond3A : i32
      scf.if %cond3A_39 {
        %add3A_114 = arith.constant 1 : i32
        %add3A_115 = arith.addi %add3A_28, %add3A_114 : i32
        %mul3A_116 = arith.constant 4 : i32
        %mul3A_117 = arith.muli %add3A_115, %mul3A_116 : i32
        %add3A_118 = arith.addi %mul3A_2, %mul3A_117 : i32
        %dma_start3A_119 = arith.constant 0 : i32
        %dma_start3A_120 = tpu.memref_slice %arg2[%add3A_118, %dma_start3A_119] : memref<4096x8192xf32, #tpu.memory_space<hbm>> -> memref<4x8192xf32, #tpu.memory_space<hbm>>
        %dma_start3A_121 = arith.constant 0 : i32
        %dma_start3A_122 = tpu.memref_slice %arg2[%add3A_118, %dma_start3A_121] : memref<4096x8192xf32, #tpu.memory_space<hbm>> -> memref<4x8192xf32, #tpu.memory_space<hbm>>
        tpu.enqueue_dma source(%dma_start3A_122 : memref<4x8192xf32, #tpu.memory_space<hbm>>) target(%arg11 : memref<4x8192xf32, #tpu.memory_space<vmem>>) target_semaphore(%arg15 : memref<!tpu.dma_semaphore, #tpu.memory_space<semaphore_mem>>)
      } else {
      }
      %ge3A = arith.constant 1 : i32
      %ge3A_40 = arith.cmpi sge, %add3A_28, %ge3A : i32
      %convert_element_type3A_41 = arith.extui %ge3A_40 : i1 to i32
      %cond3A_42 = arith.constant 0 : i32
      %cond3A_43 = arith.cmpi ne, %convert_element_type3A_41, %cond3A_42 : i32
      scf.if %cond3A_43 {
        %sub3A = arith.constant 1 : i32
        %sub3A_114 = arith.subi %add3A_28, %sub3A : i32
        %mul3A_115 = arith.constant 4 : i32
        %mul3A_116 = arith.muli %sub3A_114, %mul3A_115 : i32
        %add3A_117 = arith.addi %mul3A_2, %mul3A_116 : i32
        %dma_wait3A_118 = arith.constant 0 : i32
        %dma_wait3A_119 = tpu.memref_slice %arg6[%add3A_117, %dma_wait3A_118] : memref<4096x8192xf32, #tpu.memory_space<hbm>> -> memref<4x4096xf32, #tpu.memory_space<hbm>>
        %dma_wait3A_120 = arith.constant 0 : i32
        %dma_wait3A_121 = tpu.memref_slice %arg6[%add3A_117, %dma_wait3A_120] : memref<4096x8192xf32, #tpu.memory_space<hbm>> -> memref<4x4096xf32, #tpu.memory_space<hbm>>
        tpu.wait_dma2 semaphore(%arg16 : memref<!tpu.dma_semaphore, #tpu.memory_space<semaphore_mem>>) src(%arg12 : memref<4x4096xf32, #tpu.memory_space<vmem>>) dst(%dma_wait3A_121 : memref<4x4096xf32, #tpu.memory_space<hbm>>)
      } else {
      }
      %parallel_loop3A = arith.constant 0 : i32
      %parallel_loop3A_44 = arith.constant 256 : i32
      %parallel_loop3A_45 = arith.constant 1 : i32
      scf.for %parallel_loop3A_114 = %parallel_loop3A to %parallel_loop3A_44 step %parallel_loop3A_45  : i32 {
        %parallel_loop3A_115 = arith.constant 16 : i32
        %parallel_loop3A_116 = arith.muli %parallel_loop3A_114, %parallel_loop3A_115 : i32
        %parallel_loop3A_117 = arith.constant 0 : i32
        %parallel_loop3A_118 = arith.addi %parallel_loop3A_117, %parallel_loop3A_116 : i32
        %parallel_loop3A_119 = arith.index_cast %parallel_loop3A_118 : i32 to index
        %parallel_loop3A_120 = tpu.vector_load %arg7[%parallel_loop3A_119] {strides = array<i32>} : memref<8192xi32, #tpu.memory_space<vmem>>, vector<16xi32>,
        %parallel_loop3A_121 = arith.constant 8191 : i32
        %parallel_loop3A_122 = vector.broadcast %parallel_loop3A_121 : i32 to vector<16xi32>
        %parallel_loop3A_123 = arith.andi %parallel_loop3A_120, %parallel_loop3A_122 : vector<16xi32>
        %parallel_loop3A_124 = arith.constant 13 : i32
        %parallel_loop3A_125 = vector.broadcast %parallel_loop3A_124 : i32 to vector<16xi32>
        %parallel_loop3A_126 = arith.shrui %parallel_loop3A_120, %parallel_loop3A_125 : vector<16xi32>
        %parallel_loop3A_127 = arith.index_cast %parallel_loop3A_118 : i32 to index
        %parallel_loop3A_128 = tpu.vector_load %arg8[%parallel_loop3A_127] {strides = array<i32>} : memref<8192xi32, #tpu.memory_space<vmem>>, vector<16xi32>,
        %parallel_loop3A_129 = arith.constant 16 : i32
        %parallel_loop3A_130 = vector.broadcast %parallel_loop3A_129 : i32 to vector<16xi32>
        %parallel_loop3A_131 = arith.shli %parallel_loop3A_128, %parallel_loop3A_130 : vector<16xi32>
        %parallel_loop3A_132 = vector.bitcast %parallel_loop3A_131 : vector<16xi32> to vector<16xf32>
        %parallel_loop3A_133 = arith.constant -65536 : i32
        %parallel_loop3A_134 = vector.broadcast %parallel_loop3A_133 : i32 to vector<16xi32>
        %parallel_loop3A_135 = arith.andi %parallel_loop3A_128, %parallel_loop3A_134 : vector<16xi32>
        %parallel_loop3A_136 = vector.bitcast %parallel_loop3A_135 : vector<16xi32> to vector<16xf32>
        %parallel_loop3A_137 = arith.index_cast %parallel_loop3A_118 : i32 to index
        %parallel_loop3A_138 = tpu.vector_load %arg9[%parallel_loop3A_137] {strides = array<i32>} : memref<8192xi32, #tpu.memory_space<vmem>>, vector<16xi32>,
        %parallel_loop3A_139 = arith.constant 16 : i32
        %parallel_loop3A_140 = vector.broadcast %parallel_loop3A_139 : i32 to vector<16xi32>
        %parallel_loop3A_141 = arith.shli %parallel_loop3A_138, %parallel_loop3A_140 : vector<16xi32>
        %parallel_loop3A_142 = vector.bitcast %parallel_loop3A_141 : vector<16xi32> to vector<16xf32>
        %parallel_loop3A_143 = arith.constant -65536 : i32
        %parallel_loop3A_144 = vector.broadcast %parallel_loop3A_143 : i32 to vector<16xi32>
        %parallel_loop3A_145 = arith.andi %parallel_loop3A_138, %parallel_loop3A_144 : vector<16xi32>
        %parallel_loop3A_146 = vector.bitcast %parallel_loop3A_145 : vector<16xi32> to vector<16xf32>
        %parallel_loop3A_147 = arith.constant 0 : i32
        %parallel_loop3A_148 = vector.broadcast %parallel_loop3A_147 : i32 to vector<16xi32>
        %parallel_loop3A_149 = tpu.vector_load_idx %arg10[%parallel_loop3A_148, %parallel_loop3A_123] : memref<4x8192xf32, #tpu.memory_space<vmem>>[vector<16xi32>, vector<16xi32>], vector<16xf32>,
        %parallel_loop3A_150 = tpu.vector_load_idx %arg10[%parallel_loop3A_148, %parallel_loop3A_126] : memref<4x8192xf32, #tpu.memory_space<vmem>>[vector<16xi32>, vector<16xi32>], vector<16xf32>,
        %parallel_loop3A_151 = arith.mulf %parallel_loop3A_146, %parallel_loop3A_150 : vector<16xf32>
        %parallel_loop3A_152 = arith.addf %parallel_loop3A_136, %parallel_loop3A_151 : vector<16xf32>
        %parallel_loop3A_153 = arith.mulf %parallel_loop3A_149, %parallel_loop3A_152 : vector<16xf32>
        %parallel_loop3A_154 = arith.addf %parallel_loop3A_132, %parallel_loop3A_153 : vector<16xf32>
        %parallel_loop3A_155 = arith.mulf %parallel_loop3A_142, %parallel_loop3A_150 : vector<16xf32>
        %parallel_loop3A_156 = arith.addf %parallel_loop3A_154, %parallel_loop3A_155 : vector<16xf32>
        %parallel_loop3A_157 = arith.constant 0 : i32
        %parallel_loop3A_158 = arith.index_cast %parallel_loop3A_157 : i32 to index
        %parallel_loop3A_159 = arith.index_cast %parallel_loop3A_116 : i32 to index
        %parallel_loop3A_160 = tpu.vector_load %arg12[%parallel_loop3A_158, %parallel_loop3A_159] {strides = array<i32>} : memref<4x4096xf32, #tpu.memory_space<vmem>>, vector<16xf32>,
        tpu.vector_store %arg12[%parallel_loop3A_158, %parallel_loop3A_159], %parallel_loop3A_156 {strides = array<i32>} : memref<4x4096xf32, #tpu.memory_space<vmem>>, vector<16xf32>,
        %parallel_loop3A_161 = arith.constant 1 : i32
        %parallel_loop3A_162 = vector.broadcast %parallel_loop3A_161 : i32 to vector<16xi32>
        %parallel_loop3A_163 = tpu.vector_load_idx %arg10[%parallel_loop3A_162, %parallel_loop3A_123] : memref<4x8192xf32, #tpu.memory_space<vmem>>[vector<16xi32>, vector<16xi32>], vector<16xf32>,
        %parallel_loop3A_164 = tpu.vector_load_idx %arg10[%parallel_loop3A_162, %parallel_loop3A_126] : memref<4x8192xf32, #tpu.memory_space<vmem>>[vector<16xi32>, vector<16xi32>], vector<16xf32>,
        %parallel_loop3A_165 = arith.mulf %parallel_loop3A_146, %parallel_loop3A_164 : vector<16xf32>
        %parallel_loop3A_166 = arith.addf %parallel_loop3A_136, %parallel_loop3A_165 : vector<16xf32>
        %parallel_loop3A_167 = arith.mulf %parallel_loop3A_163, %parallel_loop3A_166 : vector<16xf32>
        %parallel_loop3A_168 = arith.addf %parallel_loop3A_132, %parallel_loop3A_167 : vector<16xf32>
        %parallel_loop3A_169 = arith.mulf %parallel_loop3A_142, %parallel_loop3A_164 : vector<16xf32>
        %parallel_loop3A_170 = arith.addf %parallel_loop3A_168, %parallel_loop3A_169 : vector<16xf32>
        %parallel_loop3A_171 = arith.constant 1 : i32
        %parallel_loop3A_172 = arith.index_cast %parallel_loop3A_171 : i32 to index
        %parallel_loop3A_173 = arith.index_cast %parallel_loop3A_116 : i32 to index
        %parallel_loop3A_174 = tpu.vector_load %arg12[%parallel_loop3A_172, %parallel_loop3A_173] {strides = array<i32>} : memref<4x4096xf32, #tpu.memory_space<vmem>>, vector<16xf32>,
        tpu.vector_store %arg12[%parallel_loop3A_172, %parallel_loop3A_173], %parallel_loop3A_170 {strides = array<i32>} : memref<4x4096xf32, #tpu.memory_space<vmem>>, vector<16xf32>,
        %parallel_loop3A_175 = arith.constant 2 : i32
        %parallel_loop3A_176 = vector.broadcast %parallel_loop3A_175 : i32 to vector<16xi32>
        %parallel_loop3A_177 = tpu.vector_load_idx %arg10[%parallel_loop3A_176, %parallel_loop3A_123] : memref<4x8192xf32, #tpu.memory_space<vmem>>[vector<16xi32>, vector<16xi32>], vector<16xf32>,
        %parallel_loop3A_178 = tpu.vector_load_idx %arg10[%parallel_loop3A_176, %parallel_loop3A_126] : memref<4x8192xf32, #tpu.memory_space<vmem>>[vector<16xi32>, vector<16xi32>], vector<16xf32>,
        %parallel_loop3A_179 = arith.mulf %parallel_loop3A_146, %parallel_loop3A_178 : vector<16xf32>
        %parallel_loop3A_180 = arith.addf %parallel_loop3A_136, %parallel_loop3A_179 : vector<16xf32>
        %parallel_loop3A_181 = arith.mulf %parallel_loop3A_177, %parallel_loop3A_180 : vector<16xf32>
        %parallel_loop3A_182 = arith.addf %parallel_loop3A_132, %parallel_loop3A_181 : vector<16xf32>
        %parallel_loop3A_183 = arith.mulf %parallel_loop3A_142, %parallel_loop3A_178 : vector<16xf32>
        %parallel_loop3A_184 = arith.addf %parallel_loop3A_182, %parallel_loop3A_183 : vector<16xf32>
        %parallel_loop3A_185 = arith.constant 2 : i32
        %parallel_loop3A_186 = arith.index_cast %parallel_loop3A_185 : i32 to index
        %parallel_loop3A_187 = arith.index_cast %parallel_loop3A_116 : i32 to index
        %parallel_loop3A_188 = tpu.vector_load %arg12[%parallel_loop3A_186, %parallel_loop3A_187] {strides = array<i32>} : memref<4x4096xf32, #tpu.memory_space<vmem>>, vector<16xf32>,
        tpu.vector_store %arg12[%parallel_loop3A_186, %parallel_loop3A_187], %parallel_loop3A_184 {strides = array<i32>} : memref<4x4096xf32, #tpu.memory_space<vmem>>, vector<16xf32>,
        %parallel_loop3A_189 = arith.constant 3 : i32
        %parallel_loop3A_190 = vector.broadcast %parallel_loop3A_189 : i32 to vector<16xi32>
        %parallel_loop3A_191 = tpu.vector_load_idx %arg10[%parallel_loop3A_190, %parallel_loop3A_123] : memref<4x8192xf32, #tpu.memory_space<vmem>>[vector<16xi32>, vector<16xi32>], vector<16xf32>,
        %parallel_loop3A_192 = tpu.vector_load_idx %arg10[%parallel_loop3A_190, %parallel_loop3A_126] : memref<4x8192xf32, #tpu.memory_space<vmem>>[vector<16xi32>, vector<16xi32>], vector<16xf32>,
        %parallel_loop3A_193 = arith.mulf %parallel_loop3A_146, %parallel_loop3A_192 : vector<16xf32>
        %parallel_loop3A_194 = arith.addf %parallel_loop3A_136, %parallel_loop3A_193 : vector<16xf32>
        %parallel_loop3A_195 = arith.mulf %parallel_loop3A_191, %parallel_loop3A_194 : vector<16xf32>
        %parallel_loop3A_196 = arith.addf %parallel_loop3A_132, %parallel_loop3A_195 : vector<16xf32>
        %parallel_loop3A_197 = arith.mulf %parallel_loop3A_142, %parallel_loop3A_192 : vector<16xf32>
        %parallel_loop3A_198 = arith.addf %parallel_loop3A_196, %parallel_loop3A_197 : vector<16xf32>
        %parallel_loop3A_199 = arith.constant 3 : i32
        %parallel_loop3A_200 = arith.index_cast %parallel_loop3A_199 : i32 to index
        %parallel_loop3A_201 = arith.index_cast %parallel_loop3A_116 : i32 to index
        %parallel_loop3A_202 = tpu.vector_load %arg12[%parallel_loop3A_200, %parallel_loop3A_201] {strides = array<i32>} : memref<4x4096xf32, #tpu.memory_space<vmem>>, vector<16xf32>,
        tpu.vector_store %arg12[%parallel_loop3A_200, %parallel_loop3A_201], %parallel_loop3A_198 {strides = array<i32>} : memref<4x4096xf32, #tpu.memory_space<vmem>>, vector<16xf32>,
      } {sc.loop_unroll_factor = 2 : i64, sc.parallel_access}
      %mul3A_46 = arith.constant 4 : i32
      %mul3A_47 = arith.muli %add3A_28, %mul3A_46 : i32
      %add3A_48 = arith.addi %mul3A_2, %mul3A_47 : i32
      %dma_start3A_49 = arith.constant 0 : i32
      %dma_start3A_50 = tpu.memref_slice %arg6[%add3A_48, %dma_start3A_49] : memref<4096x8192xf32, #tpu.memory_space<hbm>> -> memref<4x4096xf32, #tpu.memory_space<hbm>>
      %dma_start3A_51 = arith.constant 0 : i32
      %dma_start3A_52 = tpu.memref_slice %arg6[%add3A_48, %dma_start3A_51] : memref<4096x8192xf32, #tpu.memory_space<hbm>> -> memref<4x4096xf32, #tpu.memory_space<hbm>>
      tpu.enqueue_dma source(%arg12 : memref<4x4096xf32, #tpu.memory_space<vmem>>) target(%dma_start3A_52 : memref<4x4096xf32, #tpu.memory_space<hbm>>) target_semaphore(%arg16 : memref<!tpu.dma_semaphore, #tpu.memory_space<semaphore_mem>>)
      %ge3A_53 = arith.constant 1 : i32
      %ge3A_54 = arith.cmpi sge, %add3A_28, %ge3A_53 : i32
      %convert_element_type3A_55 = arith.extui %ge3A_54 : i1 to i32
      %cond3A_56 = arith.constant 0 : i32
      %cond3A_57 = arith.cmpi ne, %convert_element_type3A_55, %cond3A_56 : i32
      scf.if %cond3A_57 {
        %sub3A = arith.constant 1 : i32
        %sub3A_114 = arith.subi %add3A_28, %sub3A : i32
        %mul3A_115 = arith.constant 4 : i32
        %mul3A_116 = arith.muli %sub3A_114, %mul3A_115 : i32
        %add3A_117 = arith.addi %mul3A_2, %mul3A_116 : i32
        %dma_wait3A_118 = arith.constant 4096 : i32
        %dma_wait3A_119 = tpu.memref_slice %arg6[%add3A_117, %dma_wait3A_118] : memref<4096x8192xf32, #tpu.memory_space<hbm>> -> memref<4x4096xf32, #tpu.memory_space<hbm>>
        %dma_wait3A_120 = arith.constant 4096 : i32
        %dma_wait3A_121 = tpu.memref_slice %arg6[%add3A_117, %dma_wait3A_120] : memref<4096x8192xf32, #tpu.memory_space<hbm>> -> memref<4x4096xf32, #tpu.memory_space<hbm>>
        tpu.wait_dma2 semaphore(%arg17 : memref<!tpu.dma_semaphore, #tpu.memory_space<semaphore_mem>>) src(%arg13 : memref<4x4096xf32, #tpu.memory_space<vmem>>) dst(%dma_wait3A_121 : memref<4x4096xf32, #tpu.memory_space<hbm>>)
      } else {
      }
      %parallel_loop3A_58 = arith.constant 0 : i32
      %parallel_loop3A_59 = arith.constant 256 : i32
      %parallel_loop3A_60 = arith.constant 1 : i32
      scf.for %parallel_loop3A_114 = %parallel_loop3A_58 to %parallel_loop3A_59 step %parallel_loop3A_60  : i32 {
        %parallel_loop3A_115 = arith.constant 16 : i32
        %parallel_loop3A_116 = arith.muli %parallel_loop3A_114, %parallel_loop3A_115 : i32
        %parallel_loop3A_117 = arith.constant 4096 : i32
        %parallel_loop3A_118 = arith.addi %parallel_loop3A_117, %parallel_loop3A_116 : i32
        %parallel_loop3A_119 = arith.index_cast %parallel_loop3A_118 : i32 to index
        %parallel_loop3A_120 = tpu.vector_load %arg7[%parallel_loop3A_119] {strides = array<i32>} : memref<8192xi32, #tpu.memory_space<vmem>>, vector<16xi32>,
        %parallel_loop3A_121 = arith.constant 8191 : i32
        %parallel_loop3A_122 = vector.broadcast %parallel_loop3A_121 : i32 to vector<16xi32>
        %parallel_loop3A_123 = arith.andi %parallel_loop3A_120, %parallel_loop3A_122 : vector<16xi32>
        %parallel_loop3A_124 = arith.constant 13 : i32
        %parallel_loop3A_125 = vector.broadcast %parallel_loop3A_124 : i32 to vector<16xi32>
        %parallel_loop3A_126 = arith.shrui %parallel_loop3A_120, %parallel_loop3A_125 : vector<16xi32>
        %parallel_loop3A_127 = arith.index_cast %parallel_loop3A_118 : i32 to index
        %parallel_loop3A_128 = tpu.vector_load %arg8[%parallel_loop3A_127] {strides = array<i32>} : memref<8192xi32, #tpu.memory_space<vmem>>, vector<16xi32>,
        %parallel_loop3A_129 = arith.constant 16 : i32
        %parallel_loop3A_130 = vector.broadcast %parallel_loop3A_129 : i32 to vector<16xi32>
        %parallel_loop3A_131 = arith.shli %parallel_loop3A_128, %parallel_loop3A_130 : vector<16xi32>
        %parallel_loop3A_132 = vector.bitcast %parallel_loop3A_131 : vector<16xi32> to vector<16xf32>
        %parallel_loop3A_133 = arith.constant -65536 : i32
        %parallel_loop3A_134 = vector.broadcast %parallel_loop3A_133 : i32 to vector<16xi32>
        %parallel_loop3A_135 = arith.andi %parallel_loop3A_128, %parallel_loop3A_134 : vector<16xi32>
        %parallel_loop3A_136 = vector.bitcast %parallel_loop3A_135 : vector<16xi32> to vector<16xf32>
        %parallel_loop3A_137 = arith.index_cast %parallel_loop3A_118 : i32 to index
        %parallel_loop3A_138 = tpu.vector_load %arg9[%parallel_loop3A_137] {strides = array<i32>} : memref<8192xi32, #tpu.memory_space<vmem>>, vector<16xi32>,
        %parallel_loop3A_139 = arith.constant 16 : i32
        %parallel_loop3A_140 = vector.broadcast %parallel_loop3A_139 : i32 to vector<16xi32>
        %parallel_loop3A_141 = arith.shli %parallel_loop3A_138, %parallel_loop3A_140 : vector<16xi32>
        %parallel_loop3A_142 = vector.bitcast %parallel_loop3A_141 : vector<16xi32> to vector<16xf32>
        %parallel_loop3A_143 = arith.constant -65536 : i32
        %parallel_loop3A_144 = vector.broadcast %parallel_loop3A_143 : i32 to vector<16xi32>
        %parallel_loop3A_145 = arith.andi %parallel_loop3A_138, %parallel_loop3A_144 : vector<16xi32>
        %parallel_loop3A_146 = vector.bitcast %parallel_loop3A_145 : vector<16xi32> to vector<16xf32>
        %parallel_loop3A_147 = arith.constant 0 : i32
        %parallel_loop3A_148 = vector.broadcast %parallel_loop3A_147 : i32 to vector<16xi32>
        %parallel_loop3A_149 = tpu.vector_load_idx %arg10[%parallel_loop3A_148, %parallel_loop3A_123] : memref<4x8192xf32, #tpu.memory_space<vmem>>[vector<16xi32>, vector<16xi32>], vector<16xf32>,
        %parallel_loop3A_150 = tpu.vector_load_idx %arg10[%parallel_loop3A_148, %parallel_loop3A_126] : memref<4x8192xf32, #tpu.memory_space<vmem>>[vector<16xi32>, vector<16xi32>], vector<16xf32>,
        %parallel_loop3A_151 = arith.mulf %parallel_loop3A_146, %parallel_loop3A_150 : vector<16xf32>
        %parallel_loop3A_152 = arith.addf %parallel_loop3A_136, %parallel_loop3A_151 : vector<16xf32>
        %parallel_loop3A_153 = arith.mulf %parallel_loop3A_149, %parallel_loop3A_152 : vector<16xf32>
        %parallel_loop3A_154 = arith.addf %parallel_loop3A_132, %parallel_loop3A_153 : vector<16xf32>
        %parallel_loop3A_155 = arith.mulf %parallel_loop3A_142, %parallel_loop3A_150 : vector<16xf32>
        %parallel_loop3A_156 = arith.addf %parallel_loop3A_154, %parallel_loop3A_155 : vector<16xf32>
        %parallel_loop3A_157 = arith.constant 0 : i32
        %parallel_loop3A_158 = arith.index_cast %parallel_loop3A_157 : i32 to index
        %parallel_loop3A_159 = arith.index_cast %parallel_loop3A_116 : i32 to index
        %parallel_loop3A_160 = tpu.vector_load %arg13[%parallel_loop3A_158, %parallel_loop3A_159] {strides = array<i32>} : memref<4x4096xf32, #tpu.memory_space<vmem>>, vector<16xf32>,
        tpu.vector_store %arg13[%parallel_loop3A_158, %parallel_loop3A_159], %parallel_loop3A_156 {strides = array<i32>} : memref<4x4096xf32, #tpu.memory_space<vmem>>, vector<16xf32>,
        %parallel_loop3A_161 = arith.constant 1 : i32
        %parallel_loop3A_162 = vector.broadcast %parallel_loop3A_161 : i32 to vector<16xi32>
        %parallel_loop3A_163 = tpu.vector_load_idx %arg10[%parallel_loop3A_162, %parallel_loop3A_123] : memref<4x8192xf32, #tpu.memory_space<vmem>>[vector<16xi32>, vector<16xi32>], vector<16xf32>,
        %parallel_loop3A_164 = tpu.vector_load_idx %arg10[%parallel_loop3A_162, %parallel_loop3A_126] : memref<4x8192xf32, #tpu.memory_space<vmem>>[vector<16xi32>, vector<16xi32>], vector<16xf32>,
        %parallel_loop3A_165 = arith.mulf %parallel_loop3A_146, %parallel_loop3A_164 : vector<16xf32>
        %parallel_loop3A_166 = arith.addf %parallel_loop3A_136, %parallel_loop3A_165 : vector<16xf32>
        %parallel_loop3A_167 = arith.mulf %parallel_loop3A_163, %parallel_loop3A_166 : vector<16xf32>
        %parallel_loop3A_168 = arith.addf %parallel_loop3A_132, %parallel_loop3A_167 : vector<16xf32>
        %parallel_loop3A_169 = arith.mulf %parallel_loop3A_142, %parallel_loop3A_164 : vector<16xf32>
        %parallel_loop3A_170 = arith.addf %parallel_loop3A_168, %parallel_loop3A_169 : vector<16xf32>
        %parallel_loop3A_171 = arith.constant 1 : i32
        %parallel_loop3A_172 = arith.index_cast %parallel_loop3A_171 : i32 to index
        %parallel_loop3A_173 = arith.index_cast %parallel_loop3A_116 : i32 to index
        %parallel_loop3A_174 = tpu.vector_load %arg13[%parallel_loop3A_172, %parallel_loop3A_173] {strides = array<i32>} : memref<4x4096xf32, #tpu.memory_space<vmem>>, vector<16xf32>,
        tpu.vector_store %arg13[%parallel_loop3A_172, %parallel_loop3A_173], %parallel_loop3A_170 {strides = array<i32>} : memref<4x4096xf32, #tpu.memory_space<vmem>>, vector<16xf32>,
        %parallel_loop3A_175 = arith.constant 2 : i32
        %parallel_loop3A_176 = vector.broadcast %parallel_loop3A_175 : i32 to vector<16xi32>
        %parallel_loop3A_177 = tpu.vector_load_idx %arg10[%parallel_loop3A_176, %parallel_loop3A_123] : memref<4x8192xf32, #tpu.memory_space<vmem>>[vector<16xi32>, vector<16xi32>], vector<16xf32>,
        %parallel_loop3A_178 = tpu.vector_load_idx %arg10[%parallel_loop3A_176, %parallel_loop3A_126] : memref<4x8192xf32, #tpu.memory_space<vmem>>[vector<16xi32>, vector<16xi32>], vector<16xf32>,
        %parallel_loop3A_179 = arith.mulf %parallel_loop3A_146, %parallel_loop3A_178 : vector<16xf32>
        %parallel_loop3A_180 = arith.addf %parallel_loop3A_136, %parallel_loop3A_179 : vector<16xf32>
        %parallel_loop3A_181 = arith.mulf %parallel_loop3A_177, %parallel_loop3A_180 : vector<16xf32>
        %parallel_loop3A_182 = arith.addf %parallel_loop3A_132, %parallel_loop3A_181 : vector<16xf32>
        %parallel_loop3A_183 = arith.mulf %parallel_loop3A_142, %parallel_loop3A_178 : vector<16xf32>
        %parallel_loop3A_184 = arith.addf %parallel_loop3A_182, %parallel_loop3A_183 : vector<16xf32>
        %parallel_loop3A_185 = arith.constant 2 : i32
        %parallel_loop3A_186 = arith.index_cast %parallel_loop3A_185 : i32 to index
        %parallel_loop3A_187 = arith.index_cast %parallel_loop3A_116 : i32 to index
        %parallel_loop3A_188 = tpu.vector_load %arg13[%parallel_loop3A_186, %parallel_loop3A_187] {strides = array<i32>} : memref<4x4096xf32, #tpu.memory_space<vmem>>, vector<16xf32>,
        tpu.vector_store %arg13[%parallel_loop3A_186, %parallel_loop3A_187], %parallel_loop3A_184 {strides = array<i32>} : memref<4x4096xf32, #tpu.memory_space<vmem>>, vector<16xf32>,
        %parallel_loop3A_189 = arith.constant 3 : i32
        %parallel_loop3A_190 = vector.broadcast %parallel_loop3A_189 : i32 to vector<16xi32>
        %parallel_loop3A_191 = tpu.vector_load_idx %arg10[%parallel_loop3A_190, %parallel_loop3A_123] : memref<4x8192xf32, #tpu.memory_space<vmem>>[vector<16xi32>, vector<16xi32>], vector<16xf32>,
        %parallel_loop3A_192 = tpu.vector_load_idx %arg10[%parallel_loop3A_190, %parallel_loop3A_126] : memref<4x8192xf32, #tpu.memory_space<vmem>>[vector<16xi32>, vector<16xi32>], vector<16xf32>,
        %parallel_loop3A_193 = arith.mulf %parallel_loop3A_146, %parallel_loop3A_192 : vector<16xf32>
        %parallel_loop3A_194 = arith.addf %parallel_loop3A_136, %parallel_loop3A_193 : vector<16xf32>
        %parallel_loop3A_195 = arith.mulf %parallel_loop3A_191, %parallel_loop3A_194 : vector<16xf32>
        %parallel_loop3A_196 = arith.addf %parallel_loop3A_132, %parallel_loop3A_195 : vector<16xf32>
        %parallel_loop3A_197 = arith.mulf %parallel_loop3A_142, %parallel_loop3A_192 : vector<16xf32>
        %parallel_loop3A_198 = arith.addf %parallel_loop3A_196, %parallel_loop3A_197 : vector<16xf32>
        %parallel_loop3A_199 = arith.constant 3 : i32
        %parallel_loop3A_200 = arith.index_cast %parallel_loop3A_199 : i32 to index
        %parallel_loop3A_201 = arith.index_cast %parallel_loop3A_116 : i32 to index
        %parallel_loop3A_202 = tpu.vector_load %arg13[%parallel_loop3A_200, %parallel_loop3A_201] {strides = array<i32>} : memref<4x4096xf32, #tpu.memory_space<vmem>>, vector<16xf32>,
        tpu.vector_store %arg13[%parallel_loop3A_200, %parallel_loop3A_201], %parallel_loop3A_198 {strides = array<i32>} : memref<4x4096xf32, #tpu.memory_space<vmem>>, vector<16xf32>,
      } {sc.loop_unroll_factor = 2 : i64, sc.parallel_access}
      %mul3A_61 = arith.constant 4 : i32
      %mul3A_62 = arith.muli %add3A_28, %mul3A_61 : i32
      %add3A_63 = arith.addi %mul3A_2, %mul3A_62 : i32
      %dma_start3A_64 = arith.constant 4096 : i32
      %dma_start3A_65 = tpu.memref_slice %arg6[%add3A_63, %dma_start3A_64] : memref<4096x8192xf32, #tpu.memory_space<hbm>> -> memref<4x4096xf32, #tpu.memory_space<hbm>>
      %dma_start3A_66 = arith.constant 4096 : i32
      %dma_start3A_67 = tpu.memref_slice %arg6[%add3A_63, %dma_start3A_66] : memref<4096x8192xf32, #tpu.memory_space<hbm>> -> memref<4x4096xf32, #tpu.memory_space<hbm>>
      tpu.enqueue_dma source(%arg13 : memref<4x4096xf32, #tpu.memory_space<vmem>>) target(%dma_start3A_67 : memref<4x4096xf32, #tpu.memory_space<hbm>>) target_semaphore(%arg17 : memref<!tpu.dma_semaphore, #tpu.memory_space<semaphore_mem>>)
      %add3A_68 = arith.constant 1 : i32
      %add3A_69 = arith.addi %mul3A_26, %add3A_68 : i32
      %mul3A_70 = arith.constant 4 : i32
      %mul3A_71 = arith.muli %add3A_69, %mul3A_70 : i32
      %add3A_72 = arith.addi %mul3A_2, %mul3A_71 : i32
      %dma_wait3A_73 = arith.constant 0 : i32
      %dma_wait3A_74 = tpu.memref_slice %arg2[%add3A_72, %dma_wait3A_73] : memref<4096x8192xf32, #tpu.memory_space<hbm>> -> memref<4x8192xf32, #tpu.memory_space<hbm>>
      %dma_wait3A_75 = arith.constant 0 : i32
      %dma_wait3A_76 = tpu.memref_slice %arg2[%add3A_72, %dma_wait3A_75] : memref<4096x8192xf32, #tpu.memory_space<hbm>> -> memref<4x8192xf32, #tpu.memory_space<hbm>>
      tpu.wait_dma2 semaphore(%arg15 : memref<!tpu.dma_semaphore, #tpu.memory_space<semaphore_mem>>) src(%dma_wait3A_76 : memref<4x8192xf32, #tpu.memory_space<hbm>>) dst(%arg11 : memref<4x8192xf32, #tpu.memory_space<vmem>>)
      %add3A_77 = arith.constant 1 : i32
      %add3A_78 = arith.addi %add3A_69, %add3A_77 : i32
      %lt3A_79 = arith.constant 32 : i32
      %lt3A_80 = arith.cmpi slt, %add3A_78, %lt3A_79 : i32
      %convert_element_type3A_81 = arith.extui %lt3A_80 : i1 to i32
      %cond3A_82 = arith.constant 0 : i32
      %cond3A_83 = arith.cmpi ne, %convert_element_type3A_81, %cond3A_82 : i32
      scf.if %cond3A_83 {
        %add3A_114 = arith.constant 1 : i32
        %add3A_115 = arith.addi %add3A_69, %add3A_114 : i32
        %mul3A_116 = arith.constant 4 : i32
        %mul3A_117 = arith.muli %add3A_115, %mul3A_116 : i32
        %add3A_118 = arith.addi %mul3A_2, %mul3A_117 : i32
        %dma_start3A_119 = arith.constant 0 : i32
        %dma_start3A_120 = tpu.memref_slice %arg2[%add3A_118, %dma_start3A_119] : memref<4096x8192xf32, #tpu.memory_space<hbm>> -> memref<4x8192xf32, #tpu.memory_space<hbm>>
        %dma_start3A_121 = arith.constant 0 : i32
        %dma_start3A_122 = tpu.memref_slice %arg2[%add3A_118, %dma_start3A_121] : memref<4096x8192xf32, #tpu.memory_space<hbm>> -> memref<4x8192xf32, #tpu.memory_space<hbm>>
        tpu.enqueue_dma source(%dma_start3A_122 : memref<4x8192xf32, #tpu.memory_space<hbm>>) target(%arg10 : memref<4x8192xf32, #tpu.memory_space<vmem>>) target_semaphore(%arg14 : memref<!tpu.dma_semaphore, #tpu.memory_space<semaphore_mem>>)
      } else {
      }
      %ge3A_84 = arith.constant 1 : i32
      %ge3A_85 = arith.cmpi sge, %add3A_69, %ge3A_84 : i32
      %convert_element_type3A_86 = arith.extui %ge3A_85 : i1 to i32
      %cond3A_87 = arith.constant 0 : i32
      %cond3A_88 = arith.cmpi ne, %convert_element_type3A_86, %cond3A_87 : i32
      scf.if %cond3A_88 {
        %sub3A = arith.constant 1 : i32
        %sub3A_114 = arith.subi %add3A_69, %sub3A : i32
        %mul3A_115 = arith.constant 4 : i32
        %mul3A_116 = arith.muli %sub3A_114, %mul3A_115 : i32
        %add3A_117 = arith.addi %mul3A_2, %mul3A_116 : i32
        %dma_wait3A_118 = arith.constant 0 : i32
        %dma_wait3A_119 = tpu.memref_slice %arg6[%add3A_117, %dma_wait3A_118] : memref<4096x8192xf32, #tpu.memory_space<hbm>> -> memref<4x4096xf32, #tpu.memory_space<hbm>>
        %dma_wait3A_120 = arith.constant 0 : i32
        %dma_wait3A_121 = tpu.memref_slice %arg6[%add3A_117, %dma_wait3A_120] : memref<4096x8192xf32, #tpu.memory_space<hbm>> -> memref<4x4096xf32, #tpu.memory_space<hbm>>
        tpu.wait_dma2 semaphore(%arg16 : memref<!tpu.dma_semaphore, #tpu.memory_space<semaphore_mem>>) src(%arg12 : memref<4x4096xf32, #tpu.memory_space<vmem>>) dst(%dma_wait3A_121 : memref<4x4096xf32, #tpu.memory_space<hbm>>)
      } else {
      }
      %parallel_loop3A_89 = arith.constant 0 : i32
      %parallel_loop3A_90 = arith.constant 256 : i32
      %parallel_loop3A_91 = arith.constant 1 : i32
      scf.for %parallel_loop3A_114 = %parallel_loop3A_89 to %parallel_loop3A_90 step %parallel_loop3A_91  : i32 {
        %parallel_loop3A_115 = arith.constant 16 : i32
        %parallel_loop3A_116 = arith.muli %parallel_loop3A_114, %parallel_loop3A_115 : i32
        %parallel_loop3A_117 = arith.constant 0 : i32
        %parallel_loop3A_118 = arith.addi %parallel_loop3A_117, %parallel_loop3A_116 : i32
        %parallel_loop3A_119 = arith.index_cast %parallel_loop3A_118 : i32 to index
        %parallel_loop3A_120 = tpu.vector_load %arg7[%parallel_loop3A_119] {strides = array<i32>} : memref<8192xi32, #tpu.memory_space<vmem>>, vector<16xi32>,
        %parallel_loop3A_121 = arith.constant 8191 : i32
        %parallel_loop3A_122 = vector.broadcast %parallel_loop3A_121 : i32 to vector<16xi32>
        %parallel_loop3A_123 = arith.andi %parallel_loop3A_120, %parallel_loop3A_122 : vector<16xi32>
        %parallel_loop3A_124 = arith.constant 13 : i32
        %parallel_loop3A_125 = vector.broadcast %parallel_loop3A_124 : i32 to vector<16xi32>
        %parallel_loop3A_126 = arith.shrui %parallel_loop3A_120, %parallel_loop3A_125 : vector<16xi32>
        %parallel_loop3A_127 = arith.index_cast %parallel_loop3A_118 : i32 to index
        %parallel_loop3A_128 = tpu.vector_load %arg8[%parallel_loop3A_127] {strides = array<i32>} : memref<8192xi32, #tpu.memory_space<vmem>>, vector<16xi32>,
        %parallel_loop3A_129 = arith.constant 16 : i32
        %parallel_loop3A_130 = vector.broadcast %parallel_loop3A_129 : i32 to vector<16xi32>
        %parallel_loop3A_131 = arith.shli %parallel_loop3A_128, %parallel_loop3A_130 : vector<16xi32>
        %parallel_loop3A_132 = vector.bitcast %parallel_loop3A_131 : vector<16xi32> to vector<16xf32>
        %parallel_loop3A_133 = arith.constant -65536 : i32
        %parallel_loop3A_134 = vector.broadcast %parallel_loop3A_133 : i32 to vector<16xi32>
        %parallel_loop3A_135 = arith.andi %parallel_loop3A_128, %parallel_loop3A_134 : vector<16xi32>
        %parallel_loop3A_136 = vector.bitcast %parallel_loop3A_135 : vector<16xi32> to vector<16xf32>
        %parallel_loop3A_137 = arith.index_cast %parallel_loop3A_118 : i32 to index
        %parallel_loop3A_138 = tpu.vector_load %arg9[%parallel_loop3A_137] {strides = array<i32>} : memref<8192xi32, #tpu.memory_space<vmem>>, vector<16xi32>,
        %parallel_loop3A_139 = arith.constant 16 : i32
        %parallel_loop3A_140 = vector.broadcast %parallel_loop3A_139 : i32 to vector<16xi32>
        %parallel_loop3A_141 = arith.shli %parallel_loop3A_138, %parallel_loop3A_140 : vector<16xi32>
        %parallel_loop3A_142 = vector.bitcast %parallel_loop3A_141 : vector<16xi32> to vector<16xf32>
        %parallel_loop3A_143 = arith.constant -65536 : i32
        %parallel_loop3A_144 = vector.broadcast %parallel_loop3A_143 : i32 to vector<16xi32>
        %parallel_loop3A_145 = arith.andi %parallel_loop3A_138, %parallel_loop3A_144 : vector<16xi32>
        %parallel_loop3A_146 = vector.bitcast %parallel_loop3A_145 : vector<16xi32> to vector<16xf32>
        %parallel_loop3A_147 = arith.constant 0 : i32
        %parallel_loop3A_148 = vector.broadcast %parallel_loop3A_147 : i32 to vector<16xi32>
        %parallel_loop3A_149 = tpu.vector_load_idx %arg11[%parallel_loop3A_148, %parallel_loop3A_123] : memref<4x8192xf32, #tpu.memory_space<vmem>>[vector<16xi32>, vector<16xi32>], vector<16xf32>,
        %parallel_loop3A_150 = tpu.vector_load_idx %arg11[%parallel_loop3A_148, %parallel_loop3A_126] : memref<4x8192xf32, #tpu.memory_space<vmem>>[vector<16xi32>, vector<16xi32>], vector<16xf32>,
        %parallel_loop3A_151 = arith.mulf %parallel_loop3A_146, %parallel_loop3A_150 : vector<16xf32>
        %parallel_loop3A_152 = arith.addf %parallel_loop3A_136, %parallel_loop3A_151 : vector<16xf32>
        %parallel_loop3A_153 = arith.mulf %parallel_loop3A_149, %parallel_loop3A_152 : vector<16xf32>
        %parallel_loop3A_154 = arith.addf %parallel_loop3A_132, %parallel_loop3A_153 : vector<16xf32>
        %parallel_loop3A_155 = arith.mulf %parallel_loop3A_142, %parallel_loop3A_150 : vector<16xf32>
        %parallel_loop3A_156 = arith.addf %parallel_loop3A_154, %parallel_loop3A_155 : vector<16xf32>
        %parallel_loop3A_157 = arith.constant 0 : i32
        %parallel_loop3A_158 = arith.index_cast %parallel_loop3A_157 : i32 to index
        %parallel_loop3A_159 = arith.index_cast %parallel_loop3A_116 : i32 to index
        %parallel_loop3A_160 = tpu.vector_load %arg12[%parallel_loop3A_158, %parallel_loop3A_159] {strides = array<i32>} : memref<4x4096xf32, #tpu.memory_space<vmem>>, vector<16xf32>,
        tpu.vector_store %arg12[%parallel_loop3A_158, %parallel_loop3A_159], %parallel_loop3A_156 {strides = array<i32>} : memref<4x4096xf32, #tpu.memory_space<vmem>>, vector<16xf32>,
        %parallel_loop3A_161 = arith.constant 1 : i32
        %parallel_loop3A_162 = vector.broadcast %parallel_loop3A_161 : i32 to vector<16xi32>
        %parallel_loop3A_163 = tpu.vector_load_idx %arg11[%parallel_loop3A_162, %parallel_loop3A_123] : memref<4x8192xf32, #tpu.memory_space<vmem>>[vector<16xi32>, vector<16xi32>], vector<16xf32>,
        %parallel_loop3A_164 = tpu.vector_load_idx %arg11[%parallel_loop3A_162, %parallel_loop3A_126] : memref<4x8192xf32, #tpu.memory_space<vmem>>[vector<16xi32>, vector<16xi32>], vector<16xf32>,
        %parallel_loop3A_165 = arith.mulf %parallel_loop3A_146, %parallel_loop3A_164 : vector<16xf32>
        %parallel_loop3A_166 = arith.addf %parallel_loop3A_136, %parallel_loop3A_165 : vector<16xf32>
        %parallel_loop3A_167 = arith.mulf %parallel_loop3A_163, %parallel_loop3A_166 : vector<16xf32>
        %parallel_loop3A_168 = arith.addf %parallel_loop3A_132, %parallel_loop3A_167 : vector<16xf32>
        %parallel_loop3A_169 = arith.mulf %parallel_loop3A_142, %parallel_loop3A_164 : vector<16xf32>
        %parallel_loop3A_170 = arith.addf %parallel_loop3A_168, %parallel_loop3A_169 : vector<16xf32>
        %parallel_loop3A_171 = arith.constant 1 : i32
        %parallel_loop3A_172 = arith.index_cast %parallel_loop3A_171 : i32 to index
        %parallel_loop3A_173 = arith.index_cast %parallel_loop3A_116 : i32 to index
        %parallel_loop3A_174 = tpu.vector_load %arg12[%parallel_loop3A_172, %parallel_loop3A_173] {strides = array<i32>} : memref<4x4096xf32, #tpu.memory_space<vmem>>, vector<16xf32>,
        tpu.vector_store %arg12[%parallel_loop3A_172, %parallel_loop3A_173], %parallel_loop3A_170 {strides = array<i32>} : memref<4x4096xf32, #tpu.memory_space<vmem>>, vector<16xf32>,
        %parallel_loop3A_175 = arith.constant 2 : i32
        %parallel_loop3A_176 = vector.broadcast %parallel_loop3A_175 : i32 to vector<16xi32>
        %parallel_loop3A_177 = tpu.vector_load_idx %arg11[%parallel_loop3A_176, %parallel_loop3A_123] : memref<4x8192xf32, #tpu.memory_space<vmem>>[vector<16xi32>, vector<16xi32>], vector<16xf32>,
        %parallel_loop3A_178 = tpu.vector_load_idx %arg11[%parallel_loop3A_176, %parallel_loop3A_126] : memref<4x8192xf32, #tpu.memory_space<vmem>>[vector<16xi32>, vector<16xi32>], vector<16xf32>,
        %parallel_loop3A_179 = arith.mulf %parallel_loop3A_146, %parallel_loop3A_178 : vector<16xf32>
        %parallel_loop3A_180 = arith.addf %parallel_loop3A_136, %parallel_loop3A_179 : vector<16xf32>
        %parallel_loop3A_181 = arith.mulf %parallel_loop3A_177, %parallel_loop3A_180 : vector<16xf32>
        %parallel_loop3A_182 = arith.addf %parallel_loop3A_132, %parallel_loop3A_181 : vector<16xf32>
        %parallel_loop3A_183 = arith.mulf %parallel_loop3A_142, %parallel_loop3A_178 : vector<16xf32>
        %parallel_loop3A_184 = arith.addf %parallel_loop3A_182, %parallel_loop3A_183 : vector<16xf32>
        %parallel_loop3A_185 = arith.constant 2 : i32
        %parallel_loop3A_186 = arith.index_cast %parallel_loop3A_185 : i32 to index
        %parallel_loop3A_187 = arith.index_cast %parallel_loop3A_116 : i32 to index
        %parallel_loop3A_188 = tpu.vector_load %arg12[%parallel_loop3A_186, %parallel_loop3A_187] {strides = array<i32>} : memref<4x4096xf32, #tpu.memory_space<vmem>>, vector<16xf32>,
        tpu.vector_store %arg12[%parallel_loop3A_186, %parallel_loop3A_187], %parallel_loop3A_184 {strides = array<i32>} : memref<4x4096xf32, #tpu.memory_space<vmem>>, vector<16xf32>,
        %parallel_loop3A_189 = arith.constant 3 : i32
        %parallel_loop3A_190 = vector.broadcast %parallel_loop3A_189 : i32 to vector<16xi32>
        %parallel_loop3A_191 = tpu.vector_load_idx %arg11[%parallel_loop3A_190, %parallel_loop3A_123] : memref<4x8192xf32, #tpu.memory_space<vmem>>[vector<16xi32>, vector<16xi32>], vector<16xf32>,
        %parallel_loop3A_192 = tpu.vector_load_idx %arg11[%parallel_loop3A_190, %parallel_loop3A_126] : memref<4x8192xf32, #tpu.memory_space<vmem>>[vector<16xi32>, vector<16xi32>], vector<16xf32>,
        %parallel_loop3A_193 = arith.mulf %parallel_loop3A_146, %parallel_loop3A_192 : vector<16xf32>
        %parallel_loop3A_194 = arith.addf %parallel_loop3A_136, %parallel_loop3A_193 : vector<16xf32>
        %parallel_loop3A_195 = arith.mulf %parallel_loop3A_191, %parallel_loop3A_194 : vector<16xf32>
        %parallel_loop3A_196 = arith.addf %parallel_loop3A_132, %parallel_loop3A_195 : vector<16xf32>
        %parallel_loop3A_197 = arith.mulf %parallel_loop3A_142, %parallel_loop3A_192 : vector<16xf32>
        %parallel_loop3A_198 = arith.addf %parallel_loop3A_196, %parallel_loop3A_197 : vector<16xf32>
        %parallel_loop3A_199 = arith.constant 3 : i32
        %parallel_loop3A_200 = arith.index_cast %parallel_loop3A_199 : i32 to index
        %parallel_loop3A_201 = arith.index_cast %parallel_loop3A_116 : i32 to index
        %parallel_loop3A_202 = tpu.vector_load %arg12[%parallel_loop3A_200, %parallel_loop3A_201] {strides = array<i32>} : memref<4x4096xf32, #tpu.memory_space<vmem>>, vector<16xf32>,
        tpu.vector_store %arg12[%parallel_loop3A_200, %parallel_loop3A_201], %parallel_loop3A_198 {strides = array<i32>} : memref<4x4096xf32, #tpu.memory_space<vmem>>, vector<16xf32>,
      } {sc.loop_unroll_factor = 2 : i64, sc.parallel_access}
      %mul3A_92 = arith.constant 4 : i32
      %mul3A_93 = arith.muli %add3A_69, %mul3A_92 : i32
      %add3A_94 = arith.addi %mul3A_2, %mul3A_93 : i32
      %dma_start3A_95 = arith.constant 0 : i32
      %dma_start3A_96 = tpu.memref_slice %arg6[%add3A_94, %dma_start3A_95] : memref<4096x8192xf32, #tpu.memory_space<hbm>> -> memref<4x4096xf32, #tpu.memory_space<hbm>>
      %dma_start3A_97 = arith.constant 0 : i32
      %dma_start3A_98 = tpu.memref_slice %arg6[%add3A_94, %dma_start3A_97] : memref<4096x8192xf32, #tpu.memory_space<hbm>> -> memref<4x4096xf32, #tpu.memory_space<hbm>>
      tpu.enqueue_dma source(%arg12 : memref<4x4096xf32, #tpu.memory_space<vmem>>) target(%dma_start3A_98 : memref<4x4096xf32, #tpu.memory_space<hbm>>) target_semaphore(%arg16 : memref<!tpu.dma_semaphore, #tpu.memory_space<semaphore_mem>>)
      %ge3A_99 = arith.constant 1 : i32
      %ge3A_100 = arith.cmpi sge, %add3A_69, %ge3A_99 : i32
      %convert_element_type3A_101 = arith.extui %ge3A_100 : i1 to i32
      %cond3A_102 = arith.constant 0 : i32
      %cond3A_103 = arith.cmpi ne, %convert_element_type3A_101, %cond3A_102 : i32
      scf.if %cond3A_103 {
        %sub3A = arith.constant 1 : i32
        %sub3A_114 = arith.subi %add3A_69, %sub3A : i32
        %mul3A_115 = arith.constant 4 : i32
        %mul3A_116 = arith.muli %sub3A_114, %mul3A_115 : i32
        %add3A_117 = arith.addi %mul3A_2, %mul3A_116 : i32
        %dma_wait3A_118 = arith.constant 4096 : i32
        %dma_wait3A_119 = tpu.memref_slice %arg6[%add3A_117, %dma_wait3A_118] : memref<4096x8192xf32, #tpu.memory_space<hbm>> -> memref<4x4096xf32, #tpu.memory_space<hbm>>
        %dma_wait3A_120 = arith.constant 4096 : i32
        %dma_wait3A_121 = tpu.memref_slice %arg6[%add3A_117, %dma_wait3A_120] : memref<4096x8192xf32, #tpu.memory_space<hbm>> -> memref<4x4096xf32, #tpu.memory_space<hbm>>
        tpu.wait_dma2 semaphore(%arg17 : memref<!tpu.dma_semaphore, #tpu.memory_space<semaphore_mem>>) src(%arg13 : memref<4x4096xf32, #tpu.memory_space<vmem>>) dst(%dma_wait3A_121 : memref<4x4096xf32, #tpu.memory_space<hbm>>)
      } else {
      }
      %parallel_loop3A_104 = arith.constant 0 : i32
      %parallel_loop3A_105 = arith.constant 256 : i32
      %parallel_loop3A_106 = arith.constant 1 : i32
      scf.for %parallel_loop3A_114 = %parallel_loop3A_104 to %parallel_loop3A_105 step %parallel_loop3A_106  : i32 {
        %parallel_loop3A_115 = arith.constant 16 : i32
        %parallel_loop3A_116 = arith.muli %parallel_loop3A_114, %parallel_loop3A_115 : i32
        %parallel_loop3A_117 = arith.constant 4096 : i32
        %parallel_loop3A_118 = arith.addi %parallel_loop3A_117, %parallel_loop3A_116 : i32
        %parallel_loop3A_119 = arith.index_cast %parallel_loop3A_118 : i32 to index
        %parallel_loop3A_120 = tpu.vector_load %arg7[%parallel_loop3A_119] {strides = array<i32>} : memref<8192xi32, #tpu.memory_space<vmem>>, vector<16xi32>,
        %parallel_loop3A_121 = arith.constant 8191 : i32
        %parallel_loop3A_122 = vector.broadcast %parallel_loop3A_121 : i32 to vector<16xi32>
        %parallel_loop3A_123 = arith.andi %parallel_loop3A_120, %parallel_loop3A_122 : vector<16xi32>
        %parallel_loop3A_124 = arith.constant 13 : i32
        %parallel_loop3A_125 = vector.broadcast %parallel_loop3A_124 : i32 to vector<16xi32>
        %parallel_loop3A_126 = arith.shrui %parallel_loop3A_120, %parallel_loop3A_125 : vector<16xi32>
        %parallel_loop3A_127 = arith.index_cast %parallel_loop3A_118 : i32 to index
        %parallel_loop3A_128 = tpu.vector_load %arg8[%parallel_loop3A_127] {strides = array<i32>} : memref<8192xi32, #tpu.memory_space<vmem>>, vector<16xi32>,
        %parallel_loop3A_129 = arith.constant 16 : i32
        %parallel_loop3A_130 = vector.broadcast %parallel_loop3A_129 : i32 to vector<16xi32>
        %parallel_loop3A_131 = arith.shli %parallel_loop3A_128, %parallel_loop3A_130 : vector<16xi32>
        %parallel_loop3A_132 = vector.bitcast %parallel_loop3A_131 : vector<16xi32> to vector<16xf32>
        %parallel_loop3A_133 = arith.constant -65536 : i32
        %parallel_loop3A_134 = vector.broadcast %parallel_loop3A_133 : i32 to vector<16xi32>
        %parallel_loop3A_135 = arith.andi %parallel_loop3A_128, %parallel_loop3A_134 : vector<16xi32>
        %parallel_loop3A_136 = vector.bitcast %parallel_loop3A_135 : vector<16xi32> to vector<16xf32>
        %parallel_loop3A_137 = arith.index_cast %parallel_loop3A_118 : i32 to index
        %parallel_loop3A_138 = tpu.vector_load %arg9[%parallel_loop3A_137] {strides = array<i32>} : memref<8192xi32, #tpu.memory_space<vmem>>, vector<16xi32>,
        %parallel_loop3A_139 = arith.constant 16 : i32
        %parallel_loop3A_140 = vector.broadcast %parallel_loop3A_139 : i32 to vector<16xi32>
        %parallel_loop3A_141 = arith.shli %parallel_loop3A_138, %parallel_loop3A_140 : vector<16xi32>
        %parallel_loop3A_142 = vector.bitcast %parallel_loop3A_141 : vector<16xi32> to vector<16xf32>
        %parallel_loop3A_143 = arith.constant -65536 : i32
        %parallel_loop3A_144 = vector.broadcast %parallel_loop3A_143 : i32 to vector<16xi32>
        %parallel_loop3A_145 = arith.andi %parallel_loop3A_138, %parallel_loop3A_144 : vector<16xi32>
        %parallel_loop3A_146 = vector.bitcast %parallel_loop3A_145 : vector<16xi32> to vector<16xf32>
        %parallel_loop3A_147 = arith.constant 0 : i32
        %parallel_loop3A_148 = vector.broadcast %parallel_loop3A_147 : i32 to vector<16xi32>
        %parallel_loop3A_149 = tpu.vector_load_idx %arg11[%parallel_loop3A_148, %parallel_loop3A_123] : memref<4x8192xf32, #tpu.memory_space<vmem>>[vector<16xi32>, vector<16xi32>], vector<16xf32>,
        %parallel_loop3A_150 = tpu.vector_load_idx %arg11[%parallel_loop3A_148, %parallel_loop3A_126] : memref<4x8192xf32, #tpu.memory_space<vmem>>[vector<16xi32>, vector<16xi32>], vector<16xf32>,
        %parallel_loop3A_151 = arith.mulf %parallel_loop3A_146, %parallel_loop3A_150 : vector<16xf32>
        %parallel_loop3A_152 = arith.addf %parallel_loop3A_136, %parallel_loop3A_151 : vector<16xf32>
        %parallel_loop3A_153 = arith.mulf %parallel_loop3A_149, %parallel_loop3A_152 : vector<16xf32>
        %parallel_loop3A_154 = arith.addf %parallel_loop3A_132, %parallel_loop3A_153 : vector<16xf32>
        %parallel_loop3A_155 = arith.mulf %parallel_loop3A_142, %parallel_loop3A_150 : vector<16xf32>
        %parallel_loop3A_156 = arith.addf %parallel_loop3A_154, %parallel_loop3A_155 : vector<16xf32>
        %parallel_loop3A_157 = arith.constant 0 : i32
        %parallel_loop3A_158 = arith.index_cast %parallel_loop3A_157 : i32 to index
        %parallel_loop3A_159 = arith.index_cast %parallel_loop3A_116 : i32 to index
        %parallel_loop3A_160 = tpu.vector_load %arg13[%parallel_loop3A_158, %parallel_loop3A_159] {strides = array<i32>} : memref<4x4096xf32, #tpu.memory_space<vmem>>, vector<16xf32>,
        tpu.vector_store %arg13[%parallel_loop3A_158, %parallel_loop3A_159], %parallel_loop3A_156 {strides = array<i32>} : memref<4x4096xf32, #tpu.memory_space<vmem>>, vector<16xf32>,
        %parallel_loop3A_161 = arith.constant 1 : i32
        %parallel_loop3A_162 = vector.broadcast %parallel_loop3A_161 : i32 to vector<16xi32>
        %parallel_loop3A_163 = tpu.vector_load_idx %arg11[%parallel_loop3A_162, %parallel_loop3A_123] : memref<4x8192xf32, #tpu.memory_space<vmem>>[vector<16xi32>, vector<16xi32>], vector<16xf32>,
        %parallel_loop3A_164 = tpu.vector_load_idx %arg11[%parallel_loop3A_162, %parallel_loop3A_126] : memref<4x8192xf32, #tpu.memory_space<vmem>>[vector<16xi32>, vector<16xi32>], vector<16xf32>,
        %parallel_loop3A_165 = arith.mulf %parallel_loop3A_146, %parallel_loop3A_164 : vector<16xf32>
        %parallel_loop3A_166 = arith.addf %parallel_loop3A_136, %parallel_loop3A_165 : vector<16xf32>
        %parallel_loop3A_167 = arith.mulf %parallel_loop3A_163, %parallel_loop3A_166 : vector<16xf32>
        %parallel_loop3A_168 = arith.addf %parallel_loop3A_132, %parallel_loop3A_167 : vector<16xf32>
        %parallel_loop3A_169 = arith.mulf %parallel_loop3A_142, %parallel_loop3A_164 : vector<16xf32>
        %parallel_loop3A_170 = arith.addf %parallel_loop3A_168, %parallel_loop3A_169 : vector<16xf32>
        %parallel_loop3A_171 = arith.constant 1 : i32
        %parallel_loop3A_172 = arith.index_cast %parallel_loop3A_171 : i32 to index
        %parallel_loop3A_173 = arith.index_cast %parallel_loop3A_116 : i32 to index
        %parallel_loop3A_174 = tpu.vector_load %arg13[%parallel_loop3A_172, %parallel_loop3A_173] {strides = array<i32>} : memref<4x4096xf32, #tpu.memory_space<vmem>>, vector<16xf32>,
        tpu.vector_store %arg13[%parallel_loop3A_172, %parallel_loop3A_173], %parallel_loop3A_170 {strides = array<i32>} : memref<4x4096xf32, #tpu.memory_space<vmem>>, vector<16xf32>,
        %parallel_loop3A_175 = arith.constant 2 : i32
        %parallel_loop3A_176 = vector.broadcast %parallel_loop3A_175 : i32 to vector<16xi32>
        %parallel_loop3A_177 = tpu.vector_load_idx %arg11[%parallel_loop3A_176, %parallel_loop3A_123] : memref<4x8192xf32, #tpu.memory_space<vmem>>[vector<16xi32>, vector<16xi32>], vector<16xf32>,
        %parallel_loop3A_178 = tpu.vector_load_idx %arg11[%parallel_loop3A_176, %parallel_loop3A_126] : memref<4x8192xf32, #tpu.memory_space<vmem>>[vector<16xi32>, vector<16xi32>], vector<16xf32>,
        %parallel_loop3A_179 = arith.mulf %parallel_loop3A_146, %parallel_loop3A_178 : vector<16xf32>
        %parallel_loop3A_180 = arith.addf %parallel_loop3A_136, %parallel_loop3A_179 : vector<16xf32>
        %parallel_loop3A_181 = arith.mulf %parallel_loop3A_177, %parallel_loop3A_180 : vector<16xf32>
        %parallel_loop3A_182 = arith.addf %parallel_loop3A_132, %parallel_loop3A_181 : vector<16xf32>
        %parallel_loop3A_183 = arith.mulf %parallel_loop3A_142, %parallel_loop3A_178 : vector<16xf32>
        %parallel_loop3A_184 = arith.addf %parallel_loop3A_182, %parallel_loop3A_183 : vector<16xf32>
        %parallel_loop3A_185 = arith.constant 2 : i32
        %parallel_loop3A_186 = arith.index_cast %parallel_loop3A_185 : i32 to index
        %parallel_loop3A_187 = arith.index_cast %parallel_loop3A_116 : i32 to index
        %parallel_loop3A_188 = tpu.vector_load %arg13[%parallel_loop3A_186, %parallel_loop3A_187] {strides = array<i32>} : memref<4x4096xf32, #tpu.memory_space<vmem>>, vector<16xf32>,
        tpu.vector_store %arg13[%parallel_loop3A_186, %parallel_loop3A_187], %parallel_loop3A_184 {strides = array<i32>} : memref<4x4096xf32, #tpu.memory_space<vmem>>, vector<16xf32>,
        %parallel_loop3A_189 = arith.constant 3 : i32
        %parallel_loop3A_190 = vector.broadcast %parallel_loop3A_189 : i32 to vector<16xi32>
        %parallel_loop3A_191 = tpu.vector_load_idx %arg11[%parallel_loop3A_190, %parallel_loop3A_123] : memref<4x8192xf32, #tpu.memory_space<vmem>>[vector<16xi32>, vector<16xi32>], vector<16xf32>,
        %parallel_loop3A_192 = tpu.vector_load_idx %arg11[%parallel_loop3A_190, %parallel_loop3A_126] : memref<4x8192xf32, #tpu.memory_space<vmem>>[vector<16xi32>, vector<16xi32>], vector<16xf32>,
        %parallel_loop3A_193 = arith.mulf %parallel_loop3A_146, %parallel_loop3A_192 : vector<16xf32>
        %parallel_loop3A_194 = arith.addf %parallel_loop3A_136, %parallel_loop3A_193 : vector<16xf32>
        %parallel_loop3A_195 = arith.mulf %parallel_loop3A_191, %parallel_loop3A_194 : vector<16xf32>
        %parallel_loop3A_196 = arith.addf %parallel_loop3A_132, %parallel_loop3A_195 : vector<16xf32>
        %parallel_loop3A_197 = arith.mulf %parallel_loop3A_142, %parallel_loop3A_192 : vector<16xf32>
        %parallel_loop3A_198 = arith.addf %parallel_loop3A_196, %parallel_loop3A_197 : vector<16xf32>
        %parallel_loop3A_199 = arith.constant 3 : i32
        %parallel_loop3A_200 = arith.index_cast %parallel_loop3A_199 : i32 to index
        %parallel_loop3A_201 = arith.index_cast %parallel_loop3A_116 : i32 to index
        %parallel_loop3A_202 = tpu.vector_load %arg13[%parallel_loop3A_200, %parallel_loop3A_201] {strides = array<i32>} : memref<4x4096xf32, #tpu.memory_space<vmem>>, vector<16xf32>,
        tpu.vector_store %arg13[%parallel_loop3A_200, %parallel_loop3A_201], %parallel_loop3A_198 {strides = array<i32>} : memref<4x4096xf32, #tpu.memory_space<vmem>>, vector<16xf32>,
      } {sc.loop_unroll_factor = 2 : i64, sc.parallel_access}
      %mul3A_107 = arith.constant 4 : i32
      %mul3A_108 = arith.muli %add3A_69, %mul3A_107 : i32
      %add3A_109 = arith.addi %mul3A_2, %mul3A_108 : i32
      %dma_start3A_110 = arith.constant 4096 : i32
      %dma_start3A_111 = tpu.memref_slice %arg6[%add3A_109, %dma_start3A_110] : memref<4096x8192xf32, #tpu.memory_space<hbm>> -> memref<4x4096xf32, #tpu.memory_space<hbm>>
      %dma_start3A_112 = arith.constant 4096 : i32
      %dma_start3A_113 = tpu.memref_slice %arg6[%add3A_109, %dma_start3A_112] : memref<4096x8192xf32, #tpu.memory_space<hbm>> -> memref<4x4096xf32, #tpu.memory_space<hbm>>
      tpu.enqueue_dma source(%arg13 : memref<4x4096xf32, #tpu.memory_space<vmem>>) target(%dma_start3A_113 : memref<4x4096xf32, #tpu.memory_space<hbm>>) target_semaphore(%arg17 : memref<!tpu.dma_semaphore, #tpu.memory_space<semaphore_mem>>)
    }
    %scan3A_12 = arith.constant 16 : i32
    %add3A_13 = arith.constant 124 : i32
    %add3A_14 = arith.addi %mul3A_2, %add3A_13 : i32
    %dma_wait3A = arith.constant 0 : i32
    %dma_wait3A_15 = tpu.memref_slice %arg6[%add3A_14, %dma_wait3A] : memref<4096x8192xf32, #tpu.memory_space<hbm>> -> memref<4x4096xf32, #tpu.memory_space<hbm>>
    %dma_wait3A_16 = arith.constant 0 : i32
    %dma_wait3A_17 = tpu.memref_slice %arg6[%add3A_14, %dma_wait3A_16] : memref<4096x8192xf32, #tpu.memory_space<hbm>> -> memref<4x4096xf32, #tpu.memory_space<hbm>>
    tpu.wait_dma2 semaphore(%arg16 : memref<!tpu.dma_semaphore, #tpu.memory_space<semaphore_mem>>) src(%arg12 : memref<4x4096xf32, #tpu.memory_space<vmem>>) dst(%dma_wait3A_17 : memref<4x4096xf32, #tpu.memory_space<hbm>>)
    %add3A_18 = arith.constant 124 : i32
    %add3A_19 = arith.addi %mul3A_2, %add3A_18 : i32
    %dma_wait3A_20 = arith.constant 4096 : i32
    %dma_wait3A_21 = tpu.memref_slice %arg6[%add3A_19, %dma_wait3A_20] : memref<4096x8192xf32, #tpu.memory_space<hbm>> -> memref<4x4096xf32, #tpu.memory_space<hbm>>
    %dma_wait3A_22 = arith.constant 4096 : i32
    %dma_wait3A_23 = tpu.memref_slice %arg6[%add3A_19, %dma_wait3A_22] : memref<4096x8192xf32, #tpu.memory_space<hbm>> -> memref<4x4096xf32, #tpu.memory_space<hbm>>
    tpu.wait_dma2 semaphore(%arg17 : memref<!tpu.dma_semaphore, #tpu.memory_space<semaphore_mem>>) src(%arg13 : memref<4x4096xf32, #tpu.memory_space<vmem>>) dst(%dma_wait3A_23 : memref<4x4096xf32, #tpu.memory_space<hbm>>)
    return
  }
}

module attributes {stable_mosaic.version = 14 : i64} {
  func.func @_prep_body(%arg0: memref<14x8192xf32, #tpu.memory_space<vmem>>, %arg1: memref<1x8192xi32, #tpu.memory_space<vmem>>, %arg2: memref<1x8192xi32, #tpu.memory_space<vmem>>, %arg3: memref<1x8192xi32, #tpu.memory_space<vmem>>, %arg4: memref<1x8192xi32, #tpu.memory_space<vmem>>, %arg5: memref<1x8192xi32, #tpu.memory_space<vmem>>) attributes {dimension_semantics = [], scalar_prefetch = 0 : i64, scratch_operands = 0 : i64, tpu.core_type = #tpu.core_type<tc>} {
    %get3A = arith.constant 0 : index
    %get3A_0 = arith.constant 0 : index
    %get3A_1 = vector.load %arg0[%get3A, %get3A_0] : memref<14x8192xf32, #tpu.memory_space<vmem>>, vector<14x8192xf32>
    %reduce_max3A = arith.constant dense<0xFF800000> : vector<8192xf32>
    %reduce_max3A_2 = vector.multi_reduction <maximumf>, %get3A_1, %reduce_max3A [0] : vector<14x8192xf32> to vector<8192xf32>
    %broadcast_in_dim3A = vector.shape_cast %reduce_max3A_2 : vector<8192xf32> to vector<1x8192xf32>
    %sub3A = vector.broadcast %broadcast_in_dim3A : vector<1x8192xf32> to vector<14x8192xf32>
    %sub3A_3 = arith.subf %get3A_1, %sub3A : vector<14x8192xf32>
    %exp3A = math.exp %sub3A_3 : vector<14x8192xf32>
    %reduce_sum3A = arith.constant dense<0.000000e+00> : vector<8192xf32>
    %reduce_sum3A_4 = vector.multi_reduction <add>, %exp3A, %reduce_sum3A [0] : vector<14x8192xf32> to vector<8192xf32>
    %broadcast_in_dim3A_5 = vector.shape_cast %reduce_sum3A_4 : vector<8192xf32> to vector<1x8192xf32>
    %div3A = vector.broadcast %broadcast_in_dim3A_5 : vector<1x8192xf32> to vector<14x8192xf32>
    %div3A_6 = arith.divf %exp3A, %div3A : vector<14x8192xf32>
    %slice3A = vector.extract_strided_slice %div3A_6 {offsets = [0, 0], sizes = [1, 8192], strides = [1, 1]} : vector<14x8192xf32> to vector<1x8192xf32>
    %slice3A_7 = vector.extract_strided_slice %div3A_6 {offsets = [1, 0], sizes = [1, 8192], strides = [1, 1]} : vector<14x8192xf32> to vector<1x8192xf32>
    %slice3A_8 = vector.extract_strided_slice %div3A_6 {offsets = [2, 0], sizes = [1, 8192], strides = [1, 1]} : vector<14x8192xf32> to vector<1x8192xf32>
    %slice3A_9 = vector.extract_strided_slice %div3A_6 {offsets = [3, 0], sizes = [1, 8192], strides = [1, 1]} : vector<14x8192xf32> to vector<1x8192xf32>
    %slice3A_10 = vector.extract_strided_slice %div3A_6 {offsets = [4, 0], sizes = [1, 8192], strides = [1, 1]} : vector<14x8192xf32> to vector<1x8192xf32>
    %slice3A_11 = vector.extract_strided_slice %div3A_6 {offsets = [5, 0], sizes = [1, 8192], strides = [1, 1]} : vector<14x8192xf32> to vector<1x8192xf32>
    %slice3A_12 = vector.extract_strided_slice %div3A_6 {offsets = [6, 0], sizes = [1, 8192], strides = [1, 1]} : vector<14x8192xf32> to vector<1x8192xf32>
    %slice3A_13 = vector.extract_strided_slice %div3A_6 {offsets = [7, 0], sizes = [1, 8192], strides = [1, 1]} : vector<14x8192xf32> to vector<1x8192xf32>
    %slice3A_14 = vector.extract_strided_slice %div3A_6 {offsets = [8, 0], sizes = [1, 8192], strides = [1, 1]} : vector<14x8192xf32> to vector<1x8192xf32>
    %slice3A_15 = vector.extract_strided_slice %div3A_6 {offsets = [9, 0], sizes = [1, 8192], strides = [1, 1]} : vector<14x8192xf32> to vector<1x8192xf32>
    %slice3A_16 = vector.extract_strided_slice %div3A_6 {offsets = [10, 0], sizes = [1, 8192], strides = [1, 1]} : vector<14x8192xf32> to vector<1x8192xf32>
    %slice3A_17 = vector.extract_strided_slice %div3A_6 {offsets = [11, 0], sizes = [1, 8192], strides = [1, 1]} : vector<14x8192xf32> to vector<1x8192xf32>
    %slice3A_18 = vector.extract_strided_slice %div3A_6 {offsets = [12, 0], sizes = [1, 8192], strides = [1, 1]} : vector<14x8192xf32> to vector<1x8192xf32>
    %slice3A_19 = vector.extract_strided_slice %div3A_6 {offsets = [13, 0], sizes = [1, 8192], strides = [1, 1]} : vector<14x8192xf32> to vector<1x8192xf32>
    %add3A = arith.addf %slice3A_13, %slice3A_14 : vector<1x8192xf32>
    %add3A_20 = arith.addf %add3A, %slice3A_15 : vector<1x8192xf32>
    %add3A_21 = arith.addf %add3A_20, %slice3A_16 : vector<1x8192xf32>
    %add3A_22 = arith.addf %add3A_21, %slice3A_17 : vector<1x8192xf32>
    %add3A_23 = arith.addf %add3A_22, %slice3A_18 : vector<1x8192xf32>
    %add3A_24 = arith.addf %add3A_23, %slice3A_19 : vector<1x8192xf32>
    %add3A_25 = arith.addf %slice3A_7, %slice3A_8 : vector<1x8192xf32>
    %add3A_26 = arith.addf %add3A_25, %slice3A_11 : vector<1x8192xf32>
    %add3A_27 = arith.addf %add3A_26, %slice3A_12 : vector<1x8192xf32>
    %sub3A_28 = arith.subf %add3A_27, %slice3A_13 : vector<1x8192xf32>
    %sub3A_29 = arith.subf %sub3A_28, %slice3A_14 : vector<1x8192xf32>
    %sub3A_30 = arith.subf %sub3A_29, %slice3A_17 : vector<1x8192xf32>
    %sub3A_31 = arith.subf %sub3A_30, %slice3A_18 : vector<1x8192xf32>
    %add3A_32 = arith.addf %slice3A_9, %slice3A_10 : vector<1x8192xf32>
    %add3A_33 = arith.addf %add3A_32, %slice3A_11 : vector<1x8192xf32>
    %add3A_34 = arith.addf %add3A_33, %slice3A_12 : vector<1x8192xf32>
    %sub3A_35 = arith.subf %add3A_34, %slice3A_13 : vector<1x8192xf32>
    %sub3A_36 = arith.subf %sub3A_35, %slice3A_14 : vector<1x8192xf32>
    %sub3A_37 = arith.subf %sub3A_36, %slice3A_15 : vector<1x8192xf32>
    %sub3A_38 = arith.subf %sub3A_37, %slice3A_16 : vector<1x8192xf32>
    %sub3A_39 = arith.subf %slice3A, %slice3A_7 : vector<1x8192xf32>
    %sub3A_40 = arith.subf %sub3A_39, %slice3A_9 : vector<1x8192xf32>
    %mul3A = arith.constant 2.000000e+00 : f32
    %mul3A_41 = vector.broadcast %mul3A : f32 to vector<1x8192xf32>
    %mul3A_42 = arith.mulf %mul3A_41, %slice3A_11 : vector<1x8192xf32>
    %sub3A_43 = arith.subf %sub3A_40, %mul3A_42 : vector<1x8192xf32>
    %sub3A_44 = arith.subf %sub3A_43, %slice3A_12 : vector<1x8192xf32>
    %add3A_45 = arith.addf %sub3A_44, %slice3A_13 : vector<1x8192xf32>
    %mul3A_46 = arith.constant 2.000000e+00 : f32
    %mul3A_47 = vector.broadcast %mul3A_46 : f32 to vector<1x8192xf32>
    %mul3A_48 = arith.mulf %mul3A_47, %slice3A_14 : vector<1x8192xf32>
    %add3A_49 = arith.addf %add3A_45, %mul3A_48 : vector<1x8192xf32>
    %add3A_50 = arith.addf %add3A_49, %slice3A_16 : vector<1x8192xf32>
    %add3A_51 = arith.addf %add3A_50, %slice3A_18 : vector<1x8192xf32>
    %sub3A_52 = arith.subf %add3A_51, %slice3A_19 : vector<1x8192xf32>
    %bitcast_convert_type3A = tpu.bitcast %add3A_24 : vector<1x8192xf32> -> vector<1x8192xi32>
    %add3A_53 = arith.constant 32768 : i32
    %add3A_54 = vector.broadcast %add3A_53 : i32 to vector<1x8192xi32>
    %add3A_55 = arith.addi %bitcast_convert_type3A, %add3A_54 : vector<1x8192xi32>
    %shift_right_arithmetic3A = arith.constant 16 : i32
    %shift_right_arithmetic3A_56 = vector.broadcast %shift_right_arithmetic3A : i32 to vector<1x8192xi32>
    %shift_right_arithmetic3A_57 = arith.shrsi %add3A_55, %shift_right_arithmetic3A_56 : vector<1x8192xi32>
    %and3A = arith.constant 65535 : i32
    %and3A_58 = vector.broadcast %and3A : i32 to vector<1x8192xi32>
    %and3A_59 = arith.andi %shift_right_arithmetic3A_57, %and3A_58 : vector<1x8192xi32>
    %bitcast_convert_type3A_60 = tpu.bitcast %sub3A_31 : vector<1x8192xf32> -> vector<1x8192xi32>
    %add3A_61 = arith.constant 32768 : i32
    %add3A_62 = vector.broadcast %add3A_61 : i32 to vector<1x8192xi32>
    %add3A_63 = arith.addi %bitcast_convert_type3A_60, %add3A_62 : vector<1x8192xi32>
    %and3A_64 = arith.constant -65536 : i32
    %and3A_65 = vector.broadcast %and3A_64 : i32 to vector<1x8192xi32>
    %and3A_66 = arith.andi %add3A_63, %and3A_65 : vector<1x8192xi32>
    %or3A = arith.ori %and3A_59, %and3A_66 : vector<1x8192xi32>
    %swap3A = arith.constant 0 : index
    %swap3A_67 = arith.constant 0 : index
    %swap3A_68 = vector.load %arg3[%swap3A, %swap3A_67] : memref<1x8192xi32, #tpu.memory_space<vmem>>, vector<1x8192xi32>
    tpu.vector_store %arg3[%swap3A, %swap3A_67], %or3A {strides = array<i32>} : memref<1x8192xi32, #tpu.memory_space<vmem>>, vector<1x8192xi32>,
    %bitcast_convert_type3A_69 = tpu.bitcast %sub3A_38 : vector<1x8192xf32> -> vector<1x8192xi32>
    %add3A_70 = arith.constant 32768 : i32
    %add3A_71 = vector.broadcast %add3A_70 : i32 to vector<1x8192xi32>
    %add3A_72 = arith.addi %bitcast_convert_type3A_69, %add3A_71 : vector<1x8192xi32>
    %shift_right_arithmetic3A_73 = arith.constant 16 : i32
    %shift_right_arithmetic3A_74 = vector.broadcast %shift_right_arithmetic3A_73 : i32 to vector<1x8192xi32>
    %shift_right_arithmetic3A_75 = arith.shrsi %add3A_72, %shift_right_arithmetic3A_74 : vector<1x8192xi32>
    %and3A_76 = arith.constant 65535 : i32
    %and3A_77 = vector.broadcast %and3A_76 : i32 to vector<1x8192xi32>
    %and3A_78 = arith.andi %shift_right_arithmetic3A_75, %and3A_77 : vector<1x8192xi32>
    %bitcast_convert_type3A_79 = tpu.bitcast %sub3A_52 : vector<1x8192xf32> -> vector<1x8192xi32>
    %add3A_80 = arith.constant 32768 : i32
    %add3A_81 = vector.broadcast %add3A_80 : i32 to vector<1x8192xi32>
    %add3A_82 = arith.addi %bitcast_convert_type3A_79, %add3A_81 : vector<1x8192xi32>
    %and3A_83 = arith.constant -65536 : i32
    %and3A_84 = vector.broadcast %and3A_83 : i32 to vector<1x8192xi32>
    %and3A_85 = arith.andi %add3A_82, %and3A_84 : vector<1x8192xi32>
    %or3A_86 = arith.ori %and3A_78, %and3A_85 : vector<1x8192xi32>
    %swap3A_87 = arith.constant 0 : index
    %swap3A_88 = arith.constant 0 : index
    %swap3A_89 = vector.load %arg4[%swap3A_87, %swap3A_88] : memref<1x8192xi32, #tpu.memory_space<vmem>>, vector<1x8192xi32>
    tpu.vector_store %arg4[%swap3A_87, %swap3A_88], %or3A_86 {strides = array<i32>} : memref<1x8192xi32, #tpu.memory_space<vmem>>, vector<1x8192xi32>,
    %get3A_90 = arith.constant 0 : index
    %get3A_91 = arith.constant 0 : index
    %get3A_92 = vector.load %arg1[%get3A_90, %get3A_91] : memref<1x8192xi32, #tpu.memory_space<vmem>>, vector<1x8192xi32>
    %get3A_93 = arith.constant 0 : index
    %get3A_94 = arith.constant 0 : index
    %get3A_95 = vector.load %arg2[%get3A_93, %get3A_94] : memref<1x8192xi32, #tpu.memory_space<vmem>>, vector<1x8192xi32>
    %shift_left3A = arith.constant 13 : i32
    %shift_left3A_96 = vector.broadcast %shift_left3A : i32 to vector<1x8192xi32>
    %shift_left3A_97 = arith.shli %get3A_95, %shift_left3A_96 : vector<1x8192xi32>
    %or3A_98 = arith.ori %get3A_92, %shift_left3A_97 : vector<1x8192xi32>
    %swap3A_99 = arith.constant 0 : index
    %swap3A_100 = arith.constant 0 : index
    %swap3A_101 = vector.load %arg5[%swap3A_99, %swap3A_100] : memref<1x8192xi32, #tpu.memory_space<vmem>>, vector<1x8192xi32>
    tpu.vector_store %arg5[%swap3A_99, %swap3A_100], %or3A_98 {strides = array<i32>} : memref<1x8192xi32, #tpu.memory_space<vmem>>, vector<1x8192xi32>,
    return
  }
}

</mosaic_0001>

<sc_bundles>
// kernel: kernel.4.cloned.1.call-start
scs
__scs_entry_jumppad:
0x0: {  	(pc) =	sbr.rel $0x88, $3  }
0x1: {  	(tag) =	ssettag $0x0;
	lr =	simm.s32 $0x1  }
0x2: {  	[smem:$0x3F9D] =	sst lr;
	_ =	strace $0xD0000000  }
0x3: {  	_ = 	snop  }
0x4: {  	_ = 	snop  }
0x5: {  	_ = 	snop  }
0x6: {  	_ = 	snop  }
0x7: {  	_ = 	snop  }
__scs_overlays_trampoline_lowered:
0x8: {  	[smem:$0x3FAC] =	sst s0  }
0x9: {  	[smem:$0x3FAD] =	sst s1  }
0xa: {  	[smem:$0x3FAE] =	sst s2  }
0xb: {  	[smem:$0x3FAF] =	sst s3  }
0xc: {  	[smem:$0x3FB0] =	sst s4  }
0xd: {  	[smem:$0x3FB1] =	sst s5  }
0xe: {  	[smem:$0x3FB2] =	sst s6  }
0xf: {  	[smem:$0x3FB3] =	sst s7  }
0x10: {  	[smem:$0x3FB4] =	sst s8  }
0x11: {  	[smem:$0x3FB5] =	sst s9;
	s0 =	simm.s32 @!p0 $0x0  }
0x12: {  	s1 =	sld [smem:$0x3F9B];
	s0 =	simm.s32 @p0 $0x1  }
0x13: {  	[smem:$0x3FB6] =	sst s0;
	s0 =	simm.s32 @!p1 $0x0  }
0x14: {  	s2 =	sld [smem:$0x3F9A];
	s0 =	simm.s32 @p1 $0x1  }
0x15: {  	[smem:$0x3FB7] =	sst s0;
	s0 =	simm.s32 @!p2 $0x0  }
0x16: {  	s3 =	sld [smem:$0x3FDB];
	s0 =	simm.s32 @p2 $0x1  }
0x17: {  	s4 =	simm.s32 $0x1BF5;
	[smem:$0x3FB9] =	sst s0  }
0x18: {  	s0 =	sld [smem:$0x3F9C];
	_ =	swait.ge [sflag:s4], $0x0  }
0x19: {  	s7 =	sld [smem:$0x3F9D]  }
0x1a: {  	s8 =	sadd.s32 $0xFFFFE003, lr  }
0x1b: {  	s9 =	sadd.s32 $0xFFFFFEF7, lr;
	s5 =	simm.s32 $0xFFFFFFFF;
	p2 =	slt.u32 s8, $0xFFFFF086  }
0x1c: {  	p1 =	slt.u32 s9, $0xF7A;
	s5 =	simm.s32 @!p2 $0x0  }
0x1d: {  	s5 =	simm.s32 @p1 $0x1;
	p0 =	seq.s32 s7, s2  }
0x1e: {  	s7 =	smul.u32 @!p0 $0xF7A, s2;
	p2 =	seq.s32 @!p0 s5, $0x0  }
0x1f: {  	s9 =	smul.u32 $0xF7A, s1;
	s8 =	simm.s32 @!p0 $0x1BF5;
	p2 =	por !p2, p0  }
0x20: {  	[sflag:s8] =	ssyncset.s32 @!p0 $0xFFFFF086;
	s6 =	sadd.s32 @!p0 s3, s7;
	s7 =	simm.s32 @!p0 $0x108  }
0x21: {  	s3 =	sadd.s32 s3, s9;
	s6 =	sadd.s32 @!p0 $0x88, s6;
	s7 =	simm.s32 @p2 $0x1082  }
0x22: {  	[simem:s7], [sflag:s8] =	dma.local @!p0 [hbm:s6], $0xF7A  }
0x23: {  	s9 =	sor.u32 $0xD0000000, s2;
	s6 =	simm.s32 $0x108;
	_ =	swait.ge @!p0 [sflag:s8], $0x0  }
0x24: {  	s3 =	sadd.s32 $0x88, s3;
	s6 =	simm.s32 @!p1 $0x1082;
	[sflag:s4] =	ssyncset.s32 $0xFFFFF086  }
0x25: {  	[simem:s6], [sflag:s4] =	dma.local [hbm:s3], $0xF7A  }
0x26: {  	[smem:$0x3F9D] =	sst s1;
	(tag) =	ssettag s2;
	_ =	strace s9  }
0x27: {  	s1 =	sld [smem:$0x3FAD]  }
0x28: {  	s2 =	sld [smem:$0x3FAE]  }
0x29: {  	s4 =	sld [smem:$0x3FB0]  }
0x2a: {  	p0 =	seq.s32 s5, $0x0;
	s5 =	sld [smem:$0x3FB1]  }
0x2b: {  	s6 =	sld [smem:$0x3FB2]  }
0x2c: {  	s7 =	sld [smem:$0x3FB3]  }
0x2d: {  	s3 =	simm.s32 $0x108;
	s8 =	sld [smem:$0x3FB4]  }
0x2e: {  	s3 =	simm.s32 @!p0 $0x1082;
	s9 =	sld [smem:$0x3FB5]  }
0x2f: {  	lr =	sadd.s32 s0, s3;
	s0 =	sld [smem:$0x3FAC]  }
0x30: {  	s3 =	sld [smem:$0x3FAF]  }
0x31: {  	[smem:$0x3FB8] =	sst s10  }
0x32: {  	s10 =	sld [smem:$0x3FB6];
	_ =	sdelay $0x3  }
0x33: {  	p0 =	seq.s32 s10, $0x1;
	s10 =	sld [smem:$0x3FB8];
	_ =	sdelay $0x3  }
0x34: {  	[smem:$0x3FB8] =	sst s10  }
0x35: {  	s10 =	sld [smem:$0x3FB7];
	_ =	sdelay $0x3  }
0x36: {  	p1 =	seq.s32 s10, $0x1;
	s10 =	sld [smem:$0x3FB8];
	_ =	sdelay $0x3  }
0x37: {  	[smem:$0x3FB8] =	sst s10  }
0x38: {  	s10 =	sld [smem:$0x3FB9]  }
0x39: {  	_ = 	snop;
	(pc) =	sbr.ind lr, $3  }
0x3a: {  	_ = 	snop  }
0x3b: {  	_ = 	snop  }
0x3c: {  	p2 =	seq.s32 s10, $0x1;
	s10 =	sld [smem:$0x3FB8]  }
0x3d: {  	_ =	shalt  }
0x3e: {  	_ =	shalt  }
0x3f: {  	_ =	shalt  }
0x40: {  	_ =	shalt  }
0x41: {  	_ =	shalt  }
0x42: {  	_ =	shalt  }
0x43: {  	_ =	shalt  }
0x44: {  	_ =	shalt  }
0x45: {  	_ =	shalt  }
0x46: {  	_ =	shalt  }
0x47: {  	_ =	shalt  }
0x48: {  	_ =	shalt  }
0x49: {  	_ =	shalt  }
0x4a: {  	_ =	shalt  }
0x4b: {  	_ =	shalt  }
0x4c: {  	_ =	shalt  }
0x4d: {  	_ =	shalt  }
0x4e: {  	_ =	shalt  }
0x4f: {  	_ =	shalt  }
0x50: {  	_ =	shalt  }
0x51: {  	_ =	shalt  }
0x52: {  	_ =	shalt  }
0x53: {  	_ =	shalt  }
0x54: {  	_ =	shalt  }
0x55: {  	_ =	shalt  }
0x56: {  	_ =	shalt  }
0x57: {  	_ =	shalt  }
0x58: {  	_ =	shalt  }
0x59: {  	_ =	shalt  }
0x5a: {  	_ =	shalt  }
0x5b: {  	_ =	shalt  }
0x5c: {  	_ =	shalt  }
0x5d: {  	_ =	shalt  }
0x5e: {  	_ =	shalt  }
0x5f: {  	_ =	shalt  }
0x60: {  	_ =	shalt  }
0x61: {  	_ =	shalt  }
0x62: {  	_ =	shalt  }
0x63: {  	_ =	shalt  }
0x64: {  	_ =	shalt  }
0x65: {  	_ =	shalt  }
0x66: {  	_ =	shalt  }
0x67: {  	_ =	shalt  }
0x68: {  	_ =	shalt  }
0x69: {  	_ =	shalt  }
0x6a: {  	_ =	shalt  }
0x6b: {  	_ =	shalt  }
0x6c: {  	_ =	shalt  }
0x6d: {  	_ =	shalt  }
0x6e: {  	_ =	shalt  }
0x6f: {  	_ =	shalt  }
0x70: {  	_ =	shalt  }
0x71: {  	_ =	shalt  }
0x72: {  	_ =	shalt  }
0x73: {  	_ =	shalt  }
0x74: {  	_ =	shalt  }
0x75: {  	_ =	shalt  }
0x76: {  	_ =	shalt  }
0x77: {  	_ =	shalt  }
0x78: {  	_ =	shalt  }
0x79: {  	_ =	shalt  }
0x7a: {  	_ =	shalt  }
0x7b: {  	_ =	shalt  }
0x7c: {  	_ =	shalt  }
0x7d: {  	_ =	shalt  }
0x7e: {  	_ =	shalt  }
0x7f: {  	_ =	shalt  }
0x80: {  	_ =	shalt  }
0x81: {  	_ =	shalt  }
0x82: {  	_ =	shalt  }
0x83: {  	_ =	shalt  }
0x84: {  	_ =	shalt  }
0x85: {  	_ =	shalt  }
0x86: {  	_ =	shalt  }
0x87: {  	_ =	shalt  }
.Lfunc_end0:
.L_simem_size_0:
called_computation_lowered:
.L_overlay_start_0:
0x88: {  	s2 =	sld [smem:$0x3FD9]  }
0x89: {  	s3 =	sld [smem:$0x3FFE];
	_ =	sdelay $0x1  }
0x8a: {  	s1 =	srdreg.scid  }
0x8b: {  	s0 =	sand.u32 $0x1, s1  }
0x8c: {  	s17 =	sshll.u32 s0, $0xA;
	s2 =	sadd.s32 s3, s2  }
0x8d: {  	s2 =	sadd.s32 s2, s17  }
0x8e: {  	[smem:$0x3FC4] =	sst s2  }
0x8f: {  	_ = 	snop  }
0x90: {  	s2 =	sld [smem:$0x3FC9]  }
0x91: {  	s18 =	sld [smem:$0x3FD0];
	(tm) =	ssettm $0x1  }
0x92: {  	s4 =	sld [smem:$0x3FFB];
	_ =	sdelay $0x3  }
0x93: {  	_ =	strace s4  }
0x94: {  	s4 =	sld [smem:$0x3FFC];
	_ =	sdelay $0x3  }
0x95: {  	_ =	strace s4  }
0x96: {  	s4 =	sld [smem:$0x3FFD];
	_ =	sdelay $0x3  }
0x97: {  	_ =	strace s4  }
0x98: {  	_ =	strace $0x8FFFFFFF  }
0x99: {  	s19 =	sld [smem:$0x3FDB];
	_ =	sdelay $0x1  }
0x9a: {  	s5 =	simm.s32 $_scs_section_size  }
0x9b: {  	s6 =	simm.s32 $_size__tile_overlayer_lowered;
	s7 =	simm.s32 $_tile_overlayer_lowered  }
0x9c: {  	s22 =	simm.s32 $0x1BFF;
	s21 =	sshll.u32 s7, $0x1;
	s4 =	sadd.s32 s5, s19  }
0x9d: {  	s8 =	simm.s32 $0x0;
	s20 =	sshll.u32 s6, $0x1;
	s6 =	sadd.s32 s21, s4  }
0x9e: {  	[timem:s8], [sflag:s22] =	dma.local [hbm:s6], s20  }
0x9f: {  	_ =	swait.ge [sflag:s22], s20  }
0xa0: {  	s5 =	ssub.s32 $0x0, s20;
	[sflag:s22] =	ssyncset.done $0x0  }
0xa1: {  	[sflag:s22] =	ssyncadd.s32 s5;
	_ =	sdelay $0x1  }
0xa2: {  	s23 =	simm.s32 $0x1B8B  }
0xa3: {  	_ =	swait.ge [sflag:s23], $0x1  }
0xa4: {  	[sflag:s23] =	ssyncset.done $0x0  }
0xa5: {  	s25 =	simm.s32 $0x1B8E;
	s24 =	sld [smem:$0x3FFE];
	[sflag:s23] =	ssyncadd.s32 $0xFFFFFFFF  }
0xa6: {  	s26 =	simm.s32 $execute0_lowered;
	[smem:$0x3FD2] =	sst s25  }
0xa7: {  	s6 =	sshll.u32 s26, $0x1;
	_ =	strace $0x80000046;
	[dreg:$0x1] =	wrdreg $0xFFFFFFFF  }
0xa8: {  	s28 =	simm.s32 $_size_execute0_lowered;
	s4 =	sadd.s32 s4, s6;
	[dreg:$0x0] =	wrdreg $0x0  }
0xa9: {  	s6 =	sshll.u32 s28, $0x1;
	[dreg:$0x2] =	wrdreg s4  }
0xaa: {  	[dreg:$0x3] =	wrdreg s6  }
0xab: {  	[dreg:$0x4] =	wrdreg $0xC0  }
0xac: {  	_ =	task [dreg:s8], $0x5FFFF  }
0xad: {  	[dreg:$0x1] =	wrdreg $0xFFFFFFFF  }
0xae: {  	[dreg:$0x0] =	wrdreg $0x60  }
0xaf: {  	[dreg:$0x2] =	wrdreg s2  }
0xb0: {  	[dreg:$0x3] =	wrdreg s24  }
0xb1: {  	[dreg:$0x4] =	wrdreg s18  }
0xb2: {  	[dreg:$0x5] =	wrdreg $0x9  }
0xb3: {  	_ =	task.clear_ibuf [dreg:s8], $0x6FFFF;
	_ =	strace $0x90000046  }
0xb4: {  	s29 =	simm.s32 $0x9;
	_ =	strace $0x80000048  }
0xb5: {  	_ =	swait.ge [sflag:s29], $0x1  }
0xb6: {  	[sflag:s29] =	ssyncadd.s32 $0xFFFFFFFF  }
0xb7: {  	_ =	strace $0x90000048  }
0xb8: {  	_ =	sfence  }
0xb9: {  	s30 =	sld [smem:$0x0];
	_ =	sdelay $0x2  }
0xba: {  	s31 =	sshll.u32 s1, $0xD;
	s1 =	sshrl.u32 s1, $0x2  }
0xbb: {  	s3 =	sand.u32 $0x4000, s31;
	s1 =	sadd.s32 s1, s30  }
0xbc: {  	s0 =	sor.u32 s3, s0;
	s1 =	sshll.u32 s1, $0x11  }
0xbd: {  	s0 =	sor.u32 s1, s0  }
0xbe: {  	s0 =	sadd.s32 $0x8F2B, s0  }
0xbf: {  	[sflag:s0] =	ssyncadd.remote.s32 $0x1  }
0xc0: {  	_ =	sfence.sel $0xFFFF  }
0xc1: {  	[dreg:$0x0] =	wrdreg $0xFFFFFFFF;
	(pc) =	sbr.abs _section_cstart, $3  }
0xc2: {  	[dreg:$0x1] =	wrdreg $0xFFFFFFFF  }
0xc3: {  	_ =	task.clear_ibuf [dreg:s8], $0x2FFFF;
	_ =	strace $0x9FFFFFFF  }
0xc4: {  	(tm) =	ssettm $0x7FFFFFFF  }
0xc5: {  	_ =	shalt  }
tec
execute0_lowered:
.L_overlay_start_1:
0x0: {  	(tag) =	ssettag $0x1  }
0x1: {  	s0 =	rddreg [dreg:$0x0]  }
0x2: {  	s1 =	rddreg [dreg:$0x1]  }
0x3: {  	s5 =	rddreg [dreg:$0x2]  }
0x4: {  	s3 =	simm.s32 $0x0;
	s2 =	srdreg.scid;
	s19 =	stileid.u32  }
0x5: {  	s28 =	simm.s32 $0x3;
	[smem:$0x7FF] =	sst s3;
	s6 =	sadd.s32 $0x1200, s1  }
0x6: {  	s20 =	sadd.s32 $0x1600, s1;
	_ =	strace $0x80000047;
	[dreg:$0x4] =	wrdreg s6  }
0x7: {  	s29 =	simm.s32 $0x4;
	s1 =	sadd.s32 $0x1A00, s1;
	[dreg:$0x5] =	wrdreg s20  }
0x8: {  	s2 =	sand.u32 $0x1, s2;
	s24 =	sadd.s32 $0x1000, s5;
	[dreg:$0x6] =	wrdreg s1  }
0x9: {  	s3 =	sshll.u32 s19, $0x8;
	s26 =	sadd.s32 $0x40, s5;
	[dreg:$0xa] =	wrdreg s24  }
0xa: {  	s30 =	sadd.s32 $0x1040, s5;
	s4 =	sshll.u32 s2, $0x7;
	[dreg:$0xc] =	wrdreg s26  }
0xb: {  	s2 =	ssub.s32 $0x2, s2;
	[dreg:$0xd] =	wrdreg s30;
	s3 =	sor.u32 s4, s3  }
0xc: {  	s21 =	sshrl.u32 s2, $0x1;
	s6 =	sshll.u32 s3, $0xA;
	s3 =	sshrl.u32 s3, $0x3  }
0xd: {  	s23 =	sadd.s32 s0, s6;
	[dreg:$0x8] =	wrdreg s3;
	s0 =	sadd.s32 $0x40, s0  }
0xe: {  	s19 =	simm.s32 $0x200;
	s22 =	ssub.s32 s2, s21;
	[dreg:$0x9] =	wrdreg s0  }
0xf: {  	s20 =	simm.s32 $0x400;
	s31 =	smax.u32 s22, $0x1;
	[dreg:$0x7] =	wrdreg s23  }
0x10: {  	s1 =	simm.s32 $0x0;
	s25 =	sadd.s32 $0x2000, s23;
	[dreg:$0xe] =	wrdreg s31  }
0x11: {  	s21 =	simm.s32 $0x6000;
	s23 =	simm.s32 $0xE000;
	[dreg:$0xb] =	wrdreg s25  }
.LBB2_1:
0x12: {  	[dreg:$0xf] =	wrdreg s1  }
0x13: {  	s0 =	simm.s32 $0x0;
	s22 =	rddreg [dreg:$0x6];
	s2 =	simm.s32 $0x5  }
0x14: {  	[tilespmem:s0], [sflag:$0x5] =	stream.linear.gather [hbm4b:s22+s0], $0x2000, $0x38;
	[tilespmem:$0x1E000] =	vst v63  }
0x15: {  	_ =	swait.ge [sflag:s2], $0x2000  }
0x16: {  	[sflag:s2] =	ssyncset.done $0x0  }
0x17: {  	s3 =	simm.s32 $0x2000;
	s24 =	rddreg [dreg:$0x4];
	[sflag:s2] =	ssyncadd.s32 $0xFFFFE000  }
0x18: {  	[tilespmem:s3], [sflag:$0x5] =	stream.linear.gather [hbm4b:s24+s0], $0x2000, $0x38;
	[tilespmem:$0x1E000] =	vst v63  }
0x19: {  	_ =	swait.ge [sflag:s2], $0x2000  }
0x1a: {  	[sflag:s2] =	ssyncset.done $0x0  }
0x1b: {  	s26 =	simm.s32 $0x4000;
	s25 =	rddreg [dreg:$0x5];
	[sflag:s2] =	ssyncadd.s32 $0xFFFFE000  }
0x1c: {  	[tilespmem:s26], [sflag:$0x5] =	stream.linear.gather [hbm4b:s25+s0], $0x2000, $0x38;
	[tilespmem:$0x1E000] =	vst v63  }
0x1d: {  	_ =	swait.ge [sflag:s2], $0x2000  }
0x1e: {  	[sflag:s2] =	ssyncset.done $0x0  }
0x1f: {  	s31 =	simm.s32 $0x0;
	s30 =	rddreg [dreg:$0x7];
	[sflag:s2] =	ssyncadd.s32 $0xFFFFE000  }
0x20: {  	[tilespmem:s21], [sflag:$0x1] =	stream.strided.gather [hbm4b:s30+s19], $0x8000, s20, s19, $0x38;
	[tilespmem:$0x1E000] =	vst v63  }
.LBB2_2:
0x21: {  	s2 =	simm.s32 $0x1  }
0x22: {  	s0 =	sshll.u32 s31, $0xD;
	_ =	swait.ge [sflag:s2], $0x8000  }
0x23: {  	s1 =	sor.u32 s0, s6;
	[sflag:s2] =	ssyncset.done $0x0;
	s10 =	rddreg [dreg:$0x9]  }
0x24: {  	p0 =	seq.s32 s31, $0x0;
	[sflag:s2] =	ssyncadd.s32 $0xFFFF8000;
	s1 =	sadd.s32 s1, s10  }
0x25: {  	[tilespmem:s23], [sflag:$0x2] =	stream.strided.gather [hbm4b:s1+s19], $0x8000, s20, s19, $0x38;
	[tilespmem:$0x1E000] =	vst v63  }
0x26: {  	s2 =	simm.s32 $0x0;
	s1 =	simm.s32 @!p0 $0x3  }
0x27: {  	s3 =	sand.u32 $0x60, s2;
	_ =	swait.ge @!p0 [sflag:s1], $0x4000  }
0x28: {  	s4 =	sand.u32 $0xF80, s2;
	s7 =	sor.u32 $0x10, s3;
	[sflag:s1] =	ssyncset.done @!p0 $0x0  }
0x29: {  	s11 =	sor.u32 s4, s7;
	[sflag:s1] =	ssyncadd.s32 @!p0 $0xFFFFC000  }
0x2a: {  	v0 =	vld [tilespmem:s11+$0x0];
	_ =	sdelay $0x4  }
0x2b: {  	v1 =	vshrl.u32 v0, $0xD;
	v2 =	vshrl.u32 v0, $0xB  }
0x2c: {  	v1 =	vand.u32 $0x7F, v1;
	v2 =	vand.u32 $0x1FFE00, v2  }
0x2d: {  	v3 =	vor.u32 v1, v2;
	_ =	sdelay $0x1  }
0x2e: {  	v1 =	vshll.u32 v0, $0x2  }
0x2f: {  	v0 =	vand.u32 $0x7F, v0;
	v1 =	vand.u32 $0x7E00, v1  }
0x30: {  	v4 =	vld [tilespmem:s11+$0x4000];
	v13 =	vor.u32 v0, v1  }
0x31: {  	v0 =	vld.idx.msk [tilespmem:v3+s21+$0x0], $0xffff  }
0x32: {  	v5 =	vld [tilespmem:s11+$0x2000];
	_ =	sdelay $0x2  }
0x33: {  	v2 =	vand.u32 $0xFFFF0000, v4;
	v6 =	vld.idx.msk [tilespmem:v13+s21+$0x0], $0xffff  }
0x34: {  	v7 =	vmul.f32 v2, v0  }
0x35: {  	v1 =	vand.u32 $0xFFFF0000, v5  }
0x36: {  	v7 =	vadd.f32 v1, v7;
	_ =	sdelay $0x1  }
0x37: {  	s12 =	simm.s32 $0x20;
	v6 =	vmul.f32 v7, v6  }
0x38: {  	s5 =	sand.u32 $0x60, s12;
	v21 =	vshll.u32 v5, $0x10;
	v8 =	vshll.u32 v4, $0x10  }
0x39: {  	s9 =	sor.u32 $0x10, s5;
	s1 =	sand.u32 $0xF80, s12;
	v5 =	vor.u32 $0x80, v3;
	v0 =	vmul.f32 v8, v0;
	v4 =	vadd.f32 v21, v6  }
0x3a: {  	s13 =	sand.u32 $0x3E00, s2;
	s1 =	sor.u32 s1, s9  }
0x3b: {  	s4 =	sadd.s32 $0x16000, s13;
	v6 =	vld [tilespmem:s1+$0x0];
	v0 =	vadd.f32 v4, v0  }
0x3c: {  	s7 =	sor.u32 s7, s4  }
0x3d: {  	[tilespmem:s7+$0x0] =	vst v0;
	v0 =	vor.u32 $0x80, v13  }
0x3e: {  	v4 =	vld.idx.msk [tilespmem:v5+s21+$0x0], $0xffff;
	_ =	sdelay $0x1  }
0x3f: {  	v5 =	vshrl.u32 v6, $0xD;
	v7 =	vshrl.u32 v6, $0xB  }
0x40: {  	v5 =	vand.u32 $0x7F, v5;
	v7 =	vand.u32 $0x1FFE00, v7  }
0x41: {  	v7 =	vor.u32 v5, v7;
	v0 =	vld.idx.msk [tilespmem:v0+s21+$0x0], $0xffff  }
0x42: {  	v5 =	vmul.f32 v2, v4  }
0x43: {  	v9 =	vshll.u32 v6, $0x2  }
0x44: {  	v6 =	vand.u32 $0x7F, v6;
	v9 =	vand.u32 $0x7E00, v9;
	v5 =	vadd.f32 v1, v5  }
0x45: {  	v10 =	vld [tilespmem:s1+$0x4000];
	v18 =	vor.u32 v6, v9  }
0x46: {  	v11 =	vld.idx.msk [tilespmem:v7+s21+$0x0], $0xffff;
	v0 =	vmul.f32 v5, v0  }
0x47: {  	s14 =	simm.s32 $0x0;
	v9 =	vld [tilespmem:s1+$0x2000]  }
0x48: {  	v12 =	vld [tilespmem:s14+$0x0];
	v14 =	vor.u32 $0x100, v3;
	v4 =	vmul.f32 v8, v4;
	v0 =	vadd.f32 v21, v0  }
0x49: {  	v19 =	vld [tilespmem:s14+$0x2000]  }
0x4a: {  	v6 =	vand.u32 $0xFFFF0000, v10;
	v15 =	vld.idx.msk [tilespmem:v18+s21+$0x0], $0xffff;
	v0 =	vadd.f32 v0, v4  }
0x4b: {  	s22 =	simm.s32 $0x20;
	v4 =	vmul.f32 v6, v11  }
0x4c: {  	v33 =	vld [tilespmem:s22+$0x0];
	v5 =	vand.u32 $0xFFFF0000, v9;
	[tilespmem:s7+$0x80] =	vst v0  }
0x4d: {  	s17 =	simm.s32 $0x40;
	v0 =	vor.u32 $0x100, v13;
	v4 =	vadd.f32 v5, v4;
	v14 =	vld.idx.msk [tilespmem:v14+s21+$0x0], $0xffff  }
0x4e: {  	v63 =	vld [tilespmem:s17+$0x0];
	v16 =	vshrl.u32 v12, $0xD;
	v17 =	vshrl.u32 v12, $0xB  }
0x4f: {  	v23 =	vand.u32 $0xFFFF0000, v19;
	v16 =	vand.u32 $0x7F, v16;
	v4 =	vmul.f32 v4, v15  }
0x50: {  	s8 =	simm.s32 $0x40;
	v17 =	vand.u32 $0x1FFE00, v17;
	v10 =	vshll.u32 v10, $0x10;
	v9 =	vshll.u32 v9, $0x10  }
0x51: {  	s10 =	simm.s32 $0x80;
	s1 =	sand.u32 $0x60, s8;
	v20 =	vor.u32 $0x80, v7;
	v11 =	vmul.f32 v10, v11;
	v4 =	vadd.f32 v9, v4  }
0x52: {  	s10 =	sand.u32 $0x3E00, s10;
	s12 =	sand.u32 $0xF80, s8;
	v34 =	vshrl.u32 v33, $0xB;
	v16 =	vor.u32 v16, v17;
	s11 =	sor.u32 $0x10, s1;
	v17 =	vld.idx.msk [tilespmem:v0+s21+$0x0], $0xffff;
	v22 =	vmul.f32 v2, v14  }
0x53: {  	s15 =	sadd.s32 $0x16000, s10;
	v50 =	vshrl.u32 v63, $0xD;
	v51 =	vshrl.u32 v63, $0xB;
	s18 =	sor.u32 s12, s11;
	v15 =	vld [tilespmem:s14+$0x4000];
	v4 =	vadd.f32 v4, v11  }
0x54: {  	s9 =	sor.u32 s9, s15;
	v0 =	vshll.u32 v12, $0x2;
	v11 =	vand.u32 $0x7F, v12;
	v12 =	vadd.f32 v1, v22;
	v22 =	vld [tilespmem:s18+$0x0]  }
0x55: {  	v34 =	vand.u32 $0x1FFE00, v34;
	v0 =	vand.u32 $0x7E00, v0;
	[tilespmem:s9+$0x0] =	vst v4;
	v4 =	vor.u32 $0x80, v18  }
0x56: {  	v3 =	vor.u32 $0x180, v3;
	v38 =	vor.u32 $0x100, v18;
	v25 =	vor.u32 v11, v0;
	v27 =	vld.idx.msk [tilespmem:v20+s21+$0x0], $0xffff  }
0x57: {  	v13 =	vor.u32 $0x180, v13;
	v0 =	vshll.u32 v19, $0x10;
	v19 =	vld.idx.msk [tilespmem:v16+s21+$0x0], $0xffff;
	v11 =	vmul.f32 v12, v17  }
0x58: {  	v26 =	vand.u32 $0xFFFF0000, v15;
	v24 =	vshll.u32 v15, $0x10;
	v15 =	vor.u32 $0x100, v16  }
0x59: {  	v12 =	vmul.f32 v8, v14;
	v11 =	vadd.f32 v21, v11;
	v14 =	vshrl.u32 v22, $0xD  }
0x5a: {  	v29 =	vor.u32 $0x80, v25;
	v4 =	vld.idx.msk [tilespmem:v4+s21+$0x0], $0xffff;
	v20 =	vshrl.u32 v22, $0xB;
	v14 =	vand.u32 $0x7F, v14  }
0x5b: {  	v28 =	vld.idx.msk [tilespmem:v25+s21+$0x0], $0xffff;
	v20 =	vand.u32 $0x1FFE00, v20;
	v30 =	vmul.f32 v6, v27;
	v32 =	vadd.f32 v11, v12  }
0x5c: {  	v18 =	vor.u32 $0x180, v18;
	v31 =	vmul.f32 v26, v19;
	v11 =	vor.u32 v14, v20  }
0x5d: {  	v17 =	vor.u32 $0x80, v16;
	v19 =	vmul.f32 v24, v19;
	v14 =	vadd.f32 v5, v30;
	[tilespmem:s7+$0x100] =	vst v32  }
0x5e: {  	v20 =	vshll.u32 v22, $0x2;
	v30 =	vadd.f32 v23, v31;
	v32 =	vld.idx.msk [tilespmem:v3+s21+$0x0], $0xffff;
	v3 =	vand.u32 $0x7F, v22  }
0x5f: {  	v35 =	vld [tilespmem:s18+$0x2000];
	v22 =	vand.u32 $0x7E00, v20;
	v20 =	vor.u32 $0x180, v16;
	v4 =	vmul.f32 v14, v4  }
0x60: {  	s24 =	simm.s32 $0x60;
	v16 =	vmul.f32 v30, v28;
	v30 =	vld [tilespmem:s18+$0x4000];
	v14 =	vor.u32 v3, v22;
	v28 =	vshrl.u32 v33, $0xD  }
0x61: {  	s4 =	sor.u32 s3, s4;
	s3 =	sand.u32 $0x60, s24;
	v12 =	vor.u32 $0x100, v25;
	v58 =	vor.u32 $0x80, v11;
	v37 =	vand.u32 $0x7F, v28;
	v22 =	vld.idx.msk [tilespmem:v11+s21+$0x0], $0xffff  }
0x62: {  	s13 =	sand.u32 $0xF80, s24;
	v31 =	vld [tilespmem:s22+$0x4000];
	s7 =	sor.u32 $0x10, s3;
	v3 =	vadd.f32 v9, v4;
	v4 =	vmul.f32 v10, v27;
	v27 =	vor.u32 $0x100, v7  }
0x63: {  	v53 =	vld.idx.msk [tilespmem:v13+s21+$0x0], $0xffff;
	s16 =	sor.u32 s13, s7;
	v28 =	vor.u32 $0x180, v25;
	v61 =	vor.u32 $0x80, v14;
	v16 =	vadd.f32 v0, v16  }
0x64: {  	v43 =	vld [tilespmem:s16+$0x0];
	v25 =	vor.u32 v37, v34;
	v7 =	vor.u32 $0x180, v7;
	v3 =	vadd.f32 v3, v4  }
0x65: {  	v59 =	vor.u32 $0x80, v25;
	v16 =	vadd.f32 v16, v19;
	v54 =	vld.idx.msk [tilespmem:v14+s21+$0x0], $0xffff;
	v13 =	vand.u32 $0xFFFF0000, v30  }
0x66: {  	v4 =	vshll.u32 v33, $0x2;
	v19 =	vand.u32 $0xFFFF0000, v35;
	[tilespmem:s9+$0x80] =	vst v3;
	v39 =	vmul.f32 v13, v22  }
0x67: {  	v4 =	vand.u32 $0x7E00, v4;
	v3 =	vmul.f32 v2, v32;
	[tilespmem:s4+$0x0] =	vst v16;
	v16 =	vand.u32 $0x7F, v33;
	v27 =	vld.idx.msk [tilespmem:v27+s21+$0x0], $0xffff  }
0x68: {  	v36 =	vld [tilespmem:s22+$0x2000];
	v37 =	vor.u32 $0x180, v25;
	v40 =	vor.u32 v16, v4;
	v16 =	vadd.f32 v19, v39  }
0x69: {  	v8 =	vmul.f32 v8, v32;
	v48 =	vshrl.u32 v43, $0xB;
	v55 =	vld.idx.msk [tilespmem:v17+s21+$0x0], $0xffff;
	v17 =	vadd.f32 v1, v3  }
0x6a: {  	v2 =	vand.u32 $0xFFFF0000, v31;
	v4 =	vshll.u32 v31, $0x10;
	v31 =	vld.idx.msk [tilespmem:v25+s21+$0x0], $0xffff;
	v56 =	vmul.f32 v16, v54  }
0x6b: {  	v57 =	vld.idx.msk [tilespmem:v38+s21+$0x0], $0xffff;
	v34 =	vmul.f32 v17, v53;
	v17 =	vshll.u32 v35, $0x10;
	v16 =	vshll.u32 v30, $0x10  }
0x6c: {  	s25 =	simm.s32 $0x100;
	v30 =	vmul.f32 v6, v27;
	v22 =	vmul.f32 v16, v22;
	v35 =	vadd.f32 v17, v56  }
0x6d: {  	s26 =	sand.u32 $0x3E00, s25;
	v52 =	vshll.u32 v43, $0x2;
	v3 =	vand.u32 $0xFFFF0000, v36;
	v1 =	vshll.u32 v36, $0x10  }
0x6e: {  	s14 =	sadd.s32 $0x16000, s26;
	v29 =	vld.idx.msk [tilespmem:v29+s21+$0x0], $0xffff;
	v36 =	vand.u32 $0x1FFE00, v51;
	v30 =	vadd.f32 v5, v30;
	v35 =	vadd.f32 v35, v22  }
0x6f: {  	s11 =	sor.u32 s11, s14;
	v39 =	vor.u32 $0x80, v40;
	v21 =	vadd.f32 v21, v34;
	v60 =	vmul.f32 v26, v55  }
0x70: {  	v53 =	vand.u32 $0x7F, v43;
	v41 =	vld.idx.msk [tilespmem:v40+s21+$0x0], $0xffff;
	v42 =	vmul.f32 v2, v31;
	v30 =	vmul.f32 v30, v57;
	[tilespmem:s11+$0x0] =	vst v35  }
0x71: {  	v27 =	vmul.f32 v10, v27;
	v34 =	vadd.f32 v23, v60;
	v32 =	vadd.f32 v21, v8;
	v21 =	vld.idx.msk [tilespmem:v58+s21+$0x0], $0xffff  }
0x72: {  	v62 =	vmul.f32 v4, v31;
	v31 =	vshrl.u32 v43, $0xD;
	v30 =	vadd.f32 v9, v30  }
0x73: {  	v31 =	vand.u32 $0x7F, v31;
	v8 =	vmul.f32 v34, v29;
	v34 =	vand.u32 $0x1FFE00, v48  }
0x74: {  	v44 =	vld [tilespmem:s17+$0x4000];
	v42 =	vadd.f32 v3, v42;
	v31 =	vor.u32 v31, v34;
	v27 =	vadd.f32 v30, v27  }
0x75: {  	v33 =	vmul.f32 v24, v55;
	v22 =	vor.u32 $0x100, v25;
	v8 =	vadd.f32 v0, v8;
	v30 =	vld.idx.msk [tilespmem:v61+s21+$0x0], $0xffff  }
0x76: {  	v54 =	vld [tilespmem:s16+$0x4000];
	v29 =	vmul.f32 v42, v41;
	v35 =	vor.u32 $0x100, v40;
	[tilespmem:s9+$0x100] =	vst v27;
	v49 =	vmul.f32 v13, v21  }
0x77: {  	v34 =	vor.u32 $0x180, v40;
	v40 =	vand.u32 $0x7E00, v52;
	v25 =	vadd.f32 v8, v33;
	v27 =	vld.idx.msk [tilespmem:v7+s21+$0x0], $0xffff  }
0x78: {  	v47 =	vld [tilespmem:s16+$0x2000];
	v29 =	vadd.f32 v1, v29;
	v33 =	vor.u32 v53, v40;
	v7 =	vadd.f32 v19, v49  }
0x79: {  	v55 =	vor.u32 $0x100, v11;
	v56 =	vshll.u32 v63, $0x2;
	v57 =	vand.u32 $0x7F, v63;
	v45 =	vld.idx.msk [tilespmem:v31+s21+$0x0], $0xffff;
	[tilespmem:s4+$0x80] =	vst v25  }
0x7a: {  	v8 =	vadd.f32 v29, v62;
	v15 =	vld.idx.msk [tilespmem:v15+s21+$0x0], $0xffff;
	v7 =	vmul.f32 v7, v30;
	v30 =	vand.u32 $0x7F, v50  }
0x7b: {  	s8 =	sor.u32 s5, s15;
	v40 =	vshll.u32 v54, $0x10;
	v18 =	vld.idx.msk [tilespmem:v18+s21+$0x0], $0xffff;
	v21 =	vmul.f32 v16, v21;
	v46 =	vor.u32 v30, v36  }
0x7c: {  	v29 =	vld [tilespmem:s17+$0x2000];
	[tilespmem:s8+$0x0] =	vst v8;
	v8 =	vand.u32 $0xFFFF0000, v44;
	v6 =	vmul.f32 v6, v27;
	v7 =	vadd.f32 v17, v7  }
0x7d: {  	v48 =	vld.idx.msk [tilespmem:v33+s21+$0x0], $0xffff;
	v49 =	vor.u32 $0x100, v14;
	v30 =	vand.u32 $0x7E00, v56;
	v10 =	vmul.f32 v10, v27  }
0x7e: {  	v56 =	vld.idx.msk [tilespmem:v12+s21+$0x0], $0xffff;
	v12 =	vmul.f32 v40, v45;
	v58 =	vadd.f32 v5, v6;
	v7 =	vadd.f32 v7, v21  }
0x7f: {  	v52 =	vmul.f32 v26, v15;
	v41 =	vor.u32 v57, v30;
	v30 =	vand.u32 $0xFFFF0000, v54;
	v21 =	vld.idx.msk [tilespmem:v59+s21+$0x0], $0xffff  }
0x80: {  	v14 =	vor.u32 $0x180, v14;
	v59 =	vmul.f32 v30, v45;
	v18 =	vmul.f32 v58, v18;
	[tilespmem:s11+$0x80] =	vst v7;
	v60 =	vld.idx.msk [tilespmem:v46+s21+$0x0], $0xffff  }
0x81: {  	v6 =	vand.u32 $0xFFFF0000, v29;
	v5 =	vshll.u32 v29, $0x10;
	v29 =	vand.u32 $0xFFFF0000, v47;
	v50 =	vld.idx.msk [tilespmem:v55+s21+$0x0], $0xffff  }
0x82: {  	v15 =	vmul.f32 v24, v15;
	v9 =	vadd.f32 v9, v18;
	v18 =	vadd.f32 v29, v59  }
0x83: {  	v25 =	vor.u32 $0x80, v46;
	v57 =	vor.u32 $0x80, v31;
	v51 =	vor.u32 $0x80, v41  }
0x84: {  	v38 =	vor.u32 $0x100, v41;
	v42 =	vadd.f32 v9, v10;
	v10 =	vmul.f32 v18, v48;
	v18 =	vld.idx.msk [tilespmem:v39+s21+$0x0], $0xffff  }
0x85: {  	v7 =	vshll.u32 v44, $0x10;
	v27 =	vmul.f32 v2, v21;
	v9 =	vld.idx.msk [tilespmem:v49+s21+$0x0], $0xffff;
	v39 =	vshll.u32 v47, $0x10  }
0x86: {  	s22 =	simm.s32 $0x180;
	s18 =	simm.s32 $0x80;
	v62 =	vld.idx.msk [tilespmem:v41+s21+$0x0], $0xffff;
	v63 =	vmul.f32 v8, v60;
	v10 =	vadd.f32 v39, v10;
	v61 =	vmul.f32 v13, v50  }
0x87: {  	s26 =	simm.s32 $0x60;
	s12 =	sand.u32 $0x3E00, s22;
	s9 =	sand.u32 $0x60, s18;
	v27 =	vadd.f32 v3, v27;
	v44 =	vmul.f32 v7, v60;
	v60 =	vor.u32 $0x180, v11  }
0x88: {  	s5 =	sadd.s32 $0x16000, s12;
	s24 =	sand.u32 $0xF80, s18;
	s15 =	sor.u32 $0x10, s9;
	v11 =	vor.u32 $0x180, v41;
	v10 =	vadd.f32 v10, v12;
	v47 =	vadd.f32 v19, v61  }
0x89: {  	s10 =	sor.u32 s7, s5;
	s25 =	sor.u32 s24, s15;
	v41 =	vld [tilespmem:s26+$0x0];
	v49 =	vadd.f32 v6, v63;
	v18 =	vmul.f32 v27, v18;
	v27 =	vadd.f32 v23, v52  }
0x8a: {  	v21 =	vmul.f32 v4, v21;
	[tilespmem:s10+$0x0] =	vst v10;
	v10 =	vor.u32 $0x80, v33;
	v9 =	vmul.f32 v47, v9;
	v47 =	vld [tilespmem:s25+$0x0]  }
0x8b: {  	v36 =	vor.u32 $0x100, v46;
	v58 =	vmul.f32 v49, v62;
	v45 =	vld.idx.msk [tilespmem:v57+s21+$0x0], $0xffff;
	v27 =	vmul.f32 v27, v56  }
0x8c: {  	v59 =	vmul.f32 v16, v50;
	v18 =	vadd.f32 v1, v18;
	v9 =	vadd.f32 v17, v9  }
0x8d: {  	v55 =	vor.u32 $0x100, v33;
	v61 =	vadd.f32 v5, v58;
	v27 =	vadd.f32 v0, v27  }
0x8e: {  	v12 =	vor.u32 $0x180, v46;
	v46 =	vadd.f32 v18, v21;
	v9 =	vadd.f32 v9, v59  }
0x8f: {  	v21 =	vadd.f32 v61, v44;
	v10 =	vld.idx.msk [tilespmem:v10+s21+$0x0], $0xffff;
	v43 =	vadd.f32 v27, v15;
	v59 =	vshll.u32 v41, $0x2  }
0x90: {  	v63 =	vld [tilespmem:s26+$0x4000];
	v18 =	vshrl.u32 v47, $0xB;
	v62 =	vmul.f32 v30, v45;
	[tilespmem:s11+$0x100] =	vst v9;
	v9 =	vshrl.u32 v47, $0xD  }
0x91: {  	s17 =	sor.u32 s1, s14;
	v58 =	vshll.u32 v47, $0x2;
	v15 =	vand.u32 $0x1FFE00, v18;
	v27 =	vld.idx.msk [tilespmem:v60+s21+$0x0], $0xffff;
	v9 =	vand.u32 $0x7F, v9  }
0x92: {  	v57 =	vld [tilespmem:s26+$0x2000];
	v45 =	vmul.f32 v40, v45;
	[tilespmem:s17+$0x0] =	vst v21;
	v44 =	vadd.f32 v29, v62;
	v18 =	vor.u32 v9, v15  }
0x93: {  	v21 =	vand.u32 $0x7F, v41;
	v25 =	vld.idx.msk [tilespmem:v25+s21+$0x0], $0xffff;
	v9 =	vshrl.u32 v41, $0xD;
	v15 =	vshrl.u32 v41, $0xB  }
0x94: {  	v54 =	vld.idx.msk [tilespmem:v14+s21+$0x0], $0xffff;
	v9 =	vand.u32 $0x7F, v9;
	v15 =	vand.u32 $0x1FFE00, v15;
	v10 =	vmul.f32 v44, v10  }
0x95: {  	v14 =	vand.u32 $0x7E00, v58;
	v60 =	vor.u32 $0x100, v31;
	v41 =	vld [tilespmem:s25+$0x2000];
	v53 =	vor.u32 v9, v15  }
0x96: {  	v44 =	vld [tilespmem:s25+$0x4000];
	v9 =	vand.u32 $0x7F, v47;
	v10 =	vadd.f32 v39, v10;
	v13 =	vmul.f32 v13, v27  }
0x97: {  	v15 =	vor.u32 v9, v14;
	v9 =	vand.u32 $0x7E00, v59;
	v14 =	vand.u32 $0xFFFF0000, v63;
	v47 =	vld.idx.msk [tilespmem:v18+s21+$0x0], $0xffff  }
0x98: {  	v52 =	vor.u32 v21, v9;
	v21 =	vadd.f32 v10, v45;
	v19 =	vadd.f32 v19, v13  }
0x99: {  	v51 =	vld.idx.msk [tilespmem:v51+s21+$0x0], $0xffff;
	v56 =	vor.u32 $0x80, v53;
	v9 =	vshll.u32 v57, $0x10;
	v10 =	vshll.u32 v63, $0x10  }
0x9a: {  	v63 =	vmul.f32 v16, v27;
	v27 =	vor.u32 $0x100, v53;
	v61 =	vld.idx.msk [tilespmem:v53+s21+$0x0], $0xffff;
	[tilespmem:s10+$0x80] =	vst v21;
	v19 =	vmul.f32 v19, v54  }
0x9b: {  	v16 =	vand.u32 $0xFFFF0000, v41;
	v21 =	vand.u32 $0xFFFF0000, v44;
	v50 =	vld.idx.msk [tilespmem:v60+s21+$0x0], $0xffff;
	v60 =	vmul.f32 v8, v25  }
0x9c: {  	[tilespmem:s8+$0x80] =	vst v46;
	v13 =	vand.u32 $0xFFFF0000, v57;
	v62 =	vld.idx.msk [tilespmem:v15+s21+$0x0], $0xffff;
	v17 =	vadd.f32 v17, v19;
	v19 =	vmul.f32 v21, v47  }
0x9d: {  	v58 =	vld.idx.msk [tilespmem:v22+s21+$0x0], $0xffff;
	v57 =	vmul.f32 v7, v25;
	v54 =	vor.u32 $0x80, v52;
	v22 =	vadd.f32 v6, v60  }
0x9e: {  	v25 =	vor.u32 $0x100, v52;
	v19 =	vadd.f32 v16, v19;
	v49 =	vadd.f32 v17, v63  }
0x9f: {  	[tilespmem:s4+$0x100] =	vst v43;
	v43 =	vld.idx.msk [tilespmem:v52+s21+$0x0], $0xffff;
	v59 =	vmul.f32 v14, v61;
	v45 =	vmul.f32 v10, v61;
	v17 =	vshll.u32 v41, $0x10  }
0xa0: {  	v46 =	vld.idx.msk [tilespmem:v55+s21+$0x0], $0xffff;
	v51 =	vmul.f32 v22, v51;
	v22 =	vshll.u32 v44, $0x10;
	v61 =	vmul.f32 v30, v50  }
0xa1: {  	s12 =	simm.s32 $0xA0;
	v47 =	vmul.f32 v22, v47;
	v48 =	vmul.f32 v19, v62;
	v19 =	vor.u32 $0x180, v53;
	v53 =	vld.idx.msk [tilespmem:v20+s21+$0x0], $0xffff  }
0xa2: {  	s16 =	sand.u32 $0x60, s12;
	v35 =	vld.idx.msk [tilespmem:v35+s21+$0x0], $0xffff;
	v20 =	vor.u32 $0x180, v52;
	v63 =	vadd.f32 v13, v59;
	v59 =	vmul.f32 v2, v58  }
0xa3: {  	s14 =	sand.u32 $0xF80, s12;
	s1 =	sor.u32 $0x10, s16;
	s18 =	simm.s32 $0x200;
	v41 =	vadd.f32 v29, v61;
	v62 =	vadd.f32 v17, v48;
	v48 =	vor.u32 $0x80, v18  }
0xa4: {  	s22 =	sor.u32 s14, s1;
	s13 =	sand.u32 $0x3E00, s18;
	v28 =	vld.idx.msk [tilespmem:v28+s21+$0x0], $0xffff;
	v60 =	vadd.f32 v5, v51;
	v43 =	vmul.f32 v63, v43;
	v61 =	vadd.f32 v3, v59  }
0xa5: {  	s12 =	sadd.s32 $0x16000, s13;
	s24 =	simm.s32 $0x80;
	v52 =	vld [tilespmem:s22+$0x0];
	v41 =	vmul.f32 v41, v46;
	v44 =	vadd.f32 v62, v47;
	v62 =	vor.u32 $0x80, v15  }
0xa6: {  	s15 =	sor.u32 s15, s12;
	v63 =	vmul.f32 v40, v50;
	v50 =	vld [tilespmem:s24+$0x0];
	v43 =	vadd.f32 v9, v43;
	v26 =	vmul.f32 v26, v53  }
0xa7: {  	v35 =	vmul.f32 v61, v35;
	v41 =	vadd.f32 v39, v41;
	[tilespmem:s15+$0x0] =	vst v44;
	v44 =	vadd.f32 v60, v57  }
0xa8: {  	v31 =	vor.u32 $0x180, v31;
	v43 =	vadd.f32 v43, v45;
	v47 =	vld.idx.msk [tilespmem:v48+s21+$0x0], $0xffff;
	v26 =	vadd.f32 v23, v26  }
0xa9: {  	s5 =	sor.u32 s3, s5;
	v55 =	vmul.f32 v4, v58;
	v46 =	vld [tilespmem:s24+$0x2000];
	v35 =	vadd.f32 v1, v35;
	v41 =	vadd.f32 v41, v63  }
0xaa: {  	v58 =	vshrl.u32 v52, $0xB;
	v23 =	vmul.f32 v24, v53;
	[tilespmem:s5+$0x0] =	vst v43;
	v24 =	vmul.f32 v26, v28;
	v28 =	vld.idx.msk [tilespmem:v62+s21+$0x0], $0xffff  }
0xab: {  	v57 =	vshrl.u32 v52, $0xD;
	v59 =	vand.u32 $0x1FFE00, v58;
	v61 =	vshrl.u32 v50, $0xD;
	v43 =	vld.idx.msk [tilespmem:v56+s21+$0x0], $0xffff  }
0xac: {  	v63 =	vshll.u32 v52, $0x2;
	v51 =	vadd.f32 v35, v55;
	v26 =	vor.u32 $0x180, v33;
	[tilespmem:s10+$0x100] =	vst v41;
	v56 =	vld [tilespmem:s22+$0x2000]  }
0xad: {  	v62 =	vshrl.u32 v50, $0xB;
	v48 =	vld.idx.msk [tilespmem:v31+s21+$0x0], $0xffff;
	v31 =	vand.u32 $0x7F, v57;
	v60 =	vmul.f32 v21, v47  }
0xae: {  	v45 =	vld [tilespmem:s24+$0x4000];
	v33 =	vand.u32 $0x7F, v61;
	v41 =	vand.u32 $0x1FFE00, v62;
	v31 =	vor.u32 v31, v59  }
0xaf: {  	s11 =	simm.s32 $0x1;
	v53 =	vor.u32 $0x100, v18;
	v54 =	vld.idx.msk [tilespmem:v54+s21+$0x0], $0xffff;
	s25 =	rddreg [dreg:$0x8];
	[tilespmem:s17+$0x80] =	vst v44;
	v57 =	vor.u32 v33, v41;
	v35 =	vadd.f32 v16, v60  }
0xb0: {  	s7 =	sand.u32 $0x3, s11;
	v62 =	vand.u32 $0x7E00, v63;
	v44 =	vld.idx.msk [tilespmem:v36+s21+$0x0], $0xffff;
	v47 =	vmul.f32 v22, v47;
	v60 =	vshll.u32 v50, $0x2  }
0xb1: {  	s13 =	sshll.u32 s7, $0x5;
	v61 =	vld.idx.msk [tilespmem:v26+s21+$0x0], $0xffff;
	v26 =	vand.u32 $0x7F, v52;
	v50 =	vand.u32 $0x7F, v50;
	v28 =	vmul.f32 v35, v28  }
0xb2: {  	v52 =	vld [tilespmem:s22+$0x4000];
	s22 =	sadd.s32 $0x80, s13;
	v36 =	vand.u32 $0xFFFF0000, v56;
	v63 =	vmul.f32 v30, v48;
	v35 =	vor.u32 v26, v62  }
0xb3: {  	s2 =	sand.u32 $0x3, s2;
	[tilespmem:s8+$0x100] =	vst v51;
	s3 =	sor.u32 s25, s31;
	v30 =	vand.u32 $0xFFFF0000, v45;
	s25 =	sadd.s32 $0x10, s22;
	v26 =	vand.u32 $0x7E00, v60;
	v59 =	vld.idx.msk [tilespmem:v31+s21+$0x0], $0xffff;
	v28 =	vadd.f32 v17, v28  }
0xb4: {  	s26 =	sshll.u32 s2, $0x5;
	v40 =	vmul.f32 v40, v48;
	s8 =	sor.u32 $0x180, s25;
	v41 =	vadd.f32 v29, v63;
	v58 =	vor.u32 v50, v26;
	v50 =	vld.idx.msk [tilespmem:v57+s21+$0x0], $0xffff  }
0xb5: {  	s14 =	simm.s32 $0x2;
	s10 =	sadd.s32 $0x0, s26;
	v48 =	vmul.f32 v10, v43;
	v60 =	vor.u32 $0x100, v15;
	[tilespmem:s8+$0x16000] =	vst v42;
	v42 =	vld.idx.msk [tilespmem:v34+s21+$0x0], $0xffff;
	v47 =	vadd.f32 v28, v47  }
0xb6: {  	s24 =	sand.u32 $0x3, s14;
	s4 =	sor.u32 $0x180, s10;
	v29 =	vand.u32 $0xFFFF0000, v46;
	v41 =	vmul.f32 v41, v61;
	v61 =	vmul.f32 v14, v43;
	v43 =	vld.idx.msk [tilespmem:v38+s21+$0x0], $0xffff  }
0xb7: {  	s2 =	sshll.u32 s3, $0xD;
	s3 =	sadd.s32 $0x10, s10;
	s13 =	sshll.u32 s24, $0x5;
	v26 =	vshll.u32 v45, $0x10;
	v45 =	vor.u32 $0x80, v58;
	v33 =	vand.u32 $0xFFFF0000, v52;
	v55 =	vld.idx.msk [tilespmem:v35+s21+$0x0], $0xffff;
	[tilespmem:s15+$0x80] =	vst v47  }
0xb8: {  	s10 =	sor.u32 $0x180, s3;
	s3 =	simm.s32 $0x3;
	s26 =	sadd.s32 $0x100, s13;
	v34 =	vor.u32 $0x180, v58;
	v38 =	vor.u32 $0x180, v57;
	v47 =	vld.idx.msk [tilespmem:v53+s21+$0x0], $0xffff;
	v53 =	vmul.f32 v33, v59  }
0xb9: {  	s14 =	sand.u32 $0x3, s3;
	[tilespmem:s10+$0x16000] =	vst v32;
	s24 =	sadd.s32 $0x10, s26;
	v32 =	vshll.u32 v52, $0x10;
	v28 =	vshll.u32 v46, $0x10;
	v41 =	vadd.f32 v39, v41  }
0xba: {  	s7 =	sor.u32 $0x180, s22;
	s22 =	sshll.u32 s14, $0x5;
	s10 =	sor.u32 $0x180, s24;
	v46 =	vor.u32 $0x80, v57;
	v61 =	vadd.f32 v13, v61;
	v53 =	vadd.f32 v36, v53  }
0xbb: {  	s13 =	sadd.s32 $0x180, s22;
	[tilespmem:s10+$0x16000] =	vst v49;
	v39 =	vor.u32 $0x100, v57;
	v57 =	vor.u32 $0x80, v31;
	v51 =	vmul.f32 v30, v50;
	v49 =	vld.idx.msk [tilespmem:v58+s21+$0x0], $0xffff  }
0xbc: {  	s30 =	simm.s32 $0x280;
	s25 =	sadd.s32 $0x10, s13;
	v62 =	vadd.f32 v41, v40;
	v53 =	vmul.f32 v53, v55;
	v55 =	vmul.f32 v61, v54;
	v54 =	vld.idx.msk [tilespmem:v60+s21+$0x0], $0xffff  }
0xbd: {  	s9 =	sor.u32 s9, s12;
	s8 =	sor.u32 $0x180, s26;
	s26 =	sor.u32 $0x180, s25;
	v50 =	vmul.f32 v26, v50;
	v40 =	vld.idx.msk [tilespmem:v37+s21+$0x0], $0xffff;
	v37 =	vshll.u32 v56, $0x10;
	v56 =	vmul.f32 v21, v47  }
0xbe: {  	s12 =	simm.s32 $0xC0;
	s11 =	simm.s32 $0xA;
	s10 =	sor.u32 $0x180, s13;
	v41 =	vor.u32 $0x100, v58;
	v59 =	vmul.f32 v32, v59;
	[tilespmem:s26+$0x16000] =	vst v62;
	v58 =	vadd.f32 v37, v53  }
.LBB2_3:
0xbf: {  	s24 =	sand.u32 $0x60, s12;
	s13 =	sand.u32 $0xF80, s12;
	s14 =	sand.u32 $0x3E00, s30;
	v51 =	vadd.f32 v29, v51;
	v52 =	vadd.f32 v16, v56;
	v53 =	vmul.f32 v8, v44  }
0xc0: {  	s11 =	sadd.s32 $0x2, s11;
	v55 =	vadd.f32 v9, v55;
	v44 =	vmul.f32 v7, v44;
	s25 =	sor.u32 $0x10, s24;
	s14 =	sadd.s32 $0x16000, s14;
	v56 =	vadd.f32 v58, v59  }
0xc1: {  	p1 =	slt.u32 s11, $0xFE;
	s13 =	sor.u32 s13, s25;
	s22 =	sor.u32 s1, s14;
	v49 =	vmul.f32 v51, v49;
	v51 =	vmul.f32 v52, v54;
	v52 =	vadd.f32 v6, v53  }
0xc2: {  	s26 =	sshra.s32 s30, $0x2;
	s14 =	sor.u32 s16, s14;
	v54 =	vor.u32 $0x80, v35;
	v48 =	vadd.f32 v55, v48;
	v55 =	vmul.f32 v2, v40;
	v2 =	vmovc v8;
	s16 =	smov.u32 s24;
	v53 =	vld [tilespmem:s13+$0x0];
	[tilespmem:s22+$0x0] =	vst v56  }
0xc3: {  	v47 =	vmul.f32 v22, v47;
	s1 =	smov.u32 s25;
	v56 =	vld.idx.msk [tilespmem:v57+s21+$0x0], $0xffff;
	v58 =	vadd.f32 v17, v51;
	v51 =	vor.u32 $0x180, v18;
	v18 =	vmovc v31  }
0xc4: {  	v31 =	vadd.f32 v28, v49;
	v43 =	vmul.f32 v52, v43;
	v3 =	vadd.f32 v3, v55;
	v57 =	vld [tilespmem:s26+$0x0];
	[tilespmem:s5+$0x80] =	vst v48  }
0xc5: {  	v4 =	vmul.f32 v4, v40;
	v0 =	vadd.f32 v0, v24;
	v8 =	vmovc v14;
	v48 =	vld [tilespmem:s26+$0x4000];
	v47 =	vadd.f32 v58, v47  }
0xc6: {  	v14 =	vmovc v30;
	v31 =	vadd.f32 v31, v50;
	v40 =	vadd.f32 v5, v43;
	v24 =	vmul.f32 v3, v42;
	v49 =	vld [tilespmem:s26+$0x2000]  }
0xc7: {  	v0 =	vadd.f32 v0, v23;
	v23 =	vmovc v4;
	v42 =	vor.u32 $0x180, v15;
	v15 =	vmov v35;
	v30 =	vld.idx.msk [tilespmem:v54+s21+$0x0], $0xffff;
	[tilespmem:s15+$0x100] =	vst v47;
	s15 =	smov.u32 s22  }
0xc8: {  	v4 =	vshrl.u32 v53, $0xD;
	v35 =	vshrl.u32 v53, $0xB;
	v40 =	vadd.f32 v40, v44;
	v3 =	vmovc v6;
	[tilespmem:s9+$0x0] =	vst v31;
	v50 =	vld.idx.msk [tilespmem:v51+s21+$0x0], $0xffff  }
0xc9: {  	v6 =	vmovc v13;
	v4 =	vand.u32 $0x7F, v4;
	v31 =	vand.u32 $0x1FFE00, v35;
	v35 =	vmul.f32 v33, v56;
	v51 =	vld.idx.msk [tilespmem:v46+s21+$0x0], $0xffff;
	[tilespmem:s4+$0x16000] =	vst v0;
	s4 =	smov.u32 s7;
	s7 =	smov.u32 s8;
	s8 =	smov.u32 s10  }
0xca: {  	v13 =	vmovc v29;
	v31 =	vor.u32 v4, v31;
	v43 =	vshrl.u32 v57, $0xD;
	v4 =	vshrl.u32 v57, $0xB;
	v52 =	vld.idx.msk [tilespmem:v45+s21+$0x0], $0xffff;
	[tilespmem:s17+$0x100] =	vst v40;
	s17 =	smov.u32 s5;
	s5 =	smov.u32 s9;
	s9 =	smov.u32 s14  }
0xcb: {  	v0 =	vmovc v1;
	v1 =	vmovc v5;
	v29 =	vand.u32 $0x7F, v43;
	v45 =	vand.u32 $0x1FFE00, v4;
	v35 =	vadd.f32 v36, v35;
	v44 =	vld.idx.msk [tilespmem:v27+s21+$0x0], $0xffff  }
0xcc: {  	v5 =	vmovc v9;
	v9 =	vmovc v28;
	v40 =	vshll.u32 v57, $0x2;
	v27 =	vshll.u32 v53, $0x2;
	v54 =	vor.u32 v29, v45;
	v42 =	vld.idx.msk [tilespmem:v42+s21+$0x0], $0xffff  }
0xcd: {  	v28 =	vand.u32 $0x7F, v53;
	v45 =	vand.u32 $0x7E00, v27;
	v29 =	vmul.f32 v35, v30;
	v4 =	vmovc v7;
	v7 =	vmovc v10;
	v43 =	vld.idx.msk [tilespmem:v25+s21+$0x0], $0xffff  }
0xce: {  	v10 =	vmovc v26;
	v35 =	vor.u32 v28, v45;
	v28 =	vand.u32 $0x7E00, v40;
	v46 =	vmul.f32 v21, v50;
	v21 =	vmovc v33;
	v53 =	vld [tilespmem:s13+$0x4000]  }
0xcf: {  	v47 =	vor.u32 $0x100, v18;
	v33 =	vmul.f32 v32, v56;
	v26 =	vadd.f32 v37, v29;
	v27 =	vmovc v39;
	v59 =	vld.idx.msk [tilespmem:v31+s21+$0x0], $0xffff  }
0xd0: {  	v30 =	vand.u32 $0xFFFF0000, v48;
	v25 =	vmovc v41;
	v39 =	vand.u32 $0x7F, v57;
	v45 =	vadd.f32 v16, v46;
	v16 =	vmovc v36;
	v40 =	vld.idx.msk [tilespmem:v12+s21+$0x0], $0xffff  }
0xd1: {  	v29 =	vand.u32 $0xFFFF0000, v49;
	v55 =	vor.u32 v39, v28;
	v33 =	vadd.f32 v26, v33;
	v12 =	vmovc v19;
	v19 =	vmovc v38;
	v56 =	vld [tilespmem:s13+$0x2000]  }
0xd2: {  	s3 =	sadd.s32 $0x1, s3;
	v28 =	vshll.u32 v49, $0x10;
	v26 =	vshll.u32 v48, $0x10;
	v36 =	vmul.f32 v45, v42;
	v38 =	vld.idx.msk [tilespmem:v54+s21+$0x0], $0xffff  }
0xd3: {  	v58 =	vor.u32 $0x100, v15;
	s10 =	sand.u32 $0x3, s3;
	v46 =	vor.u32 $0x80, v54;
	v45 =	vor.u32 $0x80, v55;
	v57 =	vld.idx.msk [tilespmem:v35+s21+$0x0], $0xffff;
	[tilespmem:s15+$0x80] =	vst v33  }
0xd4: {  	s10 =	sshll.u32 s10, $0x5;
	v61 =	vmul.f32 v22, v50;
	v33 =	vand.u32 $0xFFFF0000, v53;
	v41 =	vadd.f32 v17, v36;
	v17 =	vmovc v37;
	v47 =	vld.idx.msk [tilespmem:v47+s21+$0x0], $0xffff  }
0xd5: {  	v50 =	vmul.f32 v14, v51;
	v39 =	vor.u32 $0x100, v54;
	s13 =	sadd.s32 s10, s18;
	s18 =	smov.u32 s30;
	v37 =	vmul.f32 v33, v59;
	v42 =	vld.idx.msk [tilespmem:v11+s21+$0x0], $0xffff;
	v11 =	vmovc v20  }
0xd6: {  	v48 =	vmul.f32 v10, v51;
	s10 =	sor.u32 $0x180, s13;
	s13 =	sadd.s32 $0x10, s13;
	v60 =	vadd.f32 v41, v61;
	v20 =	vmovc v34;
	v36 =	vand.u32 $0xFFFF0000, v56;
	v49 =	vld.idx.msk [tilespmem:v55+s21+$0x0], $0xffff  }
.Ltmp0:
0xd7: {  	v22 =	vmovc v32;
	s13 =	sor.u32 $0x180, s13;
	v41 =	vor.u32 $0x100, v55;
	v34 =	vadd.f32 v36, v37;
	v37 =	vadd.f32 v13, v50;
	(pc) =	sbr.rel @p1 .LBB2_3-.Ltmp0, $4  }
0xd8: {  	v51 =	vmul.f32 v30, v38;
	v50 =	vmul.f32 v26, v38;
	v38 =	vor.u32 $0x180, v54;
	v54 =	vld.idx.msk [tilespmem:v58+s21+$0x0], $0xffff;
	[tilespmem:s13+$0x16000] =	vst v60  }
0xd9: {  	v57 =	vmul.f32 v34, v57;
	v34 =	vor.u32 $0x180, v55;
	v55 =	vmul.f32 v37, v52  }
0xda: {  	v32 =	vshll.u32 v53, $0x10;
	v37 =	vshll.u32 v56, $0x10;
	v56 =	vmul.f32 v21, v47  }
0xdb: {  	s12 =	sadd.s32 $0x20, s12;
	s30 =	sadd.s32 $0x80, s30;
	v59 =	vmul.f32 v32, v59;
	v58 =	vadd.f32 v37, v57;
	v57 =	vor.u32 $0x80, v31  }
0xdc: {  	s11 =	sshra.s32 s30, $0x2  }
0xdd: {  	v52 =	vld [tilespmem:s11+$0x0];
	_ =	sdelay $0x4  }
0xde: {  	v53 =	vshrl.u32 v52, $0xD;
	v60 =	vshrl.u32 v52, $0xB  }
0xdf: {  	v53 =	vand.u32 $0x7F, v53;
	v60 =	vand.u32 $0x1FFE00, v60  }
0xe0: {  	v63 =	vshll.u32 v52, $0x2;
	v60 =	vor.u32 v53, v60  }
0xe1: {  	v52 =	vand.u32 $0x7F, v52;
	v53 =	vand.u32 $0x7E00, v63  }
0xe2: {  	[tilespmem:$0x1FFD0] =	vst v60;
	v52 =	vor.u32 v52, v53  }
0xe3: {  	v61 =	vld [tilespmem:s11+$0x4000];
	[tilespmem:$0x1FFE0] =	vst v52  }
0xe4: {  	v63 =	vld [tilespmem:s11+$0x2000]  }
0xe5: {  	v62 =	vld.idx.msk [tilespmem:v60+s21+$0x0], $0xffff;
	_ =	sdelay $0x1  }
0xe6: {  	v53 =	vadd.f32 v29, v51;
	_ =	sdelay $0x1  }
0xe7: {  	s22 =	sand.u32 $0x3E00, s30;
	v49 =	vmul.f32 v53, v49;
	v51 =	vand.u32 $0xFFFF0000, v61  }
0xe8: {  	v58 =	vadd.f32 v58, v59;
	s12 =	sadd.s32 $0x16000, s22;
	v60 =	vld.idx.msk [tilespmem:v52+s21+$0x0], $0xffff;
	v59 =	vand.u32 $0xFFFF0000, v63;
	v52 =	vmul.f32 v51, v62  }
0xe9: {  	s11 =	sor.u32 s1, s12;
	v49 =	vadd.f32 v28, v49;
	[tilespmem:$0x1FFF0] =	vst v59  }
0xea: {  	[tilespmem:s11+$0x0] =	vst v58;
	v52 =	vadd.f32 v59, v52;
	v59 =	vor.u32 $0x80, v35  }
0xeb: {  	v53 =	vld.idx.msk [tilespmem:v57+s21+$0x0], $0xffff;
	v57 =	vadd.f32 v49, v50  }
0xec: {  	v49 =	vshll.u32 v63, $0x10;
	v63 =	vld [tilespmem:$0x1FFD0]  }
0xed: {  	[tilespmem:s9+$0x0] =	vst v57  }
0xee: {  	v52 =	vmul.f32 v52, v60;
	v46 =	vld.idx.msk [tilespmem:v46+s21+$0x0], $0xffff  }
0xef: {  	v50 =	vshll.u32 v61, $0x10;
	v59 =	vld.idx.msk [tilespmem:v59+s21+$0x0], $0xffff  }
0xf0: {  	v61 =	vmul.f32 v50, v62;
	v60 =	vld [tilespmem:$0x1FFE0];
	v52 =	vadd.f32 v49, v52;
	v57 =	vmul.f32 v33, v53  }
0xf1: {  	v58 =	vor.u32 $0x80, v63  }
0xf2: {  	v52 =	vadd.f32 v52, v61;
	v62 =	vadd.f32 v36, v57  }
0xf3: {  	s24 =	sor.u32 s16, s12;
	v45 =	vld.idx.msk [tilespmem:v45+s21+$0x0], $0xffff  }
0xf4: {  	[tilespmem:s24+$0x0] =	vst v52;
	v52 =	vmul.f32 v62, v59;
	v62 =	vmul.f32 v30, v46  }
0xf5: {  	v61 =	vor.u32 $0x80, v60  }
0xf6: {  	v57 =	vld.idx.msk [tilespmem:v58+s21+$0x0], $0xffff;
	v58 =	vadd.f32 v29, v62;
	_ =	sdelay $0x1  }
0xf7: {  	v45 =	vmul.f32 v58, v45;
	v58 =	vld [tilespmem:$0x1FFF0];
	_ =	sdelay $0x1  }
0xf8: {  	v53 =	vmul.f32 v32, v53;
	v52 =	vadd.f32 v37, v52;
	v59 =	vld.idx.msk [tilespmem:v61+s21+$0x0], $0xffff  }
0xf9: {  	v62 =	vmul.f32 v51, v57  }
0xfa: {  	v61 =	vor.u32 $0x100, v31;
	v52 =	vadd.f32 v52, v53  }
0xfb: {  	v53 =	vadd.f32 v16, v56;
	v62 =	vadd.f32 v58, v62  }
0xfc: {  	v55 =	vadd.f32 v9, v55;
	v46 =	vmul.f32 v26, v46;
	v45 =	vadd.f32 v28, v45  }
0xfd: {  	v53 =	vmul.f32 v53, v54;
	[tilespmem:s11+$0x80] =	vst v52;
	v54 =	vor.u32 $0x100, v35;
	v52 =	vmul.f32 v62, v59  }
0xfe: {  	v48 =	vadd.f32 v55, v48;
	v57 =	vmul.f32 v50, v57  }
0xff: {  	v56 =	vld.idx.msk [tilespmem:v61+s21+$0x0], $0xffff;
	v45 =	vadd.f32 v45, v46;
	v46 =	vor.u32 $0x100, v63;
	v52 =	vadd.f32 v49, v52  }
0x100: {  	[tilespmem:s5+$0x80] =	vst v48  }
0x101: {  	v27 =	vld.idx.msk [tilespmem:v27+s21+$0x0], $0xffff;
	v62 =	vmul.f32 v8, v44;
	v52 =	vadd.f32 v52, v57  }
0x102: {  	[tilespmem:s9+$0x80] =	vst v45;
	v48 =	vld.idx.msk [tilespmem:v54+s21+$0x0], $0xffff  }
0x103: {  	v47 =	vmul.f32 v22, v47;
	v45 =	vor.u32 $0x100, v60;
	v39 =	vld.idx.msk [tilespmem:v39+s21+$0x0], $0xffff;
	v62 =	vadd.f32 v6, v62;
	[tilespmem:s24+$0x80] =	vst v52  }
0x104: {  	v18 =	vor.u32 $0x180, v18;
	v61 =	vadd.f32 v17, v53;
	v57 =	vmul.f32 v33, v56;
	v46 =	vld.idx.msk [tilespmem:v46+s21+$0x0], $0xffff  }
0x105: {  	v43 =	vmul.f32 v62, v43  }
0x106: {  	v15 =	vor.u32 $0x180, v15;
	v25 =	vld.idx.msk [tilespmem:v25+s21+$0x0], $0xffff;
	v47 =	vadd.f32 v61, v47;
	v59 =	vadd.f32 v36, v57  }
0x107: {  	v61 =	vmul.f32 v7, v44;
	v41 =	vld.idx.msk [tilespmem:v41+s21+$0x0], $0xffff;
	v62 =	vmul.f32 v14, v27;
	v43 =	vadd.f32 v5, v43  }
0x108: {  	v31 =	vor.u32 $0x180, v31;
	[tilespmem:s15+$0x100] =	vst v47;
	v57 =	vmul.f32 v30, v39;
	v45 =	vld.idx.msk [tilespmem:v45+s21+$0x0], $0xffff;
	v47 =	vmul.f32 v59, v48  }
0x109: {  	v18 =	vld.idx.msk [tilespmem:v18+s21+$0x0], $0xffff;
	v43 =	vadd.f32 v43, v61;
	v59 =	vadd.f32 v13, v62;
	v61 =	vmul.f32 v51, v46  }
0x10a: {  	v62 =	vmul.f32 v32, v56;
	v44 =	vadd.f32 v29, v57;
	v47 =	vadd.f32 v37, v47  }
0x10b: {  	v27 =	vmul.f32 v10, v27;
	v25 =	vmul.f32 v59, v25;
	v56 =	vadd.f32 v58, v61  }
0x10c: {  	v15 =	vld.idx.msk [tilespmem:v15+s21+$0x0], $0xffff;
	v59 =	vor.u32 $0x180, v35;
	v41 =	vmul.f32 v44, v41;
	v57 =	vadd.f32 v47, v62  }
0x10d: {  	v39 =	vmul.f32 v26, v39;
	[tilespmem:s17+$0x100] =	vst v43;
	v25 =	vadd.f32 v9, v25;
	v61 =	vmul.f32 v56, v45  }
0x10e: {  	v21 =	vmul.f32 v21, v18;
	v12 =	vld.idx.msk [tilespmem:v12+s21+$0x0], $0xffff;
	v62 =	vor.u32 $0x180, v63;
	v41 =	vadd.f32 v28, v41;
	[tilespmem:s11+$0x100] =	vst v57  }
0x10f: {  	v25 =	vadd.f32 v25, v27;
	v27 =	vmul.f32 v50, v46;
	v31 =	vld.idx.msk [tilespmem:v31+s21+$0x0], $0xffff;
	v63 =	vadd.f32 v49, v61  }
0x110: {  	v16 =	vadd.f32 v16, v21;
	v11 =	vld.idx.msk [tilespmem:v11+s21+$0x0], $0xffff;
	v21 =	vadd.f32 v41, v39  }
0x111: {  	v2 =	vmul.f32 v2, v40;
	[tilespmem:s5+$0x100] =	vst v25;
	v25 =	vld.idx.msk [tilespmem:v59+s21+$0x0], $0xffff;
	v27 =	vadd.f32 v63, v27  }
0x112: {  	v15 =	vmul.f32 v16, v15;
	[tilespmem:s9+$0x100] =	vst v21;
	v16 =	vld.idx.msk [tilespmem:v19+s21+$0x0], $0xffff  }
0x113: {  	v0 =	vadd.f32 v0, v24;
	v2 =	vadd.f32 v3, v2;
	v3 =	vor.u32 $0x180, v60;
	v19 =	vld.idx.msk [tilespmem:v38+s21+$0x0], $0xffff;
	[tilespmem:s24+$0x100] =	vst v27  }
0x114: {  	v15 =	vadd.f32 v17, v15;
	v17 =	vmul.f32 v22, v18;
	v18 =	vmul.f32 v33, v31;
	v21 =	vld.idx.msk [tilespmem:v62+s21+$0x0], $0xffff  }
0x115: {  	v4 =	vmul.f32 v4, v40;
	v0 =	vadd.f32 v0, v23;
	v8 =	vmul.f32 v8, v12  }
0x116: {  	v2 =	vmul.f32 v2, v42;
	v15 =	vadd.f32 v15, v17;
	v17 =	vadd.f32 v36, v18;
	v18 =	vld.idx.msk [tilespmem:v20+s21+$0x0], $0xffff  }
0x117: {  	v7 =	vmul.f32 v7, v12;
	v12 =	vld.idx.msk [tilespmem:v34+s21+$0x0], $0xffff;
	v6 =	vadd.f32 v6, v8;
	v8 =	vmul.f32 v14, v16  }
0x118: {  	s25 =	sadd.s32 $0x1, s3;
	v1 =	vadd.f32 v1, v2;
	v14 =	vmul.f32 v30, v19;
	v3 =	vld.idx.msk [tilespmem:v3+s21+$0x0], $0xffff;
	v2 =	vmul.f32 v17, v25  }
0x119: {  	s3 =	sand.u32 $0x3, s25;
	s1 =	sadd.s32 $0x1, s25;
	v6 =	vmul.f32 v6, v11;
	v8 =	vadd.f32 v13, v8;
	v11 =	vmul.f32 v51, v21  }
0x11a: {  	s3 =	sshll.u32 s3, $0x5;
	s1 =	sand.u32 $0x3, s1;
	v13 =	vmul.f32 v32, v31;
	v14 =	vadd.f32 v29, v14;
	v2 =	vadd.f32 v37, v2  }
0x11b: {  	s3 =	sadd.s32 s3, s18;
	v1 =	vadd.f32 v1, v4;
	s1 =	sshll.u32 s1, $0x5;
	v4 =	vmul.f32 v8, v18;
	v8 =	vadd.f32 v58, v11  }
0x11c: {  	s26 =	sadd.s32 $0x10, s3;
	s1 =	sadd.s32 s1, s30;
	[tilespmem:s4+$0x16000] =	vst v0;
	v0 =	vadd.f32 v2, v13;
	v2 =	vadd.f32 v5, v6;
	v5 =	vmul.f32 v14, v12  }
0x11d: {  	[tilespmem:s7+$0x16000] =	vst v1;
	s5 =	sor.u32 $0x180, s26;
	s9 =	sadd.s32 $0x10, s1;
	v6 =	vmul.f32 v10, v16;
	v4 =	vadd.f32 v9, v4;
	v3 =	vmul.f32 v8, v3  }
0x11e: {  	[tilespmem:s5+$0x16000] =	vst v15;
	s4 =	sor.u32 $0x180, s9;
	v1 =	vadd.f32 v2, v7;
	v2 =	vmul.f32 v26, v19;
	v5 =	vadd.f32 v28, v5  }
0x11f: {  	[tilespmem:s4+$0x16000] =	vst v0;
	v0 =	vadd.f32 v4, v6;
	v4 =	vmul.f32 v50, v21;
	v3 =	vadd.f32 v49, v3  }
0x120: {  	[tilespmem:s8+$0x16000] =	vst v1;
	v1 =	vadd.f32 v5, v2  }
0x121: {  	s3 =	sor.u32 $0x180, s3;
	[tilespmem:s10+$0x16000] =	vst v0;
	v0 =	vadd.f32 v3, v4  }
0x122: {  	s11 =	rddreg [dreg:$0x2];
	s1 =	sor.u32 $0x180, s1;
	[tilespmem:s3+$0x16000] =	vst v1  }
0x123: {  	s30 =	simm.s32 $0x16000;
	[tilespmem:s1+$0x16000] =	vst v0;
	s1 =	sadd.s32 s11, s2  }
0x124: {  	[hbm4b:s1+s19] =	stream.strided.scatter [tilespmem:s30], [sflag:$0x3], $0x4000, s20, s19, $0x38;
	[tilespmem:$0x1E000] =	vst v63  }
0x125: {  	s1 =	simm.s32 @!p0 $0x4  }
0x126: {  	_ =	swait.ge @!p0 [sflag:s1], $0x4000  }
0x127: {  	[sflag:s1] =	ssyncset.done @!p0 $0x0  }
0x128: {  	s12 =	simm.s32 $0x0;
	[sflag:s1] =	ssyncadd.s32 @!p0 $0xFFFFC000  }
0x129: {  	v0 =	vld [tilespmem:s12+$0x1010];
	_ =	sdelay $0x4  }
0x12a: {  	v1 =	vshrl.u32 v0, $0xD;
	v2 =	vshrl.u32 v0, $0xB  }
0x12b: {  	v1 =	vand.u32 $0x7F, v1;
	v2 =	vand.u32 $0x1FFE00, v2  }
0x12c: {  	v8 =	vor.u32 v1, v2;
	_ =	sdelay $0x1  }
0x12d: {  	v1 =	vshll.u32 v0, $0x2  }
0x12e: {  	v0 =	vand.u32 $0x7F, v0;
	v1 =	vand.u32 $0x7E00, v1  }
0x12f: {  	v2 =	vld [tilespmem:s12+$0x5010];
	v7 =	vor.u32 v0, v1  }
0x130: {  	v0 =	vld.idx.msk [tilespmem:v8+s21+$0x0], $0xffff  }
0x131: {  	v1 =	vld [tilespmem:s12+$0x3010];
	_ =	sdelay $0x1  }
0x132: {  	v3 =	vld [tilespmem:s12+$0x1000]  }
0x133: {  	v6 =	vand.u32 $0xFFFF0000, v2;
	v5 =	vld.idx.msk [tilespmem:v7+s21+$0x0], $0xffff  }
0x134: {  	v9 =	vmul.f32 v6, v0  }
0x135: {  	v4 =	vand.u32 $0xFFFF0000, v1  }
0x136: {  	v9 =	vadd.f32 v4, v9  }
0x137: {  	v10 =	vshrl.u32 v3, $0xD  }
0x138: {  	v11 =	vshrl.u32 v3, $0xB;
	v12 =	vand.u32 $0x7F, v10;
	v5 =	vmul.f32 v9, v5  }
0x139: {  	v14 =	vshll.u32 v2, $0x10;
	v2 =	vor.u32 $0x80, v8;
	v10 =	vshll.u32 v1, $0x10  }
0x13a: {  	s13 =	simm.s32 $0x0;
	v0 =	vmul.f32 v14, v0;
	v9 =	vand.u32 $0x1FFE00, v11;
	v1 =	vadd.f32 v10, v5  }
0x13b: {  	s14 =	sand.u32 $0x60, s13;
	s22 =	simm.s32 $0x40;
	s15 =	sand.u32 $0x3E00, s13;
	v5 =	vor.u32 v12, v9  }
0x13c: {  	s5 =	sor.u32 s14, s15;
	v54 =	vld [tilespmem:s22+$0x1000];
	v0 =	vadd.f32 v1, v0  }
0x13d: {  	s16 =	simm.s32 $0x20;
	s3 =	sadd.s32 $0x1A000, s5;
	v11 =	vld [tilespmem:s12+$0x5000];
	v9 =	vshll.u32 v3, $0x2  }
0x13e: {  	v3 =	vand.u32 $0x7F, v3;
	v12 =	vld [tilespmem:s16+$0x1010];
	v9 =	vand.u32 $0x7E00, v9;
	[tilespmem:s3+$0x10] =	vst v0;
	v0 =	vor.u32 $0x80, v7  }
0x13f: {  	v3 =	vor.u32 v3, v9;
	v2 =	vld.idx.msk [tilespmem:v2+s21+$0x0], $0xffff  }
0x140: {  	v13 =	vld.idx.msk [tilespmem:v5+s21+$0x0], $0xffff  }
0x141: {  	v1 =	vld [tilespmem:s12+$0x3000]  }
0x142: {  	v57 =	vshrl.u32 v54, $0xD  }
0x143: {  	v24 =	vand.u32 $0xFFFF0000, v11;
	v9 =	vshrl.u32 v12, $0xD;
	v15 =	vshrl.u32 v12, $0xB;
	v0 =	vld.idx.msk [tilespmem:v0+s21+$0x0], $0xffff  }
0x144: {  	v9 =	vand.u32 $0x7F, v9;
	v15 =	vand.u32 $0x1FFE00, v15;
	v16 =	vld.idx.msk [tilespmem:v3+s21+$0x0], $0xffff;
	v17 =	vmul.f32 v6, v2  }
0x145: {  	v58 =	vshrl.u32 v54, $0xB;
	v9 =	vor.u32 v9, v15;
	v15 =	vld [tilespmem:s16+$0x1000];
	v18 =	vmul.f32 v24, v13  }
0x146: {  	v27 =	vshll.u32 v11, $0x10;
	v23 =	vand.u32 $0xFFFF0000, v1;
	v11 =	vadd.f32 v4, v17  }
0x147: {  	v19 =	vshll.u32 v12, $0x2;
	v12 =	vand.u32 $0x7F, v12;
	v18 =	vadd.f32 v23, v18  }
0x148: {  	v43 =	vld [tilespmem:s22+$0x5010];
	v19 =	vand.u32 $0x7E00, v19;
	v1 =	vshll.u32 v1, $0x10;
	v0 =	vmul.f32 v11, v0  }
0x149: {  	v11 =	vmul.f32 v27, v13;
	v16 =	vmul.f32 v18, v16;
	v18 =	vld [tilespmem:s16+$0x5010];
	v13 =	vor.u32 v12, v19  }
0x14a: {  	v2 =	vmul.f32 v14, v2;
	v17 =	vor.u32 $0x80, v5;
	v20 =	vld.idx.msk [tilespmem:v9+s21+$0x0], $0xffff;
	v21 =	vshrl.u32 v15, $0xB  }
0x14b: {  	v22 =	vld [tilespmem:s16+$0x3010];
	v12 =	vor.u32 $0x100, v8;
	v19 =	vshrl.u32 v15, $0xD;
	v0 =	vadd.f32 v10, v0  }
0x14c: {  	v21 =	vand.u32 $0x1FFE00, v21;
	v19 =	vand.u32 $0x7F, v19;
	v16 =	vadd.f32 v1, v16  }
0x14d: {  	v26 =	vld [tilespmem:s16+$0x3000];
	v39 =	vshll.u32 v43, $0x10;
	v29 =	vor.u32 v19, v21;
	v0 =	vadd.f32 v0, v2  }
0x14e: {  	v30 =	vor.u32 $0x80, v3;
	v2 =	vadd.f32 v16, v11;
	v16 =	vld.idx.msk [tilespmem:v13+s21+$0x0], $0xffff;
	v11 =	vand.u32 $0xFFFF0000, v18  }
0x14f: {  	v25 =	vld [tilespmem:s16+$0x5000];
	v19 =	vor.u32 $0x100, v7;
	[tilespmem:s3+$0x90] =	vst v0;
	v0 =	vshll.u32 v15, $0x2;
	v21 =	vmul.f32 v11, v20  }
0x150: {  	[tilespmem:s5+$0x1A000] =	vst v2;
	v2 =	vand.u32 $0x7F, v15;
	v31 =	vld.idx.msk [tilespmem:v12+s21+$0x0], $0xffff;
	v0 =	vand.u32 $0x7E00, v0;
	v12 =	vand.u32 $0xFFFF0000, v22  }
0x151: {  	v33 =	vor.u32 $0x100, v5;
	v17 =	vld.idx.msk [tilespmem:v17+s21+$0x0], $0xffff;
	v45 =	vor.u32 v2, v0;
	v0 =	vadd.f32 v12, v21  }
0x152: {  	v28 =	vor.u32 $0x180, v3;
	v48 =	vor.u32 $0x80, v9;
	v18 =	vshll.u32 v18, $0x10;
	v46 =	vld.idx.msk [tilespmem:v29+s21+$0x0], $0xffff  }
0x153: {  	v15 =	vor.u32 $0x100, v3;
	v3 =	vand.u32 $0xFFFF0000, v26;
	v0 =	vmul.f32 v0, v16  }
0x154: {  	v20 =	vmul.f32 v18, v20;
	v21 =	vor.u32 $0x180, v5;
	v16 =	vld.idx.msk [tilespmem:v19+s21+$0x0], $0xffff;
	v19 =	vshll.u32 v22, $0x10  }
0x155: {  	s18 =	simm.s32 $0x20;
	s17 =	simm.s32 $0x80;
	v30 =	vld.idx.msk [tilespmem:v30+s21+$0x0], $0xffff;
	v2 =	vand.u32 $0xFFFF0000, v25;
	v22 =	vmul.f32 v6, v31;
	v47 =	vadd.f32 v19, v0  }
0x156: {  	s1 =	sand.u32 $0x3E00, s17;
	s5 =	sand.u32 $0x60, s18;
	v5 =	vshll.u32 v25, $0x10;
	v0 =	vshll.u32 v26, $0x10;
	v25 =	vmul.f32 v24, v17;
	v26 =	vld.idx.msk [tilespmem:v45+s21+$0x0], $0xffff  }
0x157: {  	s5 =	sor.u32 s5, s1;
	v49 =	vmul.f32 v2, v46;
	v22 =	vadd.f32 v4, v22;
	v20 =	vadd.f32 v47, v20  }
0x158: {  	v60 =	vand.u32 $0x7F, v57;
	v40 =	vand.u32 $0x1FFE00, v58;
	s1 =	sadd.s32 $0x1A000, s5;
	v25 =	vadd.f32 v23, v25  }
0x159: {  	v52 =	vor.u32 $0x80, v13;
	v51 =	vadd.f32 v3, v49;
	v16 =	vmul.f32 v22, v16;
	v22 =	vld [tilespmem:s22+$0x1010];
	[tilespmem:s1+$0x10] =	vst v20  }
0x15a: {  	v62 =	vor.u32 $0x100, v9;
	v8 =	vor.u32 $0x180, v8;
	v25 =	vmul.f32 v25, v30;
	v30 =	vld.idx.msk [tilespmem:v48+s21+$0x0], $0xffff  }
0x15b: {  	v7 =	vor.u32 $0x180, v7;
	v50 =	vor.u32 $0x80, v29;
	v26 =	vmul.f32 v51, v26  }
0x15c: {  	v34 =	vor.u32 $0x180, v29;
	v31 =	vmul.f32 v14, v31;
	v16 =	vadd.f32 v10, v16  }
0x15d: {  	v38 =	vor.u32 $0x80, v45;
	v53 =	vmul.f32 v5, v46;
	v26 =	vadd.f32 v0, v26  }
0x15e: {  	v37 =	vld.idx.msk [tilespmem:v52+s21+$0x0], $0xffff;
	v16 =	vadd.f32 v16, v31;
	v31 =	vshrl.u32 v22, $0xD;
	v55 =	vshrl.u32 v22, $0xB  }
0x15f: {  	v31 =	vand.u32 $0x7F, v31;
	v32 =	vand.u32 $0x1FFE00, v55;
	v56 =	vmul.f32 v11, v30  }
0x160: {  	v63 =	vld [tilespmem:s22+$0x3010];
	v17 =	vmul.f32 v27, v17;
	v25 =	vadd.f32 v1, v25;
	[tilespmem:s3+$0x110] =	vst v16;
	v32 =	vor.u32 v31, v32  }
0x161: {  	v59 =	vshll.u32 v22, $0x2;
	v16 =	vadd.f32 v26, v53;
	v26 =	vld.idx.msk [tilespmem:v8+s21+$0x0], $0xffff;
	v8 =	vadd.f32 v12, v56  }
0x162: {  	v20 =	vor.u32 $0x100, v29;
	v29 =	vld [tilespmem:s22+$0x3000];
	v22 =	vand.u32 $0x7F, v22;
	v42 =	vand.u32 $0x7E00, v59  }
0x163: {  	v17 =	vadd.f32 v25, v17;
	v25 =	vld [tilespmem:s22+$0x5000];
	v36 =	vor.u32 v22, v42;
	v8 =	vmul.f32 v8, v37  }
0x164: {  	v35 =	vor.u32 $0x100, v45;
	v30 =	vmul.f32 v18, v30;
	v53 =	vand.u32 $0x7F, v54;
	v7 =	vld.idx.msk [tilespmem:v7+s21+$0x0], $0xffff  }
0x165: {  	v31 =	vor.u32 $0x180, v45;
	v45 =	vor.u32 v60, v40;
	[tilespmem:s5+$0x1A000] =	vst v16;
	v22 =	vld.idx.msk [tilespmem:v32+s21+$0x0], $0xffff;
	v61 =	vadd.f32 v19, v8  }
0x166: {  	v56 =	vor.u32 $0x100, v13;
	v52 =	vld.idx.msk [tilespmem:v50+s21+$0x0], $0xffff;
	v8 =	vshll.u32 v54, $0x2;
	v6 =	vmul.f32 v6, v26  }
0x167: {  	[tilespmem:s3+$0x80] =	vst v17;
	v44 =	vor.u32 $0x80, v45;
	v16 =	vand.u32 $0x7E00, v8;
	v30 =	vadd.f32 v61, v30  }
0x168: {  	v55 =	vld.idx.msk [tilespmem:v36+s21+$0x0], $0xffff;
	v14 =	vmul.f32 v14, v26;
	v54 =	vadd.f32 v4, v6;
	v16 =	vor.u32 v53, v16  }
0x169: {  	v26 =	vld.idx.msk [tilespmem:v33+s21+$0x0], $0xffff;
	v8 =	vand.u32 $0xFFFF0000, v25;
	v6 =	vand.u32 $0xFFFF0000, v29;
	[tilespmem:s1+$0x90] =	vst v30;
	v30 =	vand.u32 $0xFFFF0000, v43  }
0x16a: {  	v4 =	vshll.u32 v29, $0x10;
	v40 =	vmul.f32 v54, v7;
	v42 =	vld.idx.msk [tilespmem:v62+s21+$0x0], $0xffff;
	v57 =	vmul.f32 v30, v22  }
0x16b: {  	v29 =	vand.u32 $0xFFFF0000, v63;
	v58 =	vmul.f32 v2, v52;
	v7 =	vshll.u32 v25, $0x10;
	v25 =	vld.idx.msk [tilespmem:v45+s21+$0x0], $0xffff  }
0x16c: {  	v15 =	vld.idx.msk [tilespmem:v15+s21+$0x0], $0xffff;
	v13 =	vor.u32 $0x180, v13;
	v10 =	vadd.f32 v10, v40;
	v17 =	vadd.f32 v29, v57  }
0x16d: {  	v33 =	vshll.u32 v63, $0x10;
	v47 =	vor.u32 $0x80, v16;
	v48 =	vadd.f32 v3, v58;
	v60 =	vld.idx.msk [tilespmem:v16+s21+$0x0], $0xffff  }
0x16e: {  	v22 =	vmul.f32 v39, v22;
	v37 =	vadd.f32 v10, v14;
	v10 =	vld.idx.msk [tilespmem:v56+s21+$0x0], $0xffff;
	v14 =	vmul.f32 v17, v55  }
0x16f: {  	v62 =	vor.u32 $0x80, v32;
	v63 =	vmul.f32 v24, v26;
	v17 =	vld.idx.msk [tilespmem:v38+s21+$0x0], $0xffff;
	v59 =	vmul.f32 v11, v42  }
0x170: {  	s25 =	simm.s32 $0x40;
	s24 =	simm.s32 $0x100;
	v26 =	vmul.f32 v27, v26;
	v61 =	vmul.f32 v8, v25;
	v14 =	vadd.f32 v33, v14  }
0x171: {  	s7 =	sand.u32 $0x60, s25;
	s5 =	sand.u32 $0x3E00, s24;
	v54 =	vadd.f32 v23, v63;
	v57 =	vor.u32 $0x180, v9;
	v41 =	vadd.f32 v12, v59  }
0x172: {  	s5 =	sor.u32 s7, s5;
	v9 =	vor.u32 $0x180, v16;
	v50 =	vadd.f32 v6, v61;
	v14 =	vadd.f32 v14, v22  }
0x173: {  	s26 =	simm.s32 $0x60;
	s17 =	sadd.s32 $0x1A000, s5;
	v38 =	vor.u32 $0x100, v16;
	v15 =	vmul.f32 v54, v15;
	v22 =	vmul.f32 v41, v10  }
0x174: {  	v56 =	vld [tilespmem:s26+$0x1010];
	v55 =	vmul.f32 v50, v60;
	v17 =	vmul.f32 v48, v17;
	[tilespmem:s17+$0x10] =	vst v14;
	v14 =	vor.u32 $0x80, v36  }
0x175: {  	v42 =	vmul.f32 v18, v42;
	v15 =	vadd.f32 v1, v15;
	v22 =	vadd.f32 v19, v22;
	v43 =	vld.idx.msk [tilespmem:v62+s21+$0x0], $0xffff  }
0x176: {  	v25 =	vmul.f32 v7, v25;
	v58 =	vadd.f32 v4, v55;
	v16 =	vadd.f32 v0, v17;
	v17 =	vld [tilespmem:s26+$0x1000]  }
0x177: {  	v49 =	vmul.f32 v5, v52;
	v40 =	vor.u32 $0x100, v45;
	v22 =	vadd.f32 v22, v42  }
0x178: {  	v10 =	vor.u32 $0x180, v45;
	v41 =	vadd.f32 v15, v26;
	v25 =	vadd.f32 v58, v25  }
0x179: {  	v42 =	vadd.f32 v16, v49;
	v16 =	vshrl.u32 v56, $0xD;
	v14 =	vld.idx.msk [tilespmem:v14+s21+$0x0], $0xffff;
	[tilespmem:s1+$0x110] =	vst v22;
	v22 =	vshrl.u32 v56, $0xB  }
0x17a: {  	v15 =	vand.u32 $0x7F, v16;
	v26 =	vld.idx.msk [tilespmem:v57+s21+$0x0], $0xffff;
	v16 =	vand.u32 $0x1FFE00, v22;
	v22 =	vmul.f32 v30, v43  }
0x17b: {  	v46 =	vld [tilespmem:s26+$0x5010];
	v59 =	vshrl.u32 v17, $0xD;
	v60 =	vshrl.u32 v17, $0xB;
	v15 =	vor.u32 v15, v16  }
0x17c: {  	v63 =	vld [tilespmem:s26+$0x3000];
	[tilespmem:s5+$0x1A000] =	vst v25;
	v16 =	vand.u32 $0x7F, v59;
	v62 =	vand.u32 $0x1FFE00, v60;
	v22 =	vadd.f32 v29, v22  }
0x17d: {  	v49 =	vor.u32 $0x100, v36;
	v44 =	vld.idx.msk [tilespmem:v44+s21+$0x0], $0xffff;
	v45 =	vor.u32 v16, v62;
	v16 =	vshll.u32 v56, $0x2  }
0x17e: {  	v58 =	vld.idx.msk [tilespmem:v13+s21+$0x0], $0xffff;
	v13 =	vand.u32 $0x7F, v56;
	v16 =	vand.u32 $0x7E00, v16;
	v14 =	vmul.f32 v22, v14  }
0x17f: {  	v61 =	vld [tilespmem:s26+$0x5000];
	v36 =	vor.u32 $0x180, v36;
	v16 =	vor.u32 v13, v16;
	v11 =	vmul.f32 v11, v26  }
0x180: {  	v57 =	vshll.u32 v17, $0x2;
	v43 =	vmul.f32 v39, v43;
	v50 =	vld.idx.msk [tilespmem:v15+s21+$0x0], $0xffff;
	v59 =	vadd.f32 v33, v14  }
0x181: {  	v54 =	vld [tilespmem:s26+$0x3010];
	v17 =	vand.u32 $0x7F, v17;
	v22 =	vand.u32 $0x7E00, v57;
	v25 =	vadd.f32 v12, v11  }
0x182: {  	v53 =	vld.idx.msk [tilespmem:v47+s21+$0x0], $0xffff;
	v60 =	vor.u32 $0x100, v32;
	v55 =	vor.u32 v17, v22;
	v17 =	vadd.f32 v59, v43  }
0x183: {  	v32 =	vor.u32 $0x180, v32;
	v62 =	vmul.f32 v8, v44;
	v22 =	vld.idx.msk [tilespmem:v45+s21+$0x0], $0xffff;
	v25 =	vmul.f32 v25, v58  }
0x184: {  	v13 =	vand.u32 $0xFFFF0000, v63;
	v14 =	vand.u32 $0xFFFF0000, v61;
	v48 =	vld.idx.msk [tilespmem:v16+s21+$0x0], $0xffff;
	[tilespmem:s17+$0x90] =	vst v17;
	v17 =	vand.u32 $0xFFFF0000, v46  }
0x185: {  	[tilespmem:s1+$0x80] =	vst v42;
	v42 =	vadd.f32 v6, v62;
	v19 =	vadd.f32 v19, v25;
	v25 =	vmul.f32 v17, v50  }
0x186: {  	v12 =	vshll.u32 v61, $0x10;
	v61 =	vmul.f32 v18, v26;
	v18 =	vand.u32 $0xFFFF0000, v54  }
0x187: {  	v11 =	vshll.u32 v63, $0x10;
	v42 =	vmul.f32 v42, v53;
	v52 =	vld.idx.msk [tilespmem:v60+s21+$0x0], $0xffff;
	v63 =	vadd.f32 v18, v25  }
0x188: {  	[tilespmem:s3+$0x100] =	vst v41;
	v51 =	vor.u32 $0x80, v45;
	v44 =	vmul.f32 v7, v44;
	v57 =	vld.idx.msk [tilespmem:v20+s21+$0x0], $0xffff;
	v60 =	vmul.f32 v14, v22  }
0x189: {  	v41 =	vld.idx.msk [tilespmem:v55+s21+$0x0], $0xffff;
	v42 =	vadd.f32 v4, v42;
	v59 =	vmul.f32 v12, v22;
	v48 =	vmul.f32 v63, v48  }
0x18a: {  	v22 =	vshll.u32 v46, $0x10;
	v47 =	vadd.f32 v19, v61;
	v19 =	vshll.u32 v54, $0x10;
	v54 =	vld.idx.msk [tilespmem:v21+s21+$0x0], $0xffff  }
0x18b: {  	s18 =	simm.s32 $0x180;
	s7 =	simm.s32 $0x60;
	v49 =	vld.idx.msk [tilespmem:v49+s21+$0x0], $0xffff;
	v63 =	vmul.f32 v22, v50;
	v50 =	vor.u32 $0x80, v15;
	v62 =	vadd.f32 v19, v48  }
0x18c: {  	s9 =	simm.s32 $0x80;
	s8 =	sand.u32 $0x3E00, s18;
	s3 =	sand.u32 $0x60, s7;
	v35 =	vld.idx.msk [tilespmem:v35+s21+$0x0], $0xffff;
	v20 =	vor.u32 $0x180, v45;
	v44 =	vadd.f32 v42, v44;
	v61 =	vmul.f32 v30, v52  }
0x18d: {  	s3 =	sor.u32 s3, s8;
	v56 =	vor.u32 $0x80, v16;
	v42 =	vld [tilespmem:s9+$0x1000];
	v58 =	vadd.f32 v13, v60;
	v46 =	vadd.f32 v62, v63  }
0x18e: {  	v28 =	vld.idx.msk [tilespmem:v28+s21+$0x0], $0xffff;
	s5 =	sadd.s32 $0x1A000, s3;
	v26 =	vor.u32 $0x100, v45;
	v60 =	vmul.f32 v2, v57;
	v45 =	vadd.f32 v29, v61  }
0x18f: {  	v43 =	vor.u32 $0x80, v55;
	v41 =	vmul.f32 v58, v41;
	v24 =	vmul.f32 v24, v54;
	v63 =	vld [tilespmem:s9+$0x1010];
	[tilespmem:s5+$0x10] =	vst v46  }
0x190: {  	v52 =	vmul.f32 v39, v52;
	v62 =	vadd.f32 v3, v60;
	v45 =	vmul.f32 v45, v49;
	v50 =	vld.idx.msk [tilespmem:v50+s21+$0x0], $0xffff  }
0x191: {  	v61 =	vmul.f32 v5, v57;
	v41 =	vadd.f32 v11, v41;
	v24 =	vadd.f32 v23, v24  }
0x192: {  	v60 =	vshrl.u32 v42, $0xD;
	v35 =	vmul.f32 v62, v35;
	v45 =	vadd.f32 v33, v45  }
0x193: {  	v23 =	vmul.f32 v27, v54;
	v27 =	vadd.f32 v41, v59;
	v24 =	vmul.f32 v24, v28  }
0x194: {  	v46 =	vld.idx.msk [tilespmem:v56+s21+$0x0], $0xffff;
	v35 =	vadd.f32 v0, v35;
	v45 =	vadd.f32 v45, v52;
	v57 =	vshrl.u32 v63, $0xD  }
0x195: {  	v58 =	vshrl.u32 v63, $0xB;
	v62 =	vshll.u32 v63, $0x2;
	v28 =	vmul.f32 v17, v50  }
0x196: {  	v48 =	vld [tilespmem:s9+$0x3000];
	v63 =	vand.u32 $0x7F, v63;
	v41 =	vand.u32 $0x7F, v57;
	v59 =	vand.u32 $0x1FFE00, v58  }
0x197: {  	v56 =	vld [tilespmem:s9+$0x5010];
	v52 =	vadd.f32 v35, v61;
	v61 =	vshrl.u32 v42, $0xB;
	[tilespmem:s17+$0x110] =	vst v45;
	v28 =	vadd.f32 v18, v28  }
0x198: {  	[tilespmem:s3+$0x1A000] =	vst v27;
	v35 =	vand.u32 $0x7F, v60;
	v45 =	vand.u32 $0x1FFE00, v61;
	v49 =	vld.idx.msk [tilespmem:v32+s21+$0x0], $0xffff;
	v32 =	vor.u32 v41, v59  }
0x199: {  	v51 =	vld.idx.msk [tilespmem:v51+s21+$0x0], $0xffff;
	v60 =	vand.u32 $0x7E00, v62;
	v53 =	vor.u32 v35, v45;
	v28 =	vmul.f32 v28, v46  }
0x19a: {  	v25 =	vor.u32 $0x100, v55;
	v21 =	vor.u32 $0x180, v55;
	v55 =	vld.idx.msk [tilespmem:v36+s21+$0x0], $0xffff;
	v36 =	vor.u32 v63, v60  }
0x19b: {  	v41 =	vld [tilespmem:s9+$0x5000];
	v63 =	vor.u32 $0x100, v15;
	[tilespmem:s1+$0x100] =	vst v52;
	v27 =	vadd.f32 v19, v28;
	v28 =	vmul.f32 v22, v50  }
0x19c: {  	[tilespmem:s17+$0x80] =	vst v44;
	v61 =	vshll.u32 v42, $0x2;
	v44 =	vld.idx.msk [tilespmem:v31+s21+$0x0], $0xffff  }
0x19d: {  	v42 =	vand.u32 $0x7F, v42;
	v62 =	vand.u32 $0x7E00, v61;
	v54 =	vld.idx.msk [tilespmem:v32+s21+$0x0], $0xffff;
	v60 =	vadd.f32 v27, v28  }
0x19e: {  	v57 =	vor.u32 v42, v62;
	v30 =	vmul.f32 v30, v49;
	v58 =	vld.idx.msk [tilespmem:v53+s21+$0x0], $0xffff  }
0x19f: {  	v45 =	vor.u32 $0x80, v53;
	v31 =	vshll.u32 v56, $0x10;
	v42 =	vor.u32 $0x80, v57;
	v50 =	vld [tilespmem:s9+$0x3010];
	[tilespmem:s5+$0x90] =	vst v60  }
0x1a0: {  	s10 =	sand.u32 $0x3, s13;
	v35 =	vand.u32 $0xFFFF0000, v41;
	v39 =	vmul.f32 v39, v49;
	v30 =	vadd.f32 v29, v30;
	v46 =	vld.idx.msk [tilespmem:v63+s21+$0x0], $0xffff  }
0x1a1: {  	s3 =	sshll.u32 s10, $0x5;
	v49 =	vmul.f32 v14, v51;
	v29 =	vand.u32 $0xFFFF0000, v48;
	v28 =	vshll.u32 v48, $0x10  }
0x1a2: {  	s12 =	sadd.s32 $0x0, s3;
	v61 =	vmul.f32 v30, v55;
	v55 =	vld.idx.msk [tilespmem:v36+s21+$0x0], $0xffff;
	v30 =	vand.u32 $0xFFFF0000, v56;
	v60 =	vor.u32 $0x100, v16  }
0x1a3: {  	s11 =	simm.s32 $0x1;
	s7 =	sadd.s32 $0x10, s12;
	v59 =	vld.idx.msk [tilespmem:v43+s21+$0x0], $0xffff;
	v27 =	vshll.u32 v41, $0x10;
	v48 =	vmul.f32 v12, v51;
	v62 =	vmul.f32 v30, v54  }
0x1a4: {  	s4 =	simm.s32 $0x2;
	s13 =	sand.u32 $0x3, s11;
	s7 =	sor.u32 $0x180, s7;
	v51 =	vld.idx.msk [tilespmem:v57+s21+$0x0], $0xffff;
	v52 =	vmul.f32 v35, v58;
	v43 =	vadd.f32 v33, v61;
	v33 =	vand.u32 $0xFFFF0000, v50  }
0x1a5: {  	s14 =	sand.u32 $0x3, s4;
	s8 =	sshll.u32 s13, $0x5;
	[tilespmem:s7+$0x1A000] =	vst v37;
	v37 =	vshll.u32 v50, $0x10;
	v41 =	vadd.f32 v33, v62;
	v62 =	vld.idx.msk [tilespmem:v40+s21+$0x0], $0xffff;
	v50 =	vmul.f32 v17, v46  }
0x1a6: {  	s15 =	sshll.u32 s14, $0x5;
	s8 =	sadd.s32 $0x80, s8;
	v63 =	vadd.f32 v13, v49;
	v61 =	vadd.f32 v43, v39;
	v39 =	vor.u32 $0x100, v53;
	v43 =	vld.idx.msk [tilespmem:v38+s21+$0x0], $0xffff  }
0x1a7: {  	s11 =	simm.s32 $0x280;
	s22 =	sadd.s32 $0x100, s15;
	s16 =	sadd.s32 $0x10, s8;
	v38 =	vor.u32 $0x180, v53;
	v55 =	vmul.f32 v41, v55;
	v53 =	vadd.f32 v18, v50;
	v50 =	vld.idx.msk [tilespmem:v60+s21+$0x0], $0xffff  }
0x1a8: {  	s25 =	sadd.s32 $0x10, s22;
	s24 =	sor.u32 $0x180, s16;
	s10 =	simm.s32 $0x8;
	v49 =	vmul.f32 v27, v58;
	v40 =	vld.idx.msk [tilespmem:v34+s21+$0x0], $0xffff;
	v34 =	vor.u32 $0x180, v57;
	v58 =	vmul.f32 v63, v59  }
0x1a9: {  	[tilespmem:s24+$0x1A000] =	vst v47;
	s7 =	simm.s32 $0x200;
	s1 =	sor.u32 $0x180, s8;
	s9 =	simm.s32 $0x80;
	v63 =	vmul.f32 v31, v54;
	v54 =	vor.u32 $0x80, v32;
	v47 =	vadd.f32 v37, v55  }
0x1aa: {  	s8 =	sor.u32 $0x180, s25;
	s13 =	sand.u32 $0x3E00, s7;
	s26 =	sand.u32 $0x60, s9;
	v56 =	vadd.f32 v29, v52;
	v41 =	vor.u32 $0x100, v57;
	v52 =	vmul.f32 v8, v62  }
0x1ab: {  	s3 =	sor.u32 $0x180, s12;
	s13 =	sor.u32 s26, s13;
	[tilespmem:s8+$0x1A000] =	vst v61;
	s8 =	sor.u32 $0x180, s22;
	v55 =	vadd.f32 v11, v58;
	v57 =	vadd.f32 v47, v63;
	v47 =	vmul.f32 v7, v62  }
.LBB2_5:
0x1ac: {  	s12 =	sshra.s32 s11, $0x2;
	v51 =	vmul.f32 v56, v51;
	s15 =	sadd.s32 $0x1A000, s13;
	v50 =	vmul.f32 v53, v50;
	v52 =	vadd.f32 v6, v52  }
0x1ad: {  	s10 =	sadd.s32 $0x2, s10;
	v56 =	vor.u32 $0x80, v36;
	v53 =	vld [tilespmem:s12+$0x1010];
	[tilespmem:s15+$0x10] =	vst v57;
	v48 =	vadd.f32 v55, v48;
	v55 =	vmul.f32 v2, v40;
	v2 =	vmovc v8  }
0x1ae: {  	v46 =	vmul.f32 v22, v46;
	p0 =	slt.u32 s10, $0xFE;
	v54 =	vld.idx.msk [tilespmem:v54+s21+$0x0], $0xffff;
	v58 =	vadd.f32 v19, v50;
	v50 =	vor.u32 $0x180, v15;
	v15 =	vmovc v32  }
0x1af: {  	v32 =	vadd.f32 v28, v51;
	v43 =	vmul.f32 v52, v43;
	v57 =	vld [tilespmem:s12+$0x1000];
	[tilespmem:s5+$0x80] =	vst v48;
	v3 =	vadd.f32 v3, v55  }
0x1b0: {  	v5 =	vmul.f32 v5, v40;
	v1 =	vadd.f32 v1, v24;
	v8 =	vmovc v14;
	v48 =	vld [tilespmem:s12+$0x5000];
	v46 =	vadd.f32 v58, v46  }
0x1b1: {  	v14 =	vmovc v35;
	v32 =	vadd.f32 v32, v49;
	v40 =	vadd.f32 v4, v43;
	v51 =	vld [tilespmem:s12+$0x3000];
	v24 =	vmul.f32 v3, v44  }
0x1b2: {  	v1 =	vadd.f32 v1, v23;
	v23 =	vmovc v5;
	v43 =	vor.u32 $0x180, v16;
	v16 =	vmov v36;
	v35 =	vld.idx.msk [tilespmem:v56+s21+$0x0], $0xffff;
	[tilespmem:s5+$0x110] =	vst v46  }
0x1b3: {  	v5 =	vshrl.u32 v53, $0xD;
	v36 =	vshrl.u32 v53, $0xB;
	v40 =	vadd.f32 v40, v47;
	[tilespmem:s13+$0x1A000] =	vst v32;
	v44 =	vld.idx.msk [tilespmem:v50+s21+$0x0], $0xffff;
	v3 =	vmovc v6  }
0x1b4: {  	v5 =	vand.u32 $0x7F, v5;
	v32 =	vand.u32 $0x1FFE00, v36;
	v36 =	vmul.f32 v30, v54;
	v6 =	vmovc v13;
	v47 =	vld.idx.msk [tilespmem:v45+s21+$0x0], $0xffff;
	[tilespmem:s3+$0x1A000] =	vst v1;
	s3 =	smov.u32 s1;
	s1 =	smov.u32 s8  }
0x1b5: {  	v13 =	vmovc v29;
	v46 =	vshrl.u32 v57, $0xD;
	v45 =	vshrl.u32 v57, $0xB;
	v32 =	vor.u32 v5, v32;
	v52 =	vld.idx.msk [tilespmem:v42+s21+$0x0], $0xffff;
	[tilespmem:s17+$0x100] =	vst v40;
	s17 =	smov.u32 s5;
	s5 =	smov.u32 s15  }
0x1b6: {  	v1 =	vmovc v0;
	v0 =	vmovc v4;
	v46 =	vand.u32 $0x7F, v46;
	v29 =	vand.u32 $0x1FFE00, v45;
	v36 =	vadd.f32 v33, v36;
	v58 =	vld.idx.msk [tilespmem:v26+s21+$0x0], $0xffff  }
0x1b7: {  	v4 =	vmovc v11;
	v11 =	vmovc v28;
	v40 =	vshll.u32 v53, $0x2;
	v26 =	vshll.u32 v57, $0x2;
	v50 =	vor.u32 v46, v29;
	v42 =	vld.idx.msk [tilespmem:v43+s21+$0x0], $0xffff  }
0x1b8: {  	v28 =	vand.u32 $0x7F, v53;
	v29 =	vand.u32 $0x7E00, v40;
	v5 =	vmovc v7;
	v7 =	vmovc v12;
	v35 =	vmul.f32 v36, v35;
	v43 =	vld.idx.msk [tilespmem:v25+s21+$0x0], $0xffff  }
0x1b9: {  	v12 =	vmovc v27;
	v45 =	vand.u32 $0x7E00, v26;
	v36 =	vor.u32 v28, v29;
	v29 =	vmul.f32 v17, v44;
	v17 =	vmovc v30;
	v53 =	vld [tilespmem:s12+$0x5010]  }
0x1ba: {  	v46 =	vor.u32 $0x100, v15;
	v28 =	vmul.f32 v31, v54;
	v27 =	vadd.f32 v37, v35;
	v26 =	vmovc v39;
	v55 =	vld.idx.msk [tilespmem:v32+s21+$0x0], $0xffff  }
0x1bb: {  	v30 =	vand.u32 $0x7F, v57;
	v25 =	vmovc v41;
	v35 =	vand.u32 $0xFFFF0000, v48;
	v39 =	vadd.f32 v18, v29;
	v18 =	vmovc v33;
	v40 =	vld.idx.msk [tilespmem:v10+s21+$0x0], $0xffff  }
0x1bc: {  	v54 =	vor.u32 v30, v45;
	v29 =	vand.u32 $0xFFFF0000, v51;
	v30 =	vadd.f32 v27, v28;
	v10 =	vmovc v20;
	v20 =	vmovc v38;
	v56 =	vld [tilespmem:s12+$0x3010]  }
0x1bd: {  	s4 =	sadd.s32 $0x1, s4;
	v28 =	vshll.u32 v51, $0x10;
	v27 =	vshll.u32 v48, $0x10;
	v33 =	vmul.f32 v39, v42;
	v38 =	vld.idx.msk [tilespmem:v50+s21+$0x0], $0xffff  }
0x1be: {  	v59 =	vor.u32 $0x100, v16;
	s8 =	sand.u32 $0x3, s4;
	v45 =	vor.u32 $0x80, v50;
	v42 =	vor.u32 $0x80, v54;
	v57 =	vld.idx.msk [tilespmem:v36+s21+$0x0], $0xffff;
	[tilespmem:s5+$0x90] =	vst v30  }
0x1bf: {  	s8 =	sshll.u32 s8, $0x5;
	v61 =	vmul.f32 v22, v44;
	v30 =	vand.u32 $0xFFFF0000, v53;
	v41 =	vadd.f32 v19, v33;
	v19 =	vmovc v37;
	v46 =	vld.idx.msk [tilespmem:v46+s21+$0x0], $0xffff  }
0x1c0: {  	v49 =	vmul.f32 v14, v47;
	v39 =	vor.u32 $0x100, v50;
	s12 =	sadd.s32 s8, s18;
	s18 =	smov.u32 s7;
	s7 =	smov.u32 s11;
	v37 =	vmul.f32 v30, v55;
	v44 =	vld.idx.msk [tilespmem:v9+s21+$0x0], $0xffff;
	v9 =	vmovc v21  }
0x1c1: {  	v48 =	vmul.f32 v12, v47;
	s8 =	sor.u32 $0x180, s12;
	s12 =	sadd.s32 $0x10, s12;
	v47 =	vadd.f32 v41, v61;
	v21 =	vmovc v34;
	v51 =	vld.idx.msk [tilespmem:v54+s21+$0x0], $0xffff;
	v33 =	vand.u32 $0xFFFF0000, v56  }
0x1c2: {  	v22 =	vmovc v31;
	v60 =	vadd.f32 v13, v49;
	s12 =	sor.u32 $0x180, s12;
	v41 =	vor.u32 $0x100, v54;
	v37 =	vadd.f32 v33, v37  }
0x1c3: {  	v61 =	vmul.f32 v35, v38;
	v49 =	vmul.f32 v27, v38;
	v38 =	vor.u32 $0x180, v50;
	v50 =	vld.idx.msk [tilespmem:v59+s21+$0x0], $0xffff;
	[tilespmem:s12+$0x1A000] =	vst v47  }
.Ltmp1:
0x1c4: {  	v34 =	vor.u32 $0x180, v54;
	v59 =	vmul.f32 v60, v52;
	v47 =	vmul.f32 v37, v57;
	(pc) =	sbr.rel @p0 .LBB2_5-.Ltmp1, $4  }
0x1c5: {  	v31 =	vshll.u32 v53, $0x10;
	v37 =	vshll.u32 v56, $0x10;
	v52 =	vmul.f32 v17, v46  }
0x1c6: {  	s9 =	sadd.s32 $0x20, s9;
	v55 =	vmul.f32 v31, v55;
	v54 =	vor.u32 $0x80, v32;
	v47 =	vadd.f32 v37, v47  }
0x1c7: {  	s13 =	sand.u32 $0x3E00, s11;
	s12 =	sand.u32 $0x60, s9;
	v56 =	vadd.f32 v29, v61;
	v53 =	vadd.f32 v18, v52;
	v52 =	vmul.f32 v8, v58  }
0x1c8: {  	s11 =	sadd.s32 $0x80, s11;
	s13 =	sor.u32 s12, s13;
	v57 =	vadd.f32 v47, v55;
	v55 =	vadd.f32 v11, v59;
	v47 =	vmul.f32 v7, v58  }
0x1c9: {  	v51 =	vmul.f32 v56, v51;
	_ =	sdelay $0x1  }
0x1ca: {  	s9 =	sadd.s32 $0x1A000, s13;
	v51 =	vadd.f32 v28, v51  }
0x1cb: {  	v63 =	vor.u32 $0x80, v36;
	[tilespmem:s9+$0x10] =	vst v57  }
0x1cc: {  	v54 =	vld.idx.msk [tilespmem:v54+s21+$0x0], $0xffff;
	v49 =	vadd.f32 v51, v49;
	_ =	sdelay $0x1  }
0x1cd: {  	[tilespmem:s13+$0x1A000] =	vst v49  }
0x1ce: {  	v45 =	vld.idx.msk [tilespmem:v45+s21+$0x0], $0xffff  }
0x1cf: {  	v58 =	vld.idx.msk [tilespmem:v63+s21+$0x0], $0xffff  }
0x1d0: {  	v59 =	vmul.f32 v30, v54;
	_ =	sdelay $0x1  }
0x1d1: {  	v42 =	vld.idx.msk [tilespmem:v42+s21+$0x0], $0xffff;
	v49 =	vadd.f32 v33, v59  }
0x1d2: {  	v60 =	vmul.f32 v35, v45  }
0x1d3: {  	v49 =	vmul.f32 v49, v58  }
0x1d4: {  	v51 =	vadd.f32 v29, v60  }
0x1d5: {  	v61 =	vor.u32 $0x100, v32;
	v54 =	vmul.f32 v31, v54;
	v49 =	vadd.f32 v37, v49  }
0x1d6: {  	v42 =	vmul.f32 v51, v42  }
0x1d7: {  	v49 =	vadd.f32 v49, v54  }
0x1d8: {  	v48 =	vadd.f32 v55, v48;
	v45 =	vmul.f32 v27, v45;
	v42 =	vadd.f32 v28, v42  }
0x1d9: {  	v62 =	vor.u32 $0x100, v36;
	[tilespmem:s9+$0x90] =	vst v49  }
0x1da: {  	[tilespmem:s5+$0x80] =	vst v48;
	v49 =	vld.idx.msk [tilespmem:v61+s21+$0x0], $0xffff;
	v42 =	vadd.f32 v42, v45  }
0x1db: {  	v26 =	vld.idx.msk [tilespmem:v26+s21+$0x0], $0xffff  }
0x1dc: {  	[tilespmem:s9+$0x80] =	vst v42  }
0x1dd: {  	v56 =	vadd.f32 v6, v52;
	v39 =	vld.idx.msk [tilespmem:v39+s21+$0x0], $0xffff  }
0x1de: {  	v46 =	vmul.f32 v22, v46;
	v54 =	vmul.f32 v53, v50;
	v63 =	vld.idx.msk [tilespmem:v62+s21+$0x0], $0xffff  }
0x1df: {  	v43 =	vmul.f32 v56, v43;
	v25 =	vld.idx.msk [tilespmem:v25+s21+$0x0], $0xffff;
	v55 =	vmul.f32 v30, v49  }
0x1e0: {  	v15 =	vor.u32 $0x180, v15;
	v57 =	vmul.f32 v14, v26;
	v42 =	vadd.f32 v19, v54  }
0x1e1: {  	v43 =	vadd.f32 v4, v43;
	v41 =	vld.idx.msk [tilespmem:v41+s21+$0x0], $0xffff;
	v48 =	vadd.f32 v33, v55  }
0x1e2: {  	v59 =	vadd.f32 v13, v57;
	v42 =	vadd.f32 v42, v46;
	v58 =	vmul.f32 v35, v39  }
0x1e3: {  	v16 =	vor.u32 $0x180, v16;
	v45 =	vmul.f32 v48, v63  }
0x1e4: {  	v43 =	vadd.f32 v43, v47;
	v25 =	vmul.f32 v59, v25;
	[tilespmem:s5+$0x110] =	vst v42;
	v61 =	vadd.f32 v29, v58  }
0x1e5: {  	v62 =	vmul.f32 v31, v49;
	v15 =	vld.idx.msk [tilespmem:v15+s21+$0x0], $0xffff;
	v63 =	vor.u32 $0x180, v32;
	v60 =	vadd.f32 v37, v45  }
0x1e6: {  	v41 =	vmul.f32 v61, v41  }
0x1e7: {  	[tilespmem:s17+$0x100] =	vst v43;
	v26 =	vmul.f32 v12, v26;
	v25 =	vadd.f32 v11, v25;
	v42 =	vadd.f32 v60, v62  }
0x1e8: {  	v10 =	vld.idx.msk [tilespmem:v10+s21+$0x0], $0xffff;
	v39 =	vmul.f32 v27, v39;
	v41 =	vadd.f32 v28, v41  }
0x1e9: {  	v2 =	vmul.f32 v2, v40;
	v25 =	vadd.f32 v25, v26;
	v16 =	vld.idx.msk [tilespmem:v16+s21+$0x0], $0xffff;
	[tilespmem:s9+$0x110] =	vst v42;
	v42 =	vor.u32 $0x180, v36  }
0x1ea: {  	v17 =	vmul.f32 v17, v15;
	v26 =	vld.idx.msk [tilespmem:v63+s21+$0x0], $0xffff;
	v43 =	vadd.f32 v41, v39  }
0x1eb: {  	v2 =	vadd.f32 v3, v2;
	v9 =	vld.idx.msk [tilespmem:v9+s21+$0x0], $0xffff;
	[tilespmem:s5+$0x100] =	vst v25  }
0x1ec: {  	v17 =	vadd.f32 v18, v17;
	v18 =	vld.idx.msk [tilespmem:v20+s21+$0x0], $0xffff;
	[tilespmem:s9+$0x100] =	vst v43  }
0x1ed: {  	v2 =	vmul.f32 v2, v44;
	v3 =	vld.idx.msk [tilespmem:v38+s21+$0x0], $0xffff  }
0x1ee: {  	v8 =	vmul.f32 v8, v10;
	v16 =	vmul.f32 v17, v16;
	v17 =	vld.idx.msk [tilespmem:v42+s21+$0x0], $0xffff  }
0x1ef: {  	v1 =	vadd.f32 v1, v24;
	v0 =	vadd.f32 v0, v2;
	v20 =	vmul.f32 v30, v26  }
0x1f0: {  	v5 =	vmul.f32 v5, v40;
	v6 =	vadd.f32 v6, v8;
	v16 =	vadd.f32 v19, v16;
	v19 =	vld.idx.msk [tilespmem:v21+s21+$0x0], $0xffff  }
0x1f1: {  	v1 =	vadd.f32 v1, v23;
	v14 =	vmul.f32 v14, v18;
	v21 =	vld.idx.msk [tilespmem:v34+s21+$0x0], $0xffff;
	v20 =	vadd.f32 v33, v20  }
0x1f2: {  	v0 =	vadd.f32 v0, v5;
	v2 =	vmul.f32 v6, v9;
	v8 =	vmul.f32 v35, v3  }
0x1f3: {  	s4 =	sadd.s32 $0x1, s4;
	v7 =	vmul.f32 v7, v10;
	v13 =	vadd.f32 v13, v14;
	v10 =	vmul.f32 v20, v17  }
0x1f4: {  	s25 =	sand.u32 $0x3, s4;
	s4 =	sadd.s32 $0x1, s4;
	[tilespmem:s3+$0x1A000] =	vst v1;
	v1 =	vadd.f32 v4, v2;
	v6 =	vadd.f32 v29, v8  }
0x1f5: {  	s4 =	sand.u32 $0x3, s4;
	s5 =	sshll.u32 s25, $0x5;
	v15 =	vmul.f32 v22, v15;
	v8 =	vadd.f32 v37, v10;
	v10 =	vmul.f32 v13, v19  }
0x1f6: {  	s4 =	sshll.u32 s4, $0x5;
	[tilespmem:s1+$0x1A000] =	vst v0;
	v0 =	vadd.f32 v1, v7;
	s5 =	sadd.s32 s5, s18;
	v9 =	vmul.f32 v31, v26;
	v2 =	vmul.f32 v6, v21  }
0x1f7: {  	s4 =	sadd.s32 s4, s7;
	s26 =	sadd.s32 $0x10, s5;
	v5 =	vmul.f32 v12, v18;
	v15 =	vadd.f32 v16, v15;
	v6 =	vadd.f32 v11, v10  }
0x1f8: {  	s11 =	sadd.s32 $0x10, s4;
	[tilespmem:s8+$0x1A000] =	vst v0;
	s10 =	sor.u32 $0x180, s26;
	v1 =	vmul.f32 v27, v3;
	v4 =	vadd.f32 v8, v9;
	v2 =	vadd.f32 v28, v2  }
0x1f9: {  	s12 =	sor.u32 $0x180, s11;
	[tilespmem:s10+$0x1A000] =	vst v15;
	v3 =	vadd.f32 v6, v5  }
0x1fa: {  	s13 =	sor.u32 $0x180, s5;
	[tilespmem:s12+$0x1A000] =	vst v4;
	v0 =	vadd.f32 v2, v1  }
0x1fb: {  	s14 =	sor.u32 $0x180, s4;
	[tilespmem:s13+$0x1A000] =	vst v3  }
0x1fc: {  	[tilespmem:s14+$0x1A000] =	vst v0  }
0x1fd: {  	s15 =	simm.s32 $0x1A000;
	s1 =	rddreg [dreg:$0xa]  }
0x1fe: {  	s16 =	simm.s32 $0x2;
	p0 =	seq.s32 s31, $0xF;
	s1 =	sadd.s32 s2, s1  }
0x1ff: {  	[hbm4b:s1+s19] =	stream.strided.scatter [tilespmem:s15], [sflag:$0x4], $0x4000, s20, s19, $0x38;
	[tilespmem:$0x1E000] =	vst v63  }
0x200: {  	s3 =	simm.s32 @!p0 $0x400;
	s4 =	simm.s32 @!p0 $0x6000;
	_ =	swait.ge [sflag:s16], $0x8000  }
0x201: {  	s18 =	simm.s32 $0x0;
	[sflag:s16] =	ssyncset.done $0x0;
	s1 =	rddreg [dreg:$0xb]  }
0x202: {  	s2 =	simm.s32 @!p0 $0x200;
	[sflag:s16] =	ssyncadd.s32 $0xFFFF8000;
	s1 =	sadd.s32 @!p0 s0, s1  }
0x203: {  	[tilespmem:s4], [sflag:$0x1] =	stream.strided.gather @!p0 [hbm4b:s1+s2], $0x8000, s3, s2, $0x38;
	[tilespmem:$0x1E000] =	vst v63  }
0x204: {  	s17 =	sand.u32 $0x60, s18;
	_ =	swait.ge [sflag:s28], $0x4000  }
0x205: {  	s22 =	sand.u32 $0xF80, s18;
	s24 =	sor.u32 $0x10, s17;
	[sflag:s28] =	ssyncset.done $0x0  }
0x206: {  	s1 =	sor.u32 s22, s24;
	[sflag:s28] =	ssyncadd.s32 $0xFFFFC000  }
0x207: {  	v0 =	vld [tilespmem:s1+$0x0];
	_ =	sdelay $0x4  }
0x208: {  	v1 =	vshrl.u32 v0, $0xD;
	v2 =	vshrl.u32 v0, $0xB  }
0x209: {  	v1 =	vand.u32 $0x7F, v1;
	v2 =	vand.u32 $0x1FFE00, v2  }
0x20a: {  	v3 =	vor.u32 v1, v2;
	_ =	sdelay $0x1  }
0x20b: {  	v1 =	vshll.u32 v0, $0x2  }
0x20c: {  	v0 =	vand.u32 $0x7F, v0;
	v1 =	vand.u32 $0x7E00, v1  }
0x20d: {  	v4 =	vld [tilespmem:s1+$0x4000];
	v13 =	vor.u32 v0, v1  }
0x20e: {  	v0 =	vld.idx.msk [tilespmem:v3+s23+$0x0], $0xffff  }
0x20f: {  	v5 =	vld [tilespmem:s1+$0x2000];
	_ =	sdelay $0x2  }
0x210: {  	v2 =	vand.u32 $0xFFFF0000, v4;
	v6 =	vld.idx.msk [tilespmem:v13+s23+$0x0], $0xffff  }
0x211: {  	v7 =	vmul.f32 v2, v0  }
0x212: {  	v1 =	vand.u32 $0xFFFF0000, v5  }
0x213: {  	v7 =	vadd.f32 v1, v7;
	_ =	sdelay $0x1  }
0x214: {  	s25 =	simm.s32 $0x20;
	v6 =	vmul.f32 v7, v6  }
0x215: {  	s2 =	sand.u32 $0x60, s25;
	v21 =	vshll.u32 v5, $0x10;
	v8 =	vshll.u32 v4, $0x10  }
0x216: {  	s26 =	sor.u32 $0x10, s2;
	s1 =	sand.u32 $0xF80, s25;
	v5 =	vor.u32 $0x80, v3;
	v0 =	vmul.f32 v8, v0;
	v4 =	vadd.f32 v21, v6  }
0x217: {  	s9 =	sand.u32 $0x3E00, s18;
	s1 =	sor.u32 s1, s26  }
0x218: {  	s4 =	sadd.s32 $0x16000, s9;
	v6 =	vld [tilespmem:s1+$0x0];
	v0 =	vadd.f32 v4, v0  }
0x219: {  	s5 =	sor.u32 s24, s4  }
0x21a: {  	[tilespmem:s5+$0x0] =	vst v0;
	v0 =	vor.u32 $0x80, v13  }
0x21b: {  	v4 =	vld.idx.msk [tilespmem:v5+s23+$0x0], $0xffff;
	_ =	sdelay $0x1  }
0x21c: {  	v5 =	vshrl.u32 v6, $0xD;
	v7 =	vshrl.u32 v6, $0xB  }
0x21d: {  	v5 =	vand.u32 $0x7F, v5;
	v7 =	vand.u32 $0x1FFE00, v7  }
0x21e: {  	v7 =	vor.u32 v5, v7;
	v0 =	vld.idx.msk [tilespmem:v0+s23+$0x0], $0xffff  }
0x21f: {  	v5 =	vmul.f32 v2, v4  }
0x220: {  	v9 =	vshll.u32 v6, $0x2  }
0x221: {  	v6 =	vand.u32 $0x7F, v6;
	v9 =	vand.u32 $0x7E00, v9;
	v5 =	vadd.f32 v1, v5  }
0x222: {  	v10 =	vld [tilespmem:s1+$0x4000];
	v18 =	vor.u32 v6, v9  }
0x223: {  	v11 =	vld.idx.msk [tilespmem:v7+s23+$0x0], $0xffff;
	v0 =	vmul.f32 v5, v0  }
0x224: {  	s10 =	simm.s32 $0x0;
	v9 =	vld [tilespmem:s1+$0x2000]  }
0x225: {  	v12 =	vld [tilespmem:s10+$0x0];
	v14 =	vor.u32 $0x100, v3;
	v4 =	vmul.f32 v8, v4;
	v0 =	vadd.f32 v21, v0  }
0x226: {  	v19 =	vld [tilespmem:s10+$0x2000]  }
0x227: {  	v6 =	vand.u32 $0xFFFF0000, v10;
	v15 =	vld.idx.msk [tilespmem:v18+s23+$0x0], $0xffff;
	v0 =	vadd.f32 v0, v4  }
0x228: {  	s16 =	simm.s32 $0x20;
	v4 =	vmul.f32 v6, v11  }
0x229: {  	v46 =	vld [tilespmem:s16+$0x0];
	v5 =	vand.u32 $0xFFFF0000, v9;
	[tilespmem:s5+$0x80] =	vst v0  }
0x22a: {  	v0 =	vor.u32 $0x100, v13;
	v4 =	vadd.f32 v5, v4;
	v14 =	vld.idx.msk [tilespmem:v14+s23+$0x0], $0xffff  }
0x22b: {  	v16 =	vshrl.u32 v12, $0xD;
	v17 =	vshrl.u32 v12, $0xB  }
0x22c: {  	v23 =	vand.u32 $0xFFFF0000, v19;
	v16 =	vand.u32 $0x7F, v16;
	v4 =	vmul.f32 v4, v15  }
0x22d: {  	s11 =	simm.s32 $0x40;
	v17 =	vand.u32 $0x1FFE00, v17;
	v10 =	vshll.u32 v10, $0x10;
	v9 =	vshll.u32 v9, $0x10  }
0x22e: {  	s12 =	simm.s32 $0x80;
	s1 =	sand.u32 $0x60, s11;
	v20 =	vor.u32 $0x80, v7;
	v11 =	vmul.f32 v10, v11;
	v15 =	vld [tilespmem:s10+$0x4000];
	v4 =	vadd.f32 v9, v4  }
0x22f: {  	v47 =	vshrl.u32 v46, $0xB;
	v16 =	vor.u32 v16, v17;
	s11 =	sand.u32 $0xF80, s11;
	s13 =	sor.u32 $0x10, s1;
	s10 =	sand.u32 $0x3E00, s12;
	v17 =	vld.idx.msk [tilespmem:v0+s23+$0x0], $0xffff;
	v22 =	vmul.f32 v2, v14  }
0x230: {  	v34 =	vand.u32 $0x1FFE00, v47;
	v3 =	vor.u32 $0x180, v3;
	s15 =	sor.u32 s11, s13;
	s14 =	sadd.s32 $0x16000, s10;
	v4 =	vadd.f32 v4, v11  }
0x231: {  	s8 =	sor.u32 s26, s14;
	v0 =	vshll.u32 v12, $0x2;
	v11 =	vand.u32 $0x7F, v12;
	v12 =	vadd.f32 v1, v22;
	v22 =	vld [tilespmem:s15+$0x0]  }
0x232: {  	v53 =	vor.u32 $0x100, v18;
	v0 =	vand.u32 $0x7E00, v0;
	[tilespmem:s8+$0x0] =	vst v4;
	v4 =	vor.u32 $0x80, v18  }
0x233: {  	v13 =	vor.u32 $0x180, v13;
	v26 =	vand.u32 $0xFFFF0000, v15;
	v25 =	vor.u32 v11, v0;
	v27 =	vld.idx.msk [tilespmem:v20+s23+$0x0], $0xffff  }
0x234: {  	v0 =	vshll.u32 v19, $0x10;
	v19 =	vld.idx.msk [tilespmem:v16+s23+$0x0], $0xffff;
	v24 =	vshll.u32 v15, $0x10;
	v11 =	vmul.f32 v12, v17  }
0x235: {  	v15 =	vor.u32 $0x100, v16;
	v29 =	vor.u32 $0x80, v25;
	v18 =	vor.u32 $0x180, v18  }
0x236: {  	v12 =	vmul.f32 v8, v14;
	v11 =	vadd.f32 v21, v11;
	v14 =	vshrl.u32 v22, $0xD  }
0x237: {  	v17 =	vor.u32 $0x80, v16;
	v4 =	vld.idx.msk [tilespmem:v4+s23+$0x0], $0xffff;
	v20 =	vshrl.u32 v22, $0xB;
	v14 =	vand.u32 $0x7F, v14  }
0x238: {  	s4 =	sor.u32 s17, s4;
	s17 =	simm.s32 $0x60;
	v28 =	vld.idx.msk [tilespmem:v25+s23+$0x0], $0xffff;
	v20 =	vand.u32 $0x1FFE00, v20;
	v30 =	vmul.f32 v6, v27;
	v45 =	vadd.f32 v11, v12  }
0x239: {  	s3 =	sand.u32 $0x60, s17;
	v31 =	vmul.f32 v26, v19;
	v19 =	vmul.f32 v24, v19;
	v11 =	vor.u32 v14, v20  }
0x23a: {  	s25 =	sor.u32 $0x10, s3;
	v48 =	vld [tilespmem:s15+$0x2000];
	s12 =	sand.u32 $0xF80, s17;
	v12 =	vor.u32 $0x100, v25;
	v20 =	vshll.u32 v22, $0x2;
	v14 =	vadd.f32 v5, v30;
	[tilespmem:s5+$0x100] =	vst v45  }
0x23b: {  	s12 =	sor.u32 s12, s25;
	v30 =	vadd.f32 v23, v31;
	v59 =	vor.u32 $0x80, v11;
	v32 =	vld.idx.msk [tilespmem:v3+s23+$0x0], $0xffff;
	v3 =	vand.u32 $0x7F, v22  }
0x23c: {  	v63 =	vld [tilespmem:s12+$0x0];
	v22 =	vand.u32 $0x7E00, v20;
	v20 =	vor.u32 $0x180, v16;
	v4 =	vmul.f32 v14, v4  }
0x23d: {  	v16 =	vmul.f32 v30, v28;
	v30 =	vld [tilespmem:s15+$0x4000];
	v14 =	vor.u32 v3, v22;
	v28 =	vshrl.u32 v46, $0xD  }
0x23e: {  	v50 =	vand.u32 $0x7F, v28;
	v28 =	vor.u32 $0x180, v25;
	v47 =	vor.u32 $0x80, v14;
	v22 =	vld.idx.msk [tilespmem:v11+s23+$0x0], $0xffff  }
0x23f: {  	v49 =	vld [tilespmem:s16+$0x2000];
	v3 =	vadd.f32 v9, v4;
	v4 =	vmul.f32 v10, v27;
	v27 =	vor.u32 $0x100, v7  }
0x240: {  	v31 =	vld [tilespmem:s16+$0x4000];
	v16 =	vadd.f32 v0, v16;
	v25 =	vor.u32 v50, v34;
	v7 =	vor.u32 $0x180, v7  }
0x241: {  	v51 =	vld.idx.msk [tilespmem:v13+s23+$0x0], $0xffff;
	v50 =	vshrl.u32 v63, $0xB;
	v38 =	vor.u32 $0x80, v25;
	v3 =	vadd.f32 v3, v4  }
0x242: {  	v37 =	vor.u32 $0x180, v25;
	v16 =	vadd.f32 v16, v19;
	v52 =	vld.idx.msk [tilespmem:v14+s23+$0x0], $0xffff;
	v13 =	vand.u32 $0xFFFF0000, v30  }
0x243: {  	v4 =	vshll.u32 v46, $0x2;
	v19 =	vand.u32 $0xFFFF0000, v48;
	[tilespmem:s8+$0x80] =	vst v3;
	v54 =	vmul.f32 v13, v22  }
0x244: {  	v4 =	vand.u32 $0x7E00, v4;
	v3 =	vmul.f32 v2, v32;
	[tilespmem:s4+$0x0] =	vst v16;
	v16 =	vand.u32 $0x7F, v46;
	v27 =	vld.idx.msk [tilespmem:v27+s23+$0x0], $0xffff  }
0x245: {  	v8 =	vmul.f32 v8, v32;
	v55 =	vld.idx.msk [tilespmem:v17+s23+$0x0], $0xffff;
	v56 =	vor.u32 v16, v4;
	v16 =	vadd.f32 v19, v54  }
0x246: {  	s22 =	simm.s32 $0x100;
	v2 =	vand.u32 $0xFFFF0000, v31;
	v4 =	vshll.u32 v31, $0x10;
	v31 =	vld.idx.msk [tilespmem:v25+s23+$0x0], $0xffff;
	v17 =	vadd.f32 v1, v3  }
0x247: {  	s24 =	sand.u32 $0x3E00, s22;
	v3 =	vand.u32 $0xFFFF0000, v49;
	v1 =	vshll.u32 v49, $0x10;
	v57 =	vmul.f32 v16, v52  }
0x248: {  	s26 =	sadd.s32 $0x16000, s24;
	v58 =	vld.idx.msk [tilespmem:v53+s23+$0x0], $0xffff;
	v34 =	vmul.f32 v17, v51;
	v17 =	vshll.u32 v48, $0x10;
	v16 =	vshll.u32 v30, $0x10  }
0x249: {  	s11 =	sor.u32 s13, s26;
	s13 =	simm.s32 $0x40;
	v30 =	vmul.f32 v6, v27;
	v22 =	vmul.f32 v16, v22;
	v35 =	vadd.f32 v17, v57  }
0x24a: {  	v39 =	vor.u32 $0x80, v56;
	v36 =	vor.u32 $0x100, v56;
	v49 =	vld [tilespmem:s13+$0x0];
	v60 =	vmul.f32 v26, v55  }
0x24b: {  	v62 =	vmul.f32 v2, v31;
	v30 =	vadd.f32 v5, v30;
	v35 =	vadd.f32 v35, v22  }
0x24c: {  	v29 =	vld.idx.msk [tilespmem:v29+s23+$0x0], $0xffff;
	v21 =	vadd.f32 v21, v34;
	v33 =	vmul.f32 v24, v55;
	v27 =	vmul.f32 v10, v27  }
0x24d: {  	v48 =	vmul.f32 v4, v31;
	v31 =	vshrl.u32 v63, $0xD;
	v30 =	vmul.f32 v30, v58;
	[tilespmem:s11+$0x0] =	vst v35  }
0x24e: {  	v55 =	vshll.u32 v63, $0x2;
	v31 =	vand.u32 $0x7F, v31;
	v32 =	vadd.f32 v21, v8;
	v21 =	vld.idx.msk [tilespmem:v59+s23+$0x0], $0xffff  }
0x24f: {  	v61 =	vld.idx.msk [tilespmem:v56+s23+$0x0], $0xffff;
	v53 =	vshrl.u32 v49, $0xD;
	v34 =	vadd.f32 v23, v60;
	v30 =	vadd.f32 v9, v30  }
0x250: {  	v54 =	vshrl.u32 v49, $0xB;
	v40 =	vand.u32 $0x7E00, v55;
	v57 =	vor.u32 $0x100, v11  }
0x251: {  	v8 =	vmul.f32 v34, v29;
	v34 =	vand.u32 $0x1FFE00, v50;
	v27 =	vadd.f32 v30, v27  }
0x252: {  	v42 =	vadd.f32 v3, v62;
	v60 =	vand.u32 $0x7F, v49;
	v31 =	vor.u32 v31, v34;
	v30 =	vld.idx.msk [tilespmem:v47+s23+$0x0], $0xffff  }
0x253: {  	v43 =	vld [tilespmem:s12+$0x4000];
	v22 =	vor.u32 $0x100, v25;
	v58 =	vshll.u32 v49, $0x2;
	[tilespmem:s8+$0x100] =	vst v27;
	v51 =	vmul.f32 v13, v21  }
0x254: {  	v29 =	vmul.f32 v42, v61;
	v34 =	vor.u32 $0x180, v56;
	v56 =	vand.u32 $0x7F, v63;
	v27 =	vld.idx.msk [tilespmem:v7+s23+$0x0], $0xffff  }
0x255: {  	v52 =	vld [tilespmem:s13+$0x4000];
	v35 =	vand.u32 $0x1FFE00, v54;
	v8 =	vadd.f32 v0, v8;
	v7 =	vadd.f32 v19, v51  }
0x256: {  	v63 =	vor.u32 $0x100, v14;
	v14 =	vor.u32 $0x180, v14;
	v59 =	vld [tilespmem:s12+$0x2000];
	v29 =	vadd.f32 v1, v29  }
0x257: {  	v25 =	vadd.f32 v8, v33;
	v33 =	vor.u32 v56, v40;
	v41 =	vld.idx.msk [tilespmem:v31+s23+$0x0], $0xffff;
	v7 =	vmul.f32 v7, v30  }
0x258: {  	v40 =	vshll.u32 v43, $0x10;
	v8 =	vadd.f32 v29, v48;
	v18 =	vld.idx.msk [tilespmem:v18+s23+$0x0], $0xffff;
	v21 =	vmul.f32 v16, v21  }
0x259: {  	v29 =	vld [tilespmem:s13+$0x2000];
	s8 =	sor.u32 s2, s14;
	[tilespmem:s4+$0x80] =	vst v25;
	v30 =	vand.u32 $0x7F, v53;
	v6 =	vmul.f32 v6, v27;
	v7 =	vadd.f32 v17, v7  }
0x25a: {  	[tilespmem:s8+$0x0] =	vst v8;
	v8 =	vand.u32 $0xFFFF0000, v52;
	v46 =	vor.u32 v30, v35;
	v30 =	vand.u32 $0x7E00, v58  }
0x25b: {  	v15 =	vld.idx.msk [tilespmem:v15+s23+$0x0], $0xffff;
	v45 =	vor.u32 v60, v30;
	v61 =	vadd.f32 v5, v6;
	v7 =	vadd.f32 v7, v21  }
0x25c: {  	v62 =	vld.idx.msk [tilespmem:v33+s23+$0x0], $0xffff;
	v10 =	vmul.f32 v10, v27;
	v30 =	vand.u32 $0xFFFF0000, v43;
	v25 =	vor.u32 $0x80, v46  }
0x25d: {  	v35 =	vor.u32 $0x100, v46;
	v54 =	vmul.f32 v30, v41;
	v21 =	vld.idx.msk [tilespmem:v38+s23+$0x0], $0xffff;
	v18 =	vmul.f32 v61, v18;
	[tilespmem:s11+$0x80] =	vst v7  }
0x25e: {  	v6 =	vand.u32 $0xFFFF0000, v29;
	v5 =	vshll.u32 v29, $0x10;
	v29 =	vand.u32 $0xFFFF0000, v59;
	v50 =	vld.idx.msk [tilespmem:v57+s23+$0x0], $0xffff  }
0x25f: {  	v60 =	vor.u32 $0x80, v31;
	v55 =	vld.idx.msk [tilespmem:v46+s23+$0x0], $0xffff;
	v9 =	vadd.f32 v9, v18;
	v18 =	vadd.f32 v29, v54  }
0x260: {  	v51 =	vor.u32 $0x80, v45;
	v38 =	vor.u32 $0x100, v45;
	v61 =	vmul.f32 v26, v15;
	v57 =	vld.idx.msk [tilespmem:v45+s23+$0x0], $0xffff  }
0x261: {  	v15 =	vmul.f32 v24, v15;
	v42 =	vadd.f32 v9, v10;
	v10 =	vmul.f32 v18, v62;
	v18 =	vld.idx.msk [tilespmem:v39+s23+$0x0], $0xffff  }
0x262: {  	s14 =	simm.s32 $0x80;
	v7 =	vshll.u32 v52, $0x10;
	v27 =	vmul.f32 v2, v21;
	v9 =	vld.idx.msk [tilespmem:v63+s23+$0x0], $0xffff;
	v39 =	vshll.u32 v59, $0x10  }
0x263: {  	s17 =	simm.s32 $0x60;
	s15 =	simm.s32 $0x180;
	s9 =	sand.u32 $0x60, s14;
	v59 =	vld.idx.msk [tilespmem:v12+s23+$0x0], $0xffff;
	v12 =	vmul.f32 v40, v41;
	v10 =	vadd.f32 v39, v10;
	v56 =	vmul.f32 v13, v50  }
0x264: {  	s7 =	sand.u32 $0x3E00, s15;
	s2 =	sand.u32 $0xF80, s14;
	s15 =	sor.u32 $0x10, s9;
	v21 =	vmul.f32 v4, v21;
	v58 =	vmul.f32 v8, v55;
	v27 =	vadd.f32 v3, v27  }
0x265: {  	s7 =	sadd.s32 $0x16000, s7;
	s16 =	sor.u32 s2, s15;
	v43 =	vld [tilespmem:s17+$0x0];
	v44 =	vmul.f32 v7, v55;
	v10 =	vadd.f32 v10, v12;
	v47 =	vadd.f32 v19, v56  }
0x266: {  	s10 =	sor.u32 s25, s7;
	v63 =	vld [tilespmem:s16+$0x0];
	v55 =	vor.u32 $0x180, v11;
	v49 =	vadd.f32 v6, v58;
	v18 =	vmul.f32 v27, v18  }
0x267: {  	v27 =	vadd.f32 v23, v61;
	[tilespmem:s10+$0x0] =	vst v10;
	v10 =	vor.u32 $0x80, v33;
	v9 =	vmul.f32 v47, v9  }
0x268: {  	v11 =	vor.u32 $0x180, v45;
	v54 =	vmul.f32 v16, v50;
	v62 =	vmul.f32 v49, v57;
	v41 =	vld.idx.msk [tilespmem:v60+s23+$0x0], $0xffff  }
0x269: {  	v12 =	vor.u32 $0x180, v46;
	v27 =	vmul.f32 v27, v59;
	v9 =	vadd.f32 v17, v9  }
0x26a: {  	v61 =	vshll.u32 v43, $0x2;
	v18 =	vadd.f32 v1, v18;
	v56 =	vadd.f32 v5, v62  }
0x26b: {  	v60 =	vshll.u32 v63, $0x2;
	v27 =	vadd.f32 v0, v27;
	v9 =	vadd.f32 v9, v54  }
0x26c: {  	v46 =	vadd.f32 v18, v21;
	v18 =	vshrl.u32 v63, $0xB;
	v21 =	vadd.f32 v56, v44;
	v10 =	vld.idx.msk [tilespmem:v10+s23+$0x0], $0xffff  }
0x26d: {  	s2 =	sor.u32 s1, s26;
	v58 =	vld [tilespmem:s17+$0x4000];
	v44 =	vadd.f32 v27, v15;
	v15 =	vand.u32 $0x1FFE00, v18;
	v57 =	vmul.f32 v30, v41;
	[tilespmem:s11+$0x100] =	vst v9  }
0x26e: {  	v41 =	vmul.f32 v40, v41;
	[tilespmem:s2+$0x0] =	vst v21;
	v21 =	vand.u32 $0x7F, v43;
	v9 =	vshrl.u32 v63, $0xD;
	v27 =	vld.idx.msk [tilespmem:v55+s23+$0x0], $0xffff  }
0x26f: {  	v9 =	vand.u32 $0x7F, v9;
	v45 =	vadd.f32 v29, v57;
	v62 =	vld.idx.msk [tilespmem:v14+s23+$0x0], $0xffff;
	v14 =	vand.u32 $0x7E00, v60  }
0x270: {  	v59 =	vld [tilespmem:s17+$0x2000];
	v18 =	vor.u32 v9, v15;
	v9 =	vshrl.u32 v43, $0xD;
	v15 =	vshrl.u32 v43, $0xB  }
0x271: {  	v25 =	vld.idx.msk [tilespmem:v25+s23+$0x0], $0xffff;
	v9 =	vand.u32 $0x7F, v9;
	v15 =	vand.u32 $0x1FFE00, v15;
	v10 =	vmul.f32 v45, v10  }
0x272: {  	v51 =	vld.idx.msk [tilespmem:v51+s23+$0x0], $0xffff;
	v53 =	vor.u32 v9, v15;
	v9 =	vand.u32 $0x7F, v63;
	v63 =	vor.u32 $0x100, v31  }
0x273: {  	v45 =	vld [tilespmem:s16+$0x4000];
	v31 =	vor.u32 $0x180, v31;
	v15 =	vor.u32 v9, v14;
	v9 =	vand.u32 $0x7E00, v61  }
0x274: {  	v43 =	vld [tilespmem:s16+$0x2000];
	v10 =	vadd.f32 v39, v10;
	v14 =	vand.u32 $0xFFFF0000, v58;
	v13 =	vmul.f32 v13, v27  }
0x275: {  	[tilespmem:s8+$0x80] =	vst v46;
	v61 =	vor.u32 $0x100, v33;
	v56 =	vor.u32 $0x80, v53;
	v52 =	vor.u32 v21, v9;
	v47 =	vld.idx.msk [tilespmem:v18+s23+$0x0], $0xffff  }
0x276: {  	v21 =	vadd.f32 v10, v41;
	v10 =	vshll.u32 v58, $0x10;
	v58 =	vld.idx.msk [tilespmem:v22+s23+$0x0], $0xffff;
	v19 =	vadd.f32 v19, v13  }
0x277: {  	v57 =	vmul.f32 v7, v25;
	v9 =	vshll.u32 v59, $0x10;
	v54 =	vor.u32 $0x80, v52;
	v41 =	vld.idx.msk [tilespmem:v53+s23+$0x0], $0xffff  }
0x278: {  	v13 =	vand.u32 $0xFFFF0000, v59;
	[tilespmem:s10+$0x80] =	vst v21;
	v21 =	vand.u32 $0xFFFF0000, v45;
	v19 =	vmul.f32 v19, v62;
	v60 =	vld.idx.msk [tilespmem:v15+s23+$0x0], $0xffff  }
0x279: {  	v50 =	vld.idx.msk [tilespmem:v63+s23+$0x0], $0xffff;
	v62 =	vmul.f32 v16, v27;
	v27 =	vor.u32 $0x100, v53;
	v63 =	vmul.f32 v8, v25  }
0x27a: {  	v16 =	vand.u32 $0xFFFF0000, v43;
	v17 =	vadd.f32 v17, v19;
	v19 =	vmul.f32 v21, v47  }
0x27b: {  	[tilespmem:s4+$0x100] =	vst v44;
	v25 =	vor.u32 $0x100, v52;
	v22 =	vadd.f32 v6, v63;
	v63 =	vmul.f32 v2, v58  }
0x27c: {  	s22 =	simm.s32 $0xA0;
	v44 =	vld.idx.msk [tilespmem:v52+s23+$0x0], $0xffff;
	v19 =	vadd.f32 v16, v19;
	v49 =	vadd.f32 v17, v62;
	v59 =	vmul.f32 v14, v41  }
0x27d: {  	v36 =	vld.idx.msk [tilespmem:v36+s23+$0x0], $0xffff;
	s16 =	sand.u32 $0x60, s22;
	v41 =	vmul.f32 v10, v41;
	v51 =	vmul.f32 v22, v51;
	v22 =	vshll.u32 v45, $0x10  }
0x27e: {  	s25 =	sand.u32 $0xF80, s22;
	s1 =	sor.u32 $0x10, s16;
	v46 =	vld.idx.msk [tilespmem:v61+s23+$0x0], $0xffff;
	v17 =	vshll.u32 v43, $0x10;
	v47 =	vmul.f32 v22, v47;
	v48 =	vmul.f32 v19, v60  }
0x27f: {  	s26 =	sor.u32 s25, s1;
	v19 =	vor.u32 $0x180, v53;
	v60 =	vmul.f32 v30, v50;
	v53 =	vld.idx.msk [tilespmem:v20+s23+$0x0], $0xffff;
	v62 =	vadd.f32 v13, v59  }
0x280: {  	s17 =	simm.s32 $0x200;
	v20 =	vor.u32 $0x180, v52;
	v52 =	vld [tilespmem:s26+$0x0];
	v61 =	vadd.f32 v17, v48;
	v48 =	vor.u32 $0x80, v18  }
0x281: {  	s24 =	sand.u32 $0x3E00, s17;
	v59 =	vadd.f32 v5, v51;
	v43 =	vadd.f32 v29, v60;
	v44 =	vmul.f32 v62, v44  }
0x282: {  	s13 =	simm.s32 $0x80;
	s12 =	sadd.s32 $0x16000, s24;
	v28 =	vld.idx.msk [tilespmem:v28+s23+$0x0], $0xffff;
	v60 =	vadd.f32 v3, v63;
	v62 =	vmul.f32 v40, v50;
	v45 =	vadd.f32 v61, v47  }
0x283: {  	s15 =	sor.u32 s15, s12;
	v63 =	vmul.f32 v4, v58;
	v50 =	vld [tilespmem:s13+$0x0];
	v43 =	vmul.f32 v43, v46;
	v61 =	vor.u32 $0x80, v15  }
0x284: {  	v47 =	vadd.f32 v59, v57;
	v36 =	vmul.f32 v60, v36;
	v26 =	vmul.f32 v26, v53;
	[tilespmem:s15+$0x0] =	vst v45  }
0x285: {  	v44 =	vadd.f32 v9, v44;
	v55 =	vshrl.u32 v52, $0xD;
	v43 =	vadd.f32 v39, v43;
	v45 =	vld.idx.msk [tilespmem:v48+s23+$0x0], $0xffff  }
0x286: {  	v57 =	vshrl.u32 v52, $0xB;
	v36 =	vadd.f32 v1, v36;
	v26 =	vadd.f32 v23, v26  }
0x287: {  	v46 =	vld [tilespmem:s13+$0x4000];
	v41 =	vadd.f32 v44, v41;
	v23 =	vmul.f32 v24, v53;
	v43 =	vadd.f32 v43, v62  }
0x288: {  	v60 =	vshrl.u32 v50, $0xD;
	v48 =	vld [tilespmem:s13+$0x2000];
	v24 =	vmul.f32 v26, v28;
	v26 =	vor.u32 $0x180, v33  }
0x289: {  	s5 =	sor.u32 s3, s7;
	v58 =	vand.u32 $0x1FFE00, v57;
	v28 =	vld.idx.msk [tilespmem:v61+s23+$0x0], $0xffff;
	v61 =	vshrl.u32 v50, $0xB;
	v33 =	vand.u32 $0x7F, v60;
	[tilespmem:s10+$0x100] =	vst v43  }
0x28a: {  	[tilespmem:s5+$0x0] =	vst v41;
	v43 =	vand.u32 $0x1FFE00, v61;
	v44 =	vld.idx.msk [tilespmem:v31+s23+$0x0], $0xffff;
	v31 =	vand.u32 $0x7F, v55;
	v59 =	vmul.f32 v21, v45  }
0x28b: {  	v53 =	vor.u32 $0x100, v18;
	v57 =	vor.u32 v33, v43;
	v43 =	vld.idx.msk [tilespmem:v56+s23+$0x0], $0xffff;
	v31 =	vor.u32 v31, v58  }
0x28c: {  	v51 =	vadd.f32 v36, v63;
	v62 =	vshll.u32 v52, $0x2;
	v56 =	vld [tilespmem:s26+$0x2000];
	v36 =	vadd.f32 v16, v59  }
0x28d: {  	s14 =	sand.u32 $0x3, s18;
	s18 =	simm.s32 $0x1;
	v63 =	vshll.u32 v50, $0x2;
	v50 =	vand.u32 $0x7F, v50;
	v61 =	vand.u32 $0x7E00, v62;
	v60 =	vld.idx.msk [tilespmem:v26+s23+$0x0], $0xffff  }
0x28e: {  	s3 =	sshll.u32 s14, $0x5;
	s7 =	sand.u32 $0x3, s18;
	v45 =	vmul.f32 v22, v45;
	v26 =	vand.u32 $0x7F, v52;
	v52 =	vld [tilespmem:s26+$0x4000];
	v28 =	vmul.f32 v36, v28  }
0x28f: {  	s3 =	sadd.s32 $0x0, s3;
	s24 =	simm.s32 $0x2;
	s22 =	sshll.u32 s7, $0x5;
	v54 =	vld.idx.msk [tilespmem:v54+s23+$0x0], $0xffff;
	v36 =	vor.u32 v26, v61;
	v26 =	vand.u32 $0x7E00, v63;
	v62 =	vmul.f32 v30, v44  }
0x290: {  	s4 =	sor.u32 $0x180, s3;
	s3 =	sadd.s32 $0x10, s3;
	s25 =	sadd.s32 $0x80, s22;
	[tilespmem:s2+$0x80] =	vst v47;
	v30 =	vand.u32 $0xFFFF0000, v46;
	v40 =	vmul.f32 v40, v44;
	v59 =	vld.idx.msk [tilespmem:v31+s23+$0x0], $0xffff;
	v28 =	vadd.f32 v17, v28  }
0x291: {  	s11 =	sadd.s32 $0x10, s25;
	s10 =	sor.u32 $0x180, s3;
	[tilespmem:s8+$0x100] =	vst v51;
	s26 =	sand.u32 $0x3, s24;
	v44 =	vld.idx.msk [tilespmem:v35+s23+$0x0], $0xffff;
	v35 =	vand.u32 $0xFFFF0000, v56;
	v58 =	vor.u32 v50, v26;
	v26 =	vshll.u32 v46, $0x10  }
0x292: {  	s8 =	sor.u32 $0x180, s11;
	[tilespmem:s10+$0x16000] =	vst v32;
	s13 =	sshll.u32 s26, $0x5;
	v55 =	vld.idx.msk [tilespmem:v57+s23+$0x0], $0xffff;
	v46 =	vor.u32 $0x80, v57;
	v41 =	vadd.f32 v29, v62;
	v50 =	vadd.f32 v28, v45  }
0x293: {  	[tilespmem:s8+$0x16000] =	vst v42;
	v42 =	vld.idx.msk [tilespmem:v34+s23+$0x0], $0xffff;
	s18 =	sadd.s32 $0x100, s13;
	v29 =	vand.u32 $0xFFFF0000, v48;
	v34 =	vor.u32 $0x180, v58;
	v33 =	vand.u32 $0xFFFF0000, v52  }
0x294: {  	s24 =	sadd.s32 $0x10, s18;
	v32 =	vshll.u32 v52, $0x10;
	v41 =	vmul.f32 v41, v60;
	v60 =	vor.u32 $0x100, v15;
	v61 =	vld.idx.msk [tilespmem:v36+s23+$0x0], $0xffff;
	[tilespmem:s15+$0x80] =	vst v50  }
0x295: {  	s3 =	simm.s32 $0x3;
	s10 =	sor.u32 $0x180, s24;
	v28 =	vshll.u32 v48, $0x10;
	v50 =	vmul.f32 v33, v59;
	v47 =	vld.idx.msk [tilespmem:v53+s23+$0x0], $0xffff;
	v53 =	vmul.f32 v14, v43  }
0x296: {  	s14 =	sand.u32 $0x3, s3;
	[tilespmem:s10+$0x16000] =	vst v49;
	v45 =	vor.u32 $0x80, v58;
	v48 =	vmul.f32 v10, v43;
	v41 =	vadd.f32 v39, v41  }
0x297: {  	s22 =	sshll.u32 s14, $0x5;
	v51 =	vmul.f32 v30, v55;
	v49 =	vld.idx.msk [tilespmem:v58+s23+$0x0], $0xffff;
	v63 =	vadd.f32 v35, v50;
	v53 =	vadd.f32 v13, v53  }
0x298: {  	s0 =	sadd.s32 s6, s0;
	s13 =	sadd.s32 $0x180, s22;
	v39 =	vor.u32 $0x100, v57;
	v59 =	vmul.f32 v32, v59;
	v43 =	vld.idx.msk [tilespmem:v38+s23+$0x0], $0xffff;
	v50 =	vmul.f32 v26, v55  }
0x299: {  	s9 =	sor.u32 s9, s12;
	s7 =	sor.u32 $0x180, s25;
	s25 =	sadd.s32 $0x10, s13;
	v62 =	vadd.f32 v41, v40;
	v63 =	vmul.f32 v63, v61;
	v55 =	vmul.f32 v53, v54;
	v54 =	vld.idx.msk [tilespmem:v60+s23+$0x0], $0xffff  }
0x29a: {  	s12 =	simm.s32 $0xC0;
	s11 =	simm.s32 $0xA;
	s26 =	sor.u32 $0x180, s25;
	v38 =	vor.u32 $0x180, v57;
	v40 =	vld.idx.msk [tilespmem:v37+s23+$0x0], $0xffff;
	v37 =	vshll.u32 v56, $0x10;
	v56 =	vmul.f32 v21, v47  }
0x29b: {  	s8 =	sor.u32 $0x180, s18;
	s18 =	simm.s32 $0x280;
	s10 =	sor.u32 $0x180, s13;
	v57 =	vor.u32 $0x80, v31;
	v41 =	vor.u32 $0x100, v58;
	[tilespmem:s26+$0x16000] =	vst v62;
	v58 =	vadd.f32 v37, v63  }
.LBB2_7:
0x29c: {  	s22 =	sand.u32 $0x60, s12;
	s13 =	sand.u32 $0xF80, s12;
	s14 =	sand.u32 $0x3E00, s18;
	v51 =	vadd.f32 v29, v51;
	v52 =	vadd.f32 v16, v56;
	v53 =	vmul.f32 v8, v44  }
0x29d: {  	s11 =	sadd.s32 $0x2, s11;
	v55 =	vadd.f32 v9, v55;
	v44 =	vmul.f32 v7, v44;
	s24 =	sor.u32 $0x10, s22;
	s14 =	sadd.s32 $0x16000, s14;
	v56 =	vadd.f32 v58, v59  }
0x29e: {  	p0 =	slt.u32 s11, $0xFE;
	s13 =	sor.u32 s13, s24;
	s25 =	sor.u32 s1, s14;
	v49 =	vmul.f32 v51, v49;
	v51 =	vmul.f32 v52, v54;
	v52 =	vadd.f32 v6, v53  }
0x29f: {  	s26 =	sshra.s32 s18, $0x2;
	s14 =	sor.u32 s16, s14;
	v54 =	vor.u32 $0x80, v36;
	v48 =	vadd.f32 v55, v48;
	v55 =	vmul.f32 v2, v40;
	v2 =	vmovc v8;
	s16 =	smov.u32 s22;
	v53 =	vld [tilespmem:s13+$0x0];
	[tilespmem:s25+$0x0] =	vst v56  }
0x2a0: {  	v47 =	vmul.f32 v22, v47;
	s1 =	smov.u32 s24;
	v56 =	vld.idx.msk [tilespmem:v57+s23+$0x0], $0xffff;
	v58 =	vadd.f32 v17, v51;
	v51 =	vor.u32 $0x180, v18;
	v18 =	vmovc v31  }
0x2a1: {  	v31 =	vadd.f32 v28, v49;
	v43 =	vmul.f32 v52, v43;
	v3 =	vadd.f32 v3, v55;
	v57 =	vld [tilespmem:s26+$0x0];
	[tilespmem:s5+$0x80] =	vst v48  }
0x2a2: {  	v4 =	vmul.f32 v4, v40;
	v0 =	vadd.f32 v0, v24;
	v8 =	vmovc v14;
	v48 =	vld [tilespmem:s26+$0x4000];
	v47 =	vadd.f32 v58, v47  }
0x2a3: {  	v14 =	vmovc v30;
	v31 =	vadd.f32 v31, v50;
	v40 =	vadd.f32 v5, v43;
	v24 =	vmul.f32 v3, v42;
	v49 =	vld [tilespmem:s26+$0x2000]  }
0x2a4: {  	v0 =	vadd.f32 v0, v23;
	v23 =	vmovc v4;
	v42 =	vor.u32 $0x180, v15;
	v15 =	vmov v36;
	v30 =	vld.idx.msk [tilespmem:v54+s23+$0x0], $0xffff;
	[tilespmem:s15+$0x100] =	vst v47;
	s15 =	smov.u32 s25  }
0x2a5: {  	v4 =	vshrl.u32 v53, $0xD;
	v36 =	vshrl.u32 v53, $0xB;
	v40 =	vadd.f32 v40, v44;
	v3 =	vmovc v6;
	[tilespmem:s9+$0x0] =	vst v31;
	v50 =	vld.idx.msk [tilespmem:v51+s23+$0x0], $0xffff  }
0x2a6: {  	v6 =	vmovc v13;
	v4 =	vand.u32 $0x7F, v4;
	v31 =	vand.u32 $0x1FFE00, v36;
	v36 =	vmul.f32 v33, v56;
	v51 =	vld.idx.msk [tilespmem:v46+s23+$0x0], $0xffff;
	[tilespmem:s4+$0x16000] =	vst v0;
	s4 =	smov.u32 s7;
	s7 =	smov.u32 s8;
	s8 =	smov.u32 s10  }
0x2a7: {  	v13 =	vmovc v29;
	v31 =	vor.u32 v4, v31;
	v43 =	vshrl.u32 v57, $0xD;
	v4 =	vshrl.u32 v57, $0xB;
	v52 =	vld.idx.msk [tilespmem:v45+s23+$0x0], $0xffff;
	[tilespmem:s2+$0x100] =	vst v40;
	s2 =	smov.u32 s5;
	s5 =	smov.u32 s9;
	s9 =	smov.u32 s14  }
0x2a8: {  	v0 =	vmovc v1;
	v1 =	vmovc v5;
	v29 =	vand.u32 $0x7F, v43;
	v45 =	vand.u32 $0x1FFE00, v4;
	v36 =	vadd.f32 v35, v36;
	v44 =	vld.idx.msk [tilespmem:v27+s23+$0x0], $0xffff  }
0x2a9: {  	v5 =	vmovc v9;
	v9 =	vmovc v28;
	v40 =	vshll.u32 v57, $0x2;
	v27 =	vshll.u32 v53, $0x2;
	v54 =	vor.u32 v29, v45;
	v42 =	vld.idx.msk [tilespmem:v42+s23+$0x0], $0xffff  }
0x2aa: {  	v28 =	vand.u32 $0x7F, v53;
	v45 =	vand.u32 $0x7E00, v27;
	v29 =	vmul.f32 v36, v30;
	v4 =	vmovc v7;
	v7 =	vmovc v10;
	v43 =	vld.idx.msk [tilespmem:v25+s23+$0x0], $0xffff  }
0x2ab: {  	v10 =	vmovc v26;
	v36 =	vor.u32 v28, v45;
	v28 =	vand.u32 $0x7E00, v40;
	v46 =	vmul.f32 v21, v50;
	v21 =	vmovc v33;
	v53 =	vld [tilespmem:s13+$0x4000]  }
0x2ac: {  	v47 =	vor.u32 $0x100, v18;
	v33 =	vmul.f32 v32, v56;
	v26 =	vadd.f32 v37, v29;
	v27 =	vmovc v39;
	v59 =	vld.idx.msk [tilespmem:v31+s23+$0x0], $0xffff  }
0x2ad: {  	v30 =	vand.u32 $0xFFFF0000, v48;
	v25 =	vmovc v41;
	v39 =	vand.u32 $0x7F, v57;
	v45 =	vadd.f32 v16, v46;
	v16 =	vmovc v35;
	v40 =	vld.idx.msk [tilespmem:v12+s23+$0x0], $0xffff  }
0x2ae: {  	v29 =	vand.u32 $0xFFFF0000, v49;
	v55 =	vor.u32 v39, v28;
	v33 =	vadd.f32 v26, v33;
	v12 =	vmovc v19;
	v19 =	vmovc v38;
	v56 =	vld [tilespmem:s13+$0x2000]  }
0x2af: {  	s3 =	sadd.s32 $0x1, s3;
	v28 =	vshll.u32 v49, $0x10;
	v26 =	vshll.u32 v48, $0x10;
	v35 =	vmul.f32 v45, v42;
	v38 =	vld.idx.msk [tilespmem:v54+s23+$0x0], $0xffff  }
0x2b0: {  	v58 =	vor.u32 $0x100, v15;
	s10 =	sand.u32 $0x3, s3;
	v46 =	vor.u32 $0x80, v54;
	v45 =	vor.u32 $0x80, v55;
	v57 =	vld.idx.msk [tilespmem:v36+s23+$0x0], $0xffff;
	[tilespmem:s15+$0x80] =	vst v33  }
0x2b1: {  	s10 =	sshll.u32 s10, $0x5;
	v61 =	vmul.f32 v22, v50;
	v33 =	vand.u32 $0xFFFF0000, v53;
	v41 =	vadd.f32 v17, v35;
	v17 =	vmovc v37;
	v47 =	vld.idx.msk [tilespmem:v47+s23+$0x0], $0xffff  }
0x2b2: {  	v50 =	vmul.f32 v14, v51;
	v39 =	vor.u32 $0x100, v54;
	s13 =	sadd.s32 s10, s17;
	s17 =	smov.u32 s18;
	v37 =	vmul.f32 v33, v59;
	v42 =	vld.idx.msk [tilespmem:v11+s23+$0x0], $0xffff;
	v11 =	vmovc v20  }
0x2b3: {  	v48 =	vmul.f32 v10, v51;
	s10 =	sor.u32 $0x180, s13;
	s13 =	sadd.s32 $0x10, s13;
	v60 =	vadd.f32 v41, v61;
	v20 =	vmovc v34;
	v35 =	vand.u32 $0xFFFF0000, v56;
	v49 =	vld.idx.msk [tilespmem:v55+s23+$0x0], $0xffff  }
.Ltmp2:
0x2b4: {  	v22 =	vmovc v32;
	s13 =	sor.u32 $0x180, s13;
	v41 =	vor.u32 $0x100, v55;
	v34 =	vadd.f32 v35, v37;
	v37 =	vadd.f32 v13, v50;
	(pc) =	sbr.rel @p0 .LBB2_7-.Ltmp2, $4  }
0x2b5: {  	v51 =	vmul.f32 v30, v38;
	v50 =	vmul.f32 v26, v38;
	v38 =	vor.u32 $0x180, v54;
	v54 =	vld.idx.msk [tilespmem:v58+s23+$0x0], $0xffff;
	[tilespmem:s13+$0x16000] =	vst v60  }
0x2b6: {  	v57 =	vmul.f32 v34, v57;
	v34 =	vor.u32 $0x180, v55;
	v55 =	vmul.f32 v37, v52  }
0x2b7: {  	v32 =	vshll.u32 v53, $0x10;
	v37 =	vshll.u32 v56, $0x10;
	v56 =	vmul.f32 v21, v47  }
0x2b8: {  	s12 =	sadd.s32 $0x20, s12;
	s18 =	sadd.s32 $0x80, s18;
	v59 =	vmul.f32 v32, v59;
	v58 =	vadd.f32 v37, v57;
	v57 =	vor.u32 $0x80, v31  }
0x2b9: {  	s11 =	sshra.s32 s18, $0x2  }
0x2ba: {  	v52 =	vld [tilespmem:s11+$0x0];
	_ =	sdelay $0x4  }
0x2bb: {  	v53 =	vshrl.u32 v52, $0xD;
	v60 =	vshrl.u32 v52, $0xB  }
0x2bc: {  	v53 =	vand.u32 $0x7F, v53;
	v60 =	vand.u32 $0x1FFE00, v60  }
0x2bd: {  	v63 =	vshll.u32 v52, $0x2;
	v60 =	vor.u32 v53, v60  }
0x2be: {  	v52 =	vand.u32 $0x7F, v52;
	v53 =	vand.u32 $0x7E00, v63  }
0x2bf: {  	[tilespmem:$0x1FFA0] =	vst v60;
	v52 =	vor.u32 v52, v53  }
0x2c0: {  	v61 =	vld [tilespmem:s11+$0x4000];
	[tilespmem:$0x1FFB0] =	vst v52  }
0x2c1: {  	v63 =	vld [tilespmem:s11+$0x2000]  }
0x2c2: {  	v62 =	vld.idx.msk [tilespmem:v60+s23+$0x0], $0xffff;
	_ =	sdelay $0x1  }
0x2c3: {  	v53 =	vadd.f32 v29, v51;
	_ =	sdelay $0x1  }
0x2c4: {  	s25 =	sand.u32 $0x3E00, s18;
	v49 =	vmul.f32 v53, v49;
	v51 =	vand.u32 $0xFFFF0000, v61  }
0x2c5: {  	v58 =	vadd.f32 v58, v59;
	s12 =	sadd.s32 $0x16000, s25;
	v60 =	vld.idx.msk [tilespmem:v52+s23+$0x0], $0xffff;
	v59 =	vand.u32 $0xFFFF0000, v63;
	v52 =	vmul.f32 v51, v62  }
0x2c6: {  	s11 =	sor.u32 s1, s12;
	v49 =	vadd.f32 v28, v49;
	[tilespmem:$0x1FFC0] =	vst v59  }
0x2c7: {  	[tilespmem:s11+$0x0] =	vst v58;
	v52 =	vadd.f32 v59, v52;
	v59 =	vor.u32 $0x80, v36  }
0x2c8: {  	v53 =	vld.idx.msk [tilespmem:v57+s23+$0x0], $0xffff;
	v57 =	vadd.f32 v49, v50  }
0x2c9: {  	v49 =	vshll.u32 v63, $0x10;
	v63 =	vld [tilespmem:$0x1FFA0]  }
0x2ca: {  	[tilespmem:s9+$0x0] =	vst v57  }
0x2cb: {  	v52 =	vmul.f32 v52, v60;
	v46 =	vld.idx.msk [tilespmem:v46+s23+$0x0], $0xffff  }
0x2cc: {  	v50 =	vshll.u32 v61, $0x10;
	v59 =	vld.idx.msk [tilespmem:v59+s23+$0x0], $0xffff  }
0x2cd: {  	v61 =	vmul.f32 v50, v62;
	v60 =	vld [tilespmem:$0x1FFB0];
	v52 =	vadd.f32 v49, v52;
	v57 =	vmul.f32 v33, v53  }
0x2ce: {  	v58 =	vor.u32 $0x80, v63  }
0x2cf: {  	v52 =	vadd.f32 v52, v61;
	v62 =	vadd.f32 v35, v57  }
0x2d0: {  	s26 =	sor.u32 s16, s12;
	v45 =	vld.idx.msk [tilespmem:v45+s23+$0x0], $0xffff  }
0x2d1: {  	[tilespmem:s26+$0x0] =	vst v52;
	v52 =	vmul.f32 v62, v59;
	v62 =	vmul.f32 v30, v46  }
0x2d2: {  	v61 =	vor.u32 $0x80, v60  }
0x2d3: {  	v57 =	vld.idx.msk [tilespmem:v58+s23+$0x0], $0xffff;
	v58 =	vadd.f32 v29, v62;
	_ =	sdelay $0x1  }
0x2d4: {  	v45 =	vmul.f32 v58, v45;
	v58 =	vld [tilespmem:$0x1FFC0];
	_ =	sdelay $0x1  }
0x2d5: {  	v53 =	vmul.f32 v32, v53;
	v52 =	vadd.f32 v37, v52;
	v59 =	vld.idx.msk [tilespmem:v61+s23+$0x0], $0xffff  }
0x2d6: {  	v62 =	vmul.f32 v51, v57  }
0x2d7: {  	v61 =	vor.u32 $0x100, v31;
	v52 =	vadd.f32 v52, v53  }
0x2d8: {  	v53 =	vadd.f32 v16, v56;
	v62 =	vadd.f32 v58, v62  }
0x2d9: {  	v55 =	vadd.f32 v9, v55;
	v46 =	vmul.f32 v26, v46;
	v45 =	vadd.f32 v28, v45  }
0x2da: {  	v53 =	vmul.f32 v53, v54;
	[tilespmem:s11+$0x80] =	vst v52;
	v54 =	vor.u32 $0x100, v36;
	v52 =	vmul.f32 v62, v59  }
0x2db: {  	v48 =	vadd.f32 v55, v48;
	v57 =	vmul.f32 v50, v57  }
0x2dc: {  	v56 =	vld.idx.msk [tilespmem:v61+s23+$0x0], $0xffff;
	v45 =	vadd.f32 v45, v46;
	v46 =	vor.u32 $0x100, v63;
	v52 =	vadd.f32 v49, v52  }
0x2dd: {  	[tilespmem:s5+$0x80] =	vst v48  }
0x2de: {  	v27 =	vld.idx.msk [tilespmem:v27+s23+$0x0], $0xffff;
	v62 =	vmul.f32 v8, v44;
	v52 =	vadd.f32 v52, v57  }
0x2df: {  	[tilespmem:s9+$0x80] =	vst v45;
	v48 =	vld.idx.msk [tilespmem:v54+s23+$0x0], $0xffff  }
0x2e0: {  	v47 =	vmul.f32 v22, v47;
	v45 =	vor.u32 $0x100, v60;
	v39 =	vld.idx.msk [tilespmem:v39+s23+$0x0], $0xffff;
	v62 =	vadd.f32 v6, v62;
	[tilespmem:s26+$0x80] =	vst v52  }
0x2e1: {  	v18 =	vor.u32 $0x180, v18;
	v61 =	vadd.f32 v17, v53;
	v57 =	vmul.f32 v33, v56;
	v46 =	vld.idx.msk [tilespmem:v46+s23+$0x0], $0xffff  }
0x2e2: {  	v43 =	vmul.f32 v62, v43  }
0x2e3: {  	v15 =	vor.u32 $0x180, v15;
	v25 =	vld.idx.msk [tilespmem:v25+s23+$0x0], $0xffff;
	v47 =	vadd.f32 v61, v47;
	v59 =	vadd.f32 v35, v57  }
0x2e4: {  	v61 =	vmul.f32 v7, v44;
	v41 =	vld.idx.msk [tilespmem:v41+s23+$0x0], $0xffff;
	v62 =	vmul.f32 v14, v27;
	v43 =	vadd.f32 v5, v43  }
0x2e5: {  	v31 =	vor.u32 $0x180, v31;
	[tilespmem:s15+$0x100] =	vst v47;
	v57 =	vmul.f32 v30, v39;
	v45 =	vld.idx.msk [tilespmem:v45+s23+$0x0], $0xffff;
	v47 =	vmul.f32 v59, v48  }
0x2e6: {  	v18 =	vld.idx.msk [tilespmem:v18+s23+$0x0], $0xffff;
	v43 =	vadd.f32 v43, v61;
	v59 =	vadd.f32 v13, v62;
	v61 =	vmul.f32 v51, v46  }
0x2e7: {  	v62 =	vmul.f32 v32, v56;
	v44 =	vadd.f32 v29, v57;
	v47 =	vadd.f32 v37, v47  }
0x2e8: {  	v27 =	vmul.f32 v10, v27;
	v25 =	vmul.f32 v59, v25;
	v56 =	vadd.f32 v58, v61  }
0x2e9: {  	v15 =	vld.idx.msk [tilespmem:v15+s23+$0x0], $0xffff;
	v59 =	vor.u32 $0x180, v36;
	v41 =	vmul.f32 v44, v41;
	v57 =	vadd.f32 v47, v62  }
0x2ea: {  	v39 =	vmul.f32 v26, v39;
	[tilespmem:s2+$0x100] =	vst v43;
	v25 =	vadd.f32 v9, v25;
	v61 =	vmul.f32 v56, v45  }
0x2eb: {  	v21 =	vmul.f32 v21, v18;
	v12 =	vld.idx.msk [tilespmem:v12+s23+$0x0], $0xffff;
	v62 =	vor.u32 $0x180, v63;
	v41 =	vadd.f32 v28, v41;
	[tilespmem:s11+$0x100] =	vst v57  }
0x2ec: {  	v25 =	vadd.f32 v25, v27;
	v27 =	vmul.f32 v50, v46;
	v31 =	vld.idx.msk [tilespmem:v31+s23+$0x0], $0xffff;
	v63 =	vadd.f32 v49, v61  }
0x2ed: {  	v16 =	vadd.f32 v16, v21;
	v11 =	vld.idx.msk [tilespmem:v11+s23+$0x0], $0xffff;
	v21 =	vadd.f32 v41, v39  }
0x2ee: {  	v2 =	vmul.f32 v2, v40;
	[tilespmem:s5+$0x100] =	vst v25;
	v25 =	vld.idx.msk [tilespmem:v59+s23+$0x0], $0xffff;
	v27 =	vadd.f32 v63, v27  }
0x2ef: {  	v15 =	vmul.f32 v16, v15;
	[tilespmem:s9+$0x100] =	vst v21;
	v16 =	vld.idx.msk [tilespmem:v19+s23+$0x0], $0xffff  }
0x2f0: {  	v0 =	vadd.f32 v0, v24;
	v2 =	vadd.f32 v3, v2;
	v3 =	vor.u32 $0x180, v60;
	v19 =	vld.idx.msk [tilespmem:v38+s23+$0x0], $0xffff;
	[tilespmem:s26+$0x100] =	vst v27  }
0x2f1: {  	v15 =	vadd.f32 v17, v15;
	v17 =	vmul.f32 v22, v18;
	v18 =	vmul.f32 v33, v31;
	v21 =	vld.idx.msk [tilespmem:v62+s23+$0x0], $0xffff  }
0x2f2: {  	v4 =	vmul.f32 v4, v40;
	v0 =	vadd.f32 v0, v23;
	v8 =	vmul.f32 v8, v12  }
0x2f3: {  	v2 =	vmul.f32 v2, v42;
	v15 =	vadd.f32 v15, v17;
	v17 =	vadd.f32 v35, v18;
	v18 =	vld.idx.msk [tilespmem:v20+s23+$0x0], $0xffff  }
0x2f4: {  	v7 =	vmul.f32 v7, v12;
	v12 =	vld.idx.msk [tilespmem:v34+s23+$0x0], $0xffff;
	v6 =	vadd.f32 v6, v8;
	v8 =	vmul.f32 v14, v16  }
0x2f5: {  	v1 =	vadd.f32 v1, v2;
	s11 =	sadd.s32 $0x1, s3;
	v14 =	vmul.f32 v30, v19;
	v3 =	vld.idx.msk [tilespmem:v3+s23+$0x0], $0xffff;
	v2 =	vmul.f32 v17, v25  }
0x2f6: {  	s12 =	sand.u32 $0x3, s11;
	s1 =	sadd.s32 $0x1, s11;
	v6 =	vmul.f32 v6, v11;
	v8 =	vadd.f32 v13, v8;
	v11 =	vmul.f32 v51, v21  }
0x2f7: {  	s2 =	sshll.u32 s12, $0x5;
	s1 =	sand.u32 $0x3, s1;
	v13 =	vmul.f32 v32, v31;
	v14 =	vadd.f32 v29, v14;
	v2 =	vadd.f32 v37, v2  }
0x2f8: {  	v1 =	vadd.f32 v1, v4;
	s2 =	sadd.s32 s2, s17;
	s1 =	sshll.u32 s1, $0x5;
	v4 =	vmul.f32 v8, v18;
	v8 =	vadd.f32 v58, v11  }
0x2f9: {  	[tilespmem:s4+$0x16000] =	vst v0;
	s13 =	sadd.s32 $0x10, s2;
	s1 =	sadd.s32 s1, s18;
	v0 =	vadd.f32 v2, v13;
	v2 =	vadd.f32 v5, v6;
	v5 =	vmul.f32 v14, v12  }
0x2fa: {  	[tilespmem:s7+$0x16000] =	vst v1;
	s3 =	sor.u32 $0x180, s13;
	s14 =	sadd.s32 $0x10, s1;
	v6 =	vmul.f32 v10, v16;
	v4 =	vadd.f32 v9, v4;
	v3 =	vmul.f32 v8, v3  }
0x2fb: {  	[tilespmem:s3+$0x16000] =	vst v15;
	s3 =	sor.u32 $0x180, s14;
	v1 =	vadd.f32 v2, v7;
	v2 =	vmul.f32 v26, v19;
	v5 =	vadd.f32 v28, v5  }
0x2fc: {  	[tilespmem:s3+$0x16000] =	vst v0;
	v0 =	vadd.f32 v4, v6;
	v4 =	vmul.f32 v50, v21;
	v3 =	vadd.f32 v49, v3  }
0x2fd: {  	[tilespmem:s8+$0x16000] =	vst v1;
	v1 =	vadd.f32 v5, v2  }
0x2fe: {  	s2 =	sor.u32 $0x180, s2;
	[tilespmem:s10+$0x16000] =	vst v0;
	v0 =	vadd.f32 v3, v4  }
0x2ff: {  	s1 =	sor.u32 $0x180, s1;
	[tilespmem:s2+$0x16000] =	vst v1  }
0x300: {  	[tilespmem:s1+$0x16000] =	vst v0  }
0x301: {  	s1 =	rddreg [dreg:$0xc]  }
0x302: {  	s1 =	sadd.s32 s0, s1  }
0x303: {  	[hbm4b:s1+s19] =	stream.strided.scatter [tilespmem:s30], [sflag:$0x3], $0x4000, s20, s19, $0x38;
	[tilespmem:$0x1E000] =	vst v63  }
0x304: {  	_ =	swait.ge [sflag:s29], $0x4000  }
0x305: {  	[sflag:s29] =	ssyncset.done $0x0  }
0x306: {  	s15 =	simm.s32 $0x0;
	[sflag:s29] =	ssyncadd.s32 $0xFFFFC000  }
0x307: {  	v0 =	vld [tilespmem:s15+$0x1010];
	_ =	sdelay $0x4  }
0x308: {  	v1 =	vshrl.u32 v0, $0xD;
	v2 =	vshrl.u32 v0, $0xB  }
0x309: {  	v1 =	vand.u32 $0x7F, v1;
	v2 =	vand.u32 $0x1FFE00, v2  }
0x30a: {  	v8 =	vor.u32 v1, v2;
	_ =	sdelay $0x1  }
0x30b: {  	v1 =	vshll.u32 v0, $0x2  }
0x30c: {  	v0 =	vand.u32 $0x7F, v0;
	v1 =	vand.u32 $0x7E00, v1  }
0x30d: {  	v2 =	vld [tilespmem:s15+$0x5010];
	v7 =	vor.u32 v0, v1  }
0x30e: {  	v0 =	vld.idx.msk [tilespmem:v8+s23+$0x0], $0xffff  }
0x30f: {  	v1 =	vld [tilespmem:s15+$0x3010];
	_ =	sdelay $0x1  }
0x310: {  	v3 =	vld [tilespmem:s15+$0x1000]  }
0x311: {  	v6 =	vand.u32 $0xFFFF0000, v2;
	v5 =	vld.idx.msk [tilespmem:v7+s23+$0x0], $0xffff  }
0x312: {  	v9 =	vmul.f32 v6, v0  }
0x313: {  	v4 =	vand.u32 $0xFFFF0000, v1  }
0x314: {  	v9 =	vadd.f32 v4, v9  }
0x315: {  	v10 =	vshrl.u32 v3, $0xD  }
0x316: {  	v11 =	vshrl.u32 v3, $0xB;
	v12 =	vand.u32 $0x7F, v10;
	v5 =	vmul.f32 v9, v5  }
0x317: {  	v14 =	vshll.u32 v2, $0x10;
	v2 =	vor.u32 $0x80, v8;
	v10 =	vshll.u32 v1, $0x10  }
0x318: {  	s16 =	simm.s32 $0x0;
	v0 =	vmul.f32 v14, v0;
	v9 =	vand.u32 $0x1FFE00, v11;
	v1 =	vadd.f32 v10, v5  }
0x319: {  	s17 =	sand.u32 $0x60, s16;
	s18 =	sand.u32 $0x3E00, s16;
	s26 =	simm.s32 $0x40;
	v5 =	vor.u32 v12, v9  }
0x31a: {  	s2 =	sor.u32 s17, s18;
	v54 =	vld [tilespmem:s26+$0x1000];
	v0 =	vadd.f32 v1, v0  }
0x31b: {  	s22 =	simm.s32 $0x20;
	s3 =	sadd.s32 $0x1A000, s2;
	v11 =	vld [tilespmem:s15+$0x5000];
	v9 =	vshll.u32 v3, $0x2  }
0x31c: {  	v3 =	vand.u32 $0x7F, v3;
	v12 =	vld [tilespmem:s22+$0x1010];
	v9 =	vand.u32 $0x7E00, v9;
	[tilespmem:s3+$0x10] =	vst v0;
	v0 =	vor.u32 $0x80, v7  }
0x31d: {  	v3 =	vor.u32 v3, v9;
	v2 =	vld.idx.msk [tilespmem:v2+s23+$0x0], $0xffff  }
0x31e: {  	v13 =	vld.idx.msk [tilespmem:v5+s23+$0x0], $0xffff  }
0x31f: {  	v1 =	vld [tilespmem:s15+$0x3000]  }
0x320: {  	v57 =	vshrl.u32 v54, $0xD  }
0x321: {  	v24 =	vand.u32 $0xFFFF0000, v11;
	v9 =	vshrl.u32 v12, $0xD;
	v15 =	vshrl.u32 v12, $0xB;
	v0 =	vld.idx.msk [tilespmem:v0+s23+$0x0], $0xffff  }
0x322: {  	v9 =	vand.u32 $0x7F, v9;
	v15 =	vand.u32 $0x1FFE00, v15;
	v16 =	vld.idx.msk [tilespmem:v3+s23+$0x0], $0xffff;
	v17 =	vmul.f32 v6, v2  }
0x323: {  	v58 =	vshrl.u32 v54, $0xB;
	v9 =	vor.u32 v9, v15;
	v15 =	vld [tilespmem:s22+$0x1000];
	v18 =	vmul.f32 v24, v13  }
0x324: {  	v27 =	vshll.u32 v11, $0x10;
	v23 =	vand.u32 $0xFFFF0000, v1;
	v11 =	vadd.f32 v4, v17  }
0x325: {  	v19 =	vshll.u32 v12, $0x2;
	v12 =	vand.u32 $0x7F, v12;
	v18 =	vadd.f32 v23, v18  }
0x326: {  	v43 =	vld [tilespmem:s26+$0x5010];
	v19 =	vand.u32 $0x7E00, v19;
	v1 =	vshll.u32 v1, $0x10;
	v0 =	vmul.f32 v11, v0  }
0x327: {  	v11 =	vmul.f32 v27, v13;
	v16 =	vmul.f32 v18, v16;
	v18 =	vld [tilespmem:s22+$0x5010];
	v13 =	vor.u32 v12, v19  }
0x328: {  	v2 =	vmul.f32 v14, v2;
	v17 =	vor.u32 $0x80, v5;
	v20 =	vld.idx.msk [tilespmem:v9+s23+$0x0], $0xffff;
	v21 =	vshrl.u32 v15, $0xB  }
0x329: {  	v22 =	vld [tilespmem:s22+$0x3010];
	v12 =	vor.u32 $0x100, v8;
	v19 =	vshrl.u32 v15, $0xD;
	v0 =	vadd.f32 v10, v0  }
0x32a: {  	v21 =	vand.u32 $0x1FFE00, v21;
	v19 =	vand.u32 $0x7F, v19;
	v16 =	vadd.f32 v1, v16  }
0x32b: {  	v26 =	vld [tilespmem:s22+$0x3000];
	v39 =	vshll.u32 v43, $0x10;
	v29 =	vor.u32 v19, v21;
	v0 =	vadd.f32 v0, v2  }
0x32c: {  	v30 =	vor.u32 $0x80, v3;
	v2 =	vadd.f32 v16, v11;
	v16 =	vld.idx.msk [tilespmem:v13+s23+$0x0], $0xffff;
	v11 =	vand.u32 $0xFFFF0000, v18  }
0x32d: {  	v25 =	vld [tilespmem:s22+$0x5000];
	v19 =	vor.u32 $0x100, v7;
	[tilespmem:s3+$0x90] =	vst v0;
	v0 =	vshll.u32 v15, $0x2;
	v21 =	vmul.f32 v11, v20  }
0x32e: {  	[tilespmem:s2+$0x1A000] =	vst v2;
	v2 =	vand.u32 $0x7F, v15;
	v31 =	vld.idx.msk [tilespmem:v12+s23+$0x0], $0xffff;
	v0 =	vand.u32 $0x7E00, v0;
	v12 =	vand.u32 $0xFFFF0000, v22  }
0x32f: {  	v33 =	vor.u32 $0x100, v5;
	v17 =	vld.idx.msk [tilespmem:v17+s23+$0x0], $0xffff;
	v45 =	vor.u32 v2, v0;
	v0 =	vadd.f32 v12, v21  }
0x330: {  	v28 =	vor.u32 $0x180, v3;
	v48 =	vor.u32 $0x80, v9;
	v18 =	vshll.u32 v18, $0x10;
	v46 =	vld.idx.msk [tilespmem:v29+s23+$0x0], $0xffff  }
0x331: {  	v15 =	vor.u32 $0x100, v3;
	v3 =	vand.u32 $0xFFFF0000, v26;
	v0 =	vmul.f32 v0, v16  }
0x332: {  	v20 =	vmul.f32 v18, v20;
	v21 =	vor.u32 $0x180, v5;
	v16 =	vld.idx.msk [tilespmem:v19+s23+$0x0], $0xffff;
	v19 =	vshll.u32 v22, $0x10  }
0x333: {  	s24 =	simm.s32 $0x80;
	s25 =	simm.s32 $0x20;
	v30 =	vld.idx.msk [tilespmem:v30+s23+$0x0], $0xffff;
	v2 =	vand.u32 $0xFFFF0000, v25;
	v22 =	vmul.f32 v6, v31;
	v47 =	vadd.f32 v19, v0  }
0x334: {  	s1 =	sand.u32 $0x3E00, s24;
	s2 =	sand.u32 $0x60, s25;
	v5 =	vshll.u32 v25, $0x10;
	v0 =	vshll.u32 v26, $0x10;
	v25 =	vmul.f32 v24, v17;
	v26 =	vld.idx.msk [tilespmem:v45+s23+$0x0], $0xffff  }
0x335: {  	s2 =	sor.u32 s2, s1;
	v49 =	vmul.f32 v2, v46;
	v22 =	vadd.f32 v4, v22;
	v20 =	vadd.f32 v47, v20  }
0x336: {  	v60 =	vand.u32 $0x7F, v57;
	v40 =	vand.u32 $0x1FFE00, v58;
	s1 =	sadd.s32 $0x1A000, s2;
	v25 =	vadd.f32 v23, v25  }
0x337: {  	v52 =	vor.u32 $0x80, v13;
	v51 =	vadd.f32 v3, v49;
	v16 =	vmul.f32 v22, v16;
	v22 =	vld [tilespmem:s26+$0x1010];
	[tilespmem:s1+$0x10] =	vst v20  }
0x338: {  	v62 =	vor.u32 $0x100, v9;
	v8 =	vor.u32 $0x180, v8;
	v25 =	vmul.f32 v25, v30;
	v30 =	vld.idx.msk [tilespmem:v48+s23+$0x0], $0xffff  }
0x339: {  	v7 =	vor.u32 $0x180, v7;
	v50 =	vor.u32 $0x80, v29;
	v26 =	vmul.f32 v51, v26  }
0x33a: {  	v34 =	vor.u32 $0x180, v29;
	v31 =	vmul.f32 v14, v31;
	v16 =	vadd.f32 v10, v16  }
0x33b: {  	v38 =	vor.u32 $0x80, v45;
	v53 =	vmul.f32 v5, v46;
	v26 =	vadd.f32 v0, v26  }
0x33c: {  	v37 =	vld.idx.msk [tilespmem:v52+s23+$0x0], $0xffff;
	v16 =	vadd.f32 v16, v31;
	v31 =	vshrl.u32 v22, $0xD;
	v55 =	vshrl.u32 v22, $0xB  }
0x33d: {  	v31 =	vand.u32 $0x7F, v31;
	v32 =	vand.u32 $0x1FFE00, v55;
	v56 =	vmul.f32 v11, v30  }
0x33e: {  	v63 =	vld [tilespmem:s26+$0x3010];
	v17 =	vmul.f32 v27, v17;
	v25 =	vadd.f32 v1, v25;
	[tilespmem:s3+$0x110] =	vst v16;
	v32 =	vor.u32 v31, v32  }
0x33f: {  	v59 =	vshll.u32 v22, $0x2;
	v16 =	vadd.f32 v26, v53;
	v26 =	vld.idx.msk [tilespmem:v8+s23+$0x0], $0xffff;
	v8 =	vadd.f32 v12, v56  }
0x340: {  	v20 =	vor.u32 $0x100, v29;
	v29 =	vld [tilespmem:s26+$0x3000];
	v22 =	vand.u32 $0x7F, v22;
	v42 =	vand.u32 $0x7E00, v59  }
0x341: {  	v17 =	vadd.f32 v25, v17;
	v25 =	vld [tilespmem:s26+$0x5000];
	v36 =	vor.u32 v22, v42;
	v8 =	vmul.f32 v8, v37  }
0x342: {  	v35 =	vor.u32 $0x100, v45;
	v30 =	vmul.f32 v18, v30;
	v53 =	vand.u32 $0x7F, v54;
	v7 =	vld.idx.msk [tilespmem:v7+s23+$0x0], $0xffff  }
0x343: {  	v31 =	vor.u32 $0x180, v45;
	v45 =	vor.u32 v60, v40;
	[tilespmem:s2+$0x1A000] =	vst v16;
	v22 =	vld.idx.msk [tilespmem:v32+s23+$0x0], $0xffff;
	v61 =	vadd.f32 v19, v8  }
0x344: {  	v56 =	vor.u32 $0x100, v13;
	v52 =	vld.idx.msk [tilespmem:v50+s23+$0x0], $0xffff;
	v8 =	vshll.u32 v54, $0x2;
	v6 =	vmul.f32 v6, v26  }
0x345: {  	[tilespmem:s3+$0x80] =	vst v17;
	v44 =	vor.u32 $0x80, v45;
	v16 =	vand.u32 $0x7E00, v8;
	v30 =	vadd.f32 v61, v30  }
0x346: {  	v55 =	vld.idx.msk [tilespmem:v36+s23+$0x0], $0xffff;
	v14 =	vmul.f32 v14, v26;
	v54 =	vadd.f32 v4, v6;
	v16 =	vor.u32 v53, v16  }
0x347: {  	v26 =	vld.idx.msk [tilespmem:v33+s23+$0x0], $0xffff;
	v8 =	vand.u32 $0xFFFF0000, v25;
	v6 =	vand.u32 $0xFFFF0000, v29;
	[tilespmem:s1+$0x90] =	vst v30;
	v30 =	vand.u32 $0xFFFF0000, v43  }
0x348: {  	v4 =	vshll.u32 v29, $0x10;
	v40 =	vmul.f32 v54, v7;
	v42 =	vld.idx.msk [tilespmem:v62+s23+$0x0], $0xffff;
	v57 =	vmul.f32 v30, v22  }
0x349: {  	v29 =	vand.u32 $0xFFFF0000, v63;
	v58 =	vmul.f32 v2, v52;
	v7 =	vshll.u32 v25, $0x10;
	v25 =	vld.idx.msk [tilespmem:v45+s23+$0x0], $0xffff  }
0x34a: {  	v15 =	vld.idx.msk [tilespmem:v15+s23+$0x0], $0xffff;
	v13 =	vor.u32 $0x180, v13;
	v10 =	vadd.f32 v10, v40;
	v17 =	vadd.f32 v29, v57  }
0x34b: {  	v33 =	vshll.u32 v63, $0x10;
	v47 =	vor.u32 $0x80, v16;
	v48 =	vadd.f32 v3, v58;
	v60 =	vld.idx.msk [tilespmem:v16+s23+$0x0], $0xffff  }
0x34c: {  	v22 =	vmul.f32 v39, v22;
	v37 =	vadd.f32 v10, v14;
	v10 =	vld.idx.msk [tilespmem:v56+s23+$0x0], $0xffff;
	v14 =	vmul.f32 v17, v55  }
0x34d: {  	v62 =	vor.u32 $0x80, v32;
	v63 =	vmul.f32 v24, v26;
	v17 =	vld.idx.msk [tilespmem:v38+s23+$0x0], $0xffff;
	v59 =	vmul.f32 v11, v42  }
0x34e: {  	s7 =	simm.s32 $0x40;
	s30 =	simm.s32 $0x100;
	v26 =	vmul.f32 v27, v26;
	v61 =	vmul.f32 v8, v25;
	v14 =	vadd.f32 v33, v14  }
0x34f: {  	s5 =	sand.u32 $0x60, s7;
	s2 =	sand.u32 $0x3E00, s30;
	v54 =	vadd.f32 v23, v63;
	v57 =	vor.u32 $0x180, v9;
	v41 =	vadd.f32 v12, v59  }
0x350: {  	s5 =	sor.u32 s5, s2;
	v9 =	vor.u32 $0x180, v16;
	v50 =	vadd.f32 v6, v61;
	v14 =	vadd.f32 v14, v22  }
0x351: {  	s8 =	simm.s32 $0x60;
	s2 =	sadd.s32 $0x1A000, s5;
	v38 =	vor.u32 $0x100, v16;
	v15 =	vmul.f32 v54, v15;
	v22 =	vmul.f32 v41, v10  }
0x352: {  	v56 =	vld [tilespmem:s8+$0x1010];
	v55 =	vmul.f32 v50, v60;
	v17 =	vmul.f32 v48, v17;
	[tilespmem:s2+$0x10] =	vst v14;
	v14 =	vor.u32 $0x80, v36  }
0x353: {  	v42 =	vmul.f32 v18, v42;
	v15 =	vadd.f32 v1, v15;
	v22 =	vadd.f32 v19, v22;
	v43 =	vld.idx.msk [tilespmem:v62+s23+$0x0], $0xffff  }
0x354: {  	v25 =	vmul.f32 v7, v25;
	v58 =	vadd.f32 v4, v55;
	v16 =	vadd.f32 v0, v17;
	v17 =	vld [tilespmem:s8+$0x1000]  }
0x355: {  	v49 =	vmul.f32 v5, v52;
	v40 =	vor.u32 $0x100, v45;
	v22 =	vadd.f32 v22, v42  }
0x356: {  	v10 =	vor.u32 $0x180, v45;
	v41 =	vadd.f32 v15, v26;
	v25 =	vadd.f32 v58, v25  }
0x357: {  	v42 =	vadd.f32 v16, v49;
	v16 =	vshrl.u32 v56, $0xD;
	v14 =	vld.idx.msk [tilespmem:v14+s23+$0x0], $0xffff;
	[tilespmem:s1+$0x110] =	vst v22;
	v22 =	vshrl.u32 v56, $0xB  }
0x358: {  	v15 =	vand.u32 $0x7F, v16;
	v26 =	vld.idx.msk [tilespmem:v57+s23+$0x0], $0xffff;
	v16 =	vand.u32 $0x1FFE00, v22;
	v22 =	vmul.f32 v30, v43  }
0x359: {  	v46 =	vld [tilespmem:s8+$0x5010];
	v59 =	vshrl.u32 v17, $0xD;
	v60 =	vshrl.u32 v17, $0xB;
	v15 =	vor.u32 v15, v16  }
0x35a: {  	v63 =	vld [tilespmem:s8+$0x3000];
	[tilespmem:s5+$0x1A000] =	vst v25;
	v16 =	vand.u32 $0x7F, v59;
	v62 =	vand.u32 $0x1FFE00, v60;
	v22 =	vadd.f32 v29, v22  }
0x35b: {  	v49 =	vor.u32 $0x100, v36;
	v44 =	vld.idx.msk [tilespmem:v44+s23+$0x0], $0xffff;
	v45 =	vor.u32 v16, v62;
	v16 =	vshll.u32 v56, $0x2  }
0x35c: {  	v58 =	vld.idx.msk [tilespmem:v13+s23+$0x0], $0xffff;
	v13 =	vand.u32 $0x7F, v56;
	v16 =	vand.u32 $0x7E00, v16;
	v14 =	vmul.f32 v22, v14  }
0x35d: {  	v61 =	vld [tilespmem:s8+$0x5000];
	v36 =	vor.u32 $0x180, v36;
	v16 =	vor.u32 v13, v16;
	v11 =	vmul.f32 v11, v26  }
0x35e: {  	v57 =	vshll.u32 v17, $0x2;
	v43 =	vmul.f32 v39, v43;
	v50 =	vld.idx.msk [tilespmem:v15+s23+$0x0], $0xffff;
	v59 =	vadd.f32 v33, v14  }
0x35f: {  	v54 =	vld [tilespmem:s8+$0x3010];
	v17 =	vand.u32 $0x7F, v17;
	v22 =	vand.u32 $0x7E00, v57;
	v25 =	vadd.f32 v12, v11  }
0x360: {  	v53 =	vld.idx.msk [tilespmem:v47+s23+$0x0], $0xffff;
	v60 =	vor.u32 $0x100, v32;
	v55 =	vor.u32 v17, v22;
	v17 =	vadd.f32 v59, v43  }
0x361: {  	v32 =	vor.u32 $0x180, v32;
	v62 =	vmul.f32 v8, v44;
	v22 =	vld.idx.msk [tilespmem:v45+s23+$0x0], $0xffff;
	v25 =	vmul.f32 v25, v58  }
0x362: {  	v13 =	vand.u32 $0xFFFF0000, v63;
	v14 =	vand.u32 $0xFFFF0000, v61;
	v48 =	vld.idx.msk [tilespmem:v16+s23+$0x0], $0xffff;
	[tilespmem:s2+$0x90] =	vst v17;
	v17 =	vand.u32 $0xFFFF0000, v46  }
0x363: {  	[tilespmem:s1+$0x80] =	vst v42;
	v42 =	vadd.f32 v6, v62;
	v19 =	vadd.f32 v19, v25;
	v25 =	vmul.f32 v17, v50  }
0x364: {  	v12 =	vshll.u32 v61, $0x10;
	v61 =	vmul.f32 v18, v26;
	v18 =	vand.u32 $0xFFFF0000, v54  }
0x365: {  	v11 =	vshll.u32 v63, $0x10;
	v42 =	vmul.f32 v42, v53;
	v52 =	vld.idx.msk [tilespmem:v60+s23+$0x0], $0xffff;
	v63 =	vadd.f32 v18, v25  }
0x366: {  	[tilespmem:s3+$0x100] =	vst v41;
	v51 =	vor.u32 $0x80, v45;
	v44 =	vmul.f32 v7, v44;
	v57 =	vld.idx.msk [tilespmem:v20+s23+$0x0], $0xffff;
	v60 =	vmul.f32 v14, v22  }
0x367: {  	v41 =	vld.idx.msk [tilespmem:v55+s23+$0x0], $0xffff;
	v42 =	vadd.f32 v4, v42;
	v59 =	vmul.f32 v12, v22;
	v48 =	vmul.f32 v63, v48  }
0x368: {  	v22 =	vshll.u32 v46, $0x10;
	v47 =	vadd.f32 v19, v61;
	v19 =	vshll.u32 v54, $0x10;
	v54 =	vld.idx.msk [tilespmem:v21+s23+$0x0], $0xffff  }
0x369: {  	s9 =	simm.s32 $0x60;
	s17 =	simm.s32 $0x180;
	v49 =	vld.idx.msk [tilespmem:v49+s23+$0x0], $0xffff;
	v63 =	vmul.f32 v22, v50;
	v50 =	vor.u32 $0x80, v15;
	v62 =	vadd.f32 v19, v48  }
0x36a: {  	s11 =	simm.s32 $0x80;
	s10 =	sand.u32 $0x3E00, s17;
	s3 =	sand.u32 $0x60, s9;
	v35 =	vld.idx.msk [tilespmem:v35+s23+$0x0], $0xffff;
	v20 =	vor.u32 $0x180, v45;
	v44 =	vadd.f32 v42, v44;
	v61 =	vmul.f32 v30, v52  }
0x36b: {  	s3 =	sor.u32 s3, s10;
	v56 =	vor.u32 $0x80, v16;
	v42 =	vld [tilespmem:s11+$0x1000];
	v58 =	vadd.f32 v13, v60;
	v46 =	vadd.f32 v62, v63  }
0x36c: {  	v28 =	vld.idx.msk [tilespmem:v28+s23+$0x0], $0xffff;
	s5 =	sadd.s32 $0x1A000, s3;
	v26 =	vor.u32 $0x100, v45;
	v60 =	vmul.f32 v2, v57;
	v45 =	vadd.f32 v29, v61  }
0x36d: {  	v43 =	vor.u32 $0x80, v55;
	v41 =	vmul.f32 v58, v41;
	v24 =	vmul.f32 v24, v54;
	v63 =	vld [tilespmem:s11+$0x1010];
	[tilespmem:s5+$0x10] =	vst v46  }
0x36e: {  	v52 =	vmul.f32 v39, v52;
	v62 =	vadd.f32 v3, v60;
	v45 =	vmul.f32 v45, v49;
	v50 =	vld.idx.msk [tilespmem:v50+s23+$0x0], $0xffff  }
0x36f: {  	v61 =	vmul.f32 v5, v57;
	v41 =	vadd.f32 v11, v41;
	v24 =	vadd.f32 v23, v24  }
0x370: {  	v60 =	vshrl.u32 v42, $0xD;
	v35 =	vmul.f32 v62, v35;
	v45 =	vadd.f32 v33, v45  }
0x371: {  	v23 =	vmul.f32 v27, v54;
	v27 =	vadd.f32 v41, v59;
	v24 =	vmul.f32 v24, v28  }
0x372: {  	v46 =	vld.idx.msk [tilespmem:v56+s23+$0x0], $0xffff;
	v35 =	vadd.f32 v0, v35;
	v45 =	vadd.f32 v45, v52;
	v57 =	vshrl.u32 v63, $0xD  }
0x373: {  	v58 =	vshrl.u32 v63, $0xB;
	v62 =	vshll.u32 v63, $0x2;
	v28 =	vmul.f32 v17, v50  }
0x374: {  	v48 =	vld [tilespmem:s11+$0x3000];
	v63 =	vand.u32 $0x7F, v63;
	v41 =	vand.u32 $0x7F, v57;
	v59 =	vand.u32 $0x1FFE00, v58  }
0x375: {  	v56 =	vld [tilespmem:s11+$0x5010];
	v52 =	vadd.f32 v35, v61;
	v61 =	vshrl.u32 v42, $0xB;
	[tilespmem:s2+$0x110] =	vst v45;
	v28 =	vadd.f32 v18, v28  }
0x376: {  	[tilespmem:s3+$0x1A000] =	vst v27;
	v35 =	vand.u32 $0x7F, v60;
	v45 =	vand.u32 $0x1FFE00, v61;
	v49 =	vld.idx.msk [tilespmem:v32+s23+$0x0], $0xffff;
	v32 =	vor.u32 v41, v59  }
0x377: {  	v51 =	vld.idx.msk [tilespmem:v51+s23+$0x0], $0xffff;
	v60 =	vand.u32 $0x7E00, v62;
	v53 =	vor.u32 v35, v45;
	v28 =	vmul.f32 v28, v46  }
0x378: {  	v25 =	vor.u32 $0x100, v55;
	v21 =	vor.u32 $0x180, v55;
	v55 =	vld.idx.msk [tilespmem:v36+s23+$0x0], $0xffff;
	v36 =	vor.u32 v63, v60  }
0x379: {  	v41 =	vld [tilespmem:s11+$0x5000];
	v63 =	vor.u32 $0x100, v15;
	[tilespmem:s1+$0x100] =	vst v52;
	v27 =	vadd.f32 v19, v28;
	v28 =	vmul.f32 v22, v50  }
0x37a: {  	[tilespmem:s2+$0x80] =	vst v44;
	v61 =	vshll.u32 v42, $0x2;
	v44 =	vld.idx.msk [tilespmem:v31+s23+$0x0], $0xffff  }
0x37b: {  	v42 =	vand.u32 $0x7F, v42;
	v62 =	vand.u32 $0x7E00, v61;
	v54 =	vld.idx.msk [tilespmem:v32+s23+$0x0], $0xffff;
	v60 =	vadd.f32 v27, v28  }
0x37c: {  	v57 =	vor.u32 v42, v62;
	v30 =	vmul.f32 v30, v49;
	v58 =	vld.idx.msk [tilespmem:v53+s23+$0x0], $0xffff  }
0x37d: {  	v45 =	vor.u32 $0x80, v53;
	v31 =	vshll.u32 v56, $0x10;
	v42 =	vor.u32 $0x80, v57;
	v50 =	vld [tilespmem:s11+$0x3010];
	[tilespmem:s5+$0x90] =	vst v60  }
0x37e: {  	s12 =	sand.u32 $0x3, s16;
	v35 =	vand.u32 $0xFFFF0000, v41;
	v39 =	vmul.f32 v39, v49;
	v30 =	vadd.f32 v29, v30;
	v46 =	vld.idx.msk [tilespmem:v63+s23+$0x0], $0xffff  }
0x37f: {  	s3 =	sshll.u32 s12, $0x5;
	v49 =	vmul.f32 v14, v51;
	v29 =	vand.u32 $0xFFFF0000, v48;
	v28 =	vshll.u32 v48, $0x10  }
0x380: {  	s14 =	sadd.s32 $0x0, s3;
	v61 =	vmul.f32 v30, v55;
	v55 =	vld.idx.msk [tilespmem:v36+s23+$0x0], $0xffff;
	v30 =	vand.u32 $0xFFFF0000, v56;
	v60 =	vor.u32 $0x100, v16  }
0x381: {  	s4 =	simm.s32 $0x2;
	s13 =	simm.s32 $0x1;
	s7 =	sadd.s32 $0x10, s14;
	v59 =	vld.idx.msk [tilespmem:v43+s23+$0x0], $0xffff;
	v27 =	vshll.u32 v41, $0x10;
	v48 =	vmul.f32 v12, v51;
	v62 =	vmul.f32 v30, v54  }
0x382: {  	s16 =	sand.u32 $0x3, s4;
	s15 =	sand.u32 $0x3, s13;
	s7 =	sor.u32 $0x180, s7;
	v51 =	vld.idx.msk [tilespmem:v57+s23+$0x0], $0xffff;
	v52 =	vmul.f32 v35, v58;
	v43 =	vadd.f32 v33, v61;
	v33 =	vand.u32 $0xFFFF0000, v50  }
0x383: {  	s18 =	sshll.u32 s16, $0x5;
	s8 =	sshll.u32 s15, $0x5;
	[tilespmem:s7+$0x1A000] =	vst v37;
	v37 =	vshll.u32 v50, $0x10;
	v41 =	vadd.f32 v33, v62;
	v62 =	vld.idx.msk [tilespmem:v40+s23+$0x0], $0xffff;
	v50 =	vmul.f32 v17, v46  }
0x384: {  	s24 =	sadd.s32 $0x100, s18;
	s8 =	sadd.s32 $0x80, s8;
	v63 =	vadd.f32 v13, v49;
	v61 =	vadd.f32 v43, v39;
	v39 =	vor.u32 $0x100, v53;
	v43 =	vld.idx.msk [tilespmem:v38+s23+$0x0], $0xffff  }
0x385: {  	s26 =	sadd.s32 $0x10, s24;
	s22 =	sadd.s32 $0x10, s8;
	v38 =	vor.u32 $0x180, v53;
	v55 =	vmul.f32 v41, v55;
	v53 =	vadd.f32 v18, v50;
	v50 =	vld.idx.msk [tilespmem:v60+s23+$0x0], $0xffff  }
0x386: {  	s9 =	simm.s32 $0x80;
	s10 =	simm.s32 $0x8;
	s25 =	sor.u32 $0x180, s22;
	v49 =	vmul.f32 v27, v58;
	v40 =	vld.idx.msk [tilespmem:v34+s23+$0x0], $0xffff;
	v34 =	vor.u32 $0x180, v57;
	v58 =	vmul.f32 v63, v59  }
0x387: {  	s30 =	sand.u32 $0x60, s9;
	[tilespmem:s25+$0x1A000] =	vst v47;
	s3 =	sor.u32 $0x180, s14;
	s7 =	simm.s32 $0x200;
	v63 =	vmul.f32 v31, v54;
	v54 =	vor.u32 $0x80, v32;
	v47 =	vadd.f32 v37, v55  }
0x388: {  	s1 =	sor.u32 $0x180, s8;
	s8 =	sor.u32 $0x180, s26;
	s13 =	sand.u32 $0x3E00, s7;
	v56 =	vadd.f32 v29, v52;
	v41 =	vor.u32 $0x100, v57;
	v52 =	vmul.f32 v8, v62  }
0x389: {  	s13 =	sor.u32 s30, s13;
	s11 =	simm.s32 $0x280;
	[tilespmem:s8+$0x1A000] =	vst v61;
	s8 =	sor.u32 $0x180, s24;
	v55 =	vadd.f32 v11, v58;
	v57 =	vadd.f32 v47, v63;
	v47 =	vmul.f32 v7, v62  }
.LBB2_9:
0x38a: {  	s12 =	sshra.s32 s11, $0x2;
	v51 =	vmul.f32 v56, v51;
	s15 =	sadd.s32 $0x1A000, s13;
	v50 =	vmul.f32 v53, v50;
	v52 =	vadd.f32 v6, v52  }
0x38b: {  	s10 =	sadd.s32 $0x2, s10;
	v56 =	vor.u32 $0x80, v36;
	v53 =	vld [tilespmem:s12+$0x1010];
	[tilespmem:s15+$0x10] =	vst v57;
	v48 =	vadd.f32 v55, v48;
	v55 =	vmul.f32 v2, v40;
	v2 =	vmovc v8  }
0x38c: {  	v46 =	vmul.f32 v22, v46;
	p0 =	slt.u32 s10, $0xFE;
	v54 =	vld.idx.msk [tilespmem:v54+s23+$0x0], $0xffff;
	v58 =	vadd.f32 v19, v50;
	v50 =	vor.u32 $0x180, v15;
	v15 =	vmovc v32  }
0x38d: {  	v32 =	vadd.f32 v28, v51;
	v43 =	vmul.f32 v52, v43;
	v57 =	vld [tilespmem:s12+$0x1000];
	[tilespmem:s5+$0x80] =	vst v48;
	v3 =	vadd.f32 v3, v55  }
0x38e: {  	v5 =	vmul.f32 v5, v40;
	v1 =	vadd.f32 v1, v24;
	v8 =	vmovc v14;
	v48 =	vld [tilespmem:s12+$0x5000];
	v46 =	vadd.f32 v58, v46  }
0x38f: {  	v14 =	vmovc v35;
	v32 =	vadd.f32 v32, v49;
	v40 =	vadd.f32 v4, v43;
	v51 =	vld [tilespmem:s12+$0x3000];
	v24 =	vmul.f32 v3, v44  }
0x390: {  	v1 =	vadd.f32 v1, v23;
	v23 =	vmovc v5;
	v43 =	vor.u32 $0x180, v16;
	v16 =	vmov v36;
	v35 =	vld.idx.msk [tilespmem:v56+s23+$0x0], $0xffff;
	[tilespmem:s5+$0x110] =	vst v46  }
0x391: {  	v5 =	vshrl.u32 v53, $0xD;
	v36 =	vshrl.u32 v53, $0xB;
	v40 =	vadd.f32 v40, v47;
	[tilespmem:s13+$0x1A000] =	vst v32;
	v44 =	vld.idx.msk [tilespmem:v50+s23+$0x0], $0xffff;
	v3 =	vmovc v6  }
0x392: {  	v5 =	vand.u32 $0x7F, v5;
	v32 =	vand.u32 $0x1FFE00, v36;
	v36 =	vmul.f32 v30, v54;
	v6 =	vmovc v13;
	v47 =	vld.idx.msk [tilespmem:v45+s23+$0x0], $0xffff;
	[tilespmem:s3+$0x1A000] =	vst v1;
	s3 =	smov.u32 s1;
	s1 =	smov.u32 s8  }
0x393: {  	v13 =	vmovc v29;
	v46 =	vshrl.u32 v57, $0xD;
	v45 =	vshrl.u32 v57, $0xB;
	v32 =	vor.u32 v5, v32;
	v52 =	vld.idx.msk [tilespmem:v42+s23+$0x0], $0xffff;
	[tilespmem:s2+$0x100] =	vst v40;
	s2 =	smov.u32 s5;
	s5 =	smov.u32 s15  }
0x394: {  	v1 =	vmovc v0;
	v0 =	vmovc v4;
	v46 =	vand.u32 $0x7F, v46;
	v29 =	vand.u32 $0x1FFE00, v45;
	v36 =	vadd.f32 v33, v36;
	v58 =	vld.idx.msk [tilespmem:v26+s23+$0x0], $0xffff  }
0x395: {  	v4 =	vmovc v11;
	v11 =	vmovc v28;
	v40 =	vshll.u32 v53, $0x2;
	v26 =	vshll.u32 v57, $0x2;
	v50 =	vor.u32 v46, v29;
	v42 =	vld.idx.msk [tilespmem:v43+s23+$0x0], $0xffff  }
0x396: {  	v28 =	vand.u32 $0x7F, v53;
	v29 =	vand.u32 $0x7E00, v40;
	v5 =	vmovc v7;
	v7 =	vmovc v12;
	v35 =	vmul.f32 v36, v35;
	v43 =	vld.idx.msk [tilespmem:v25+s23+$0x0], $0xffff  }
0x397: {  	v12 =	vmovc v27;
	v45 =	vand.u32 $0x7E00, v26;
	v36 =	vor.u32 v28, v29;
	v29 =	vmul.f32 v17, v44;
	v17 =	vmovc v30;
	v53 =	vld [tilespmem:s12+$0x5010]  }
0x398: {  	v46 =	vor.u32 $0x100, v15;
	v28 =	vmul.f32 v31, v54;
	v27 =	vadd.f32 v37, v35;
	v26 =	vmovc v39;
	v55 =	vld.idx.msk [tilespmem:v32+s23+$0x0], $0xffff  }
0x399: {  	v30 =	vand.u32 $0x7F, v57;
	v25 =	vmovc v41;
	v35 =	vand.u32 $0xFFFF0000, v48;
	v39 =	vadd.f32 v18, v29;
	v18 =	vmovc v33;
	v40 =	vld.idx.msk [tilespmem:v10+s23+$0x0], $0xffff  }
0x39a: {  	v54 =	vor.u32 v30, v45;
	v29 =	vand.u32 $0xFFFF0000, v51;
	v30 =	vadd.f32 v27, v28;
	v10 =	vmovc v20;
	v20 =	vmovc v38;
	v56 =	vld [tilespmem:s12+$0x3010]  }
0x39b: {  	s4 =	sadd.s32 $0x1, s4;
	v28 =	vshll.u32 v51, $0x10;
	v27 =	vshll.u32 v48, $0x10;
	v33 =	vmul.f32 v39, v42;
	v38 =	vld.idx.msk [tilespmem:v50+s23+$0x0], $0xffff  }
0x39c: {  	v59 =	vor.u32 $0x100, v16;
	s8 =	sand.u32 $0x3, s4;
	v45 =	vor.u32 $0x80, v50;
	v42 =	vor.u32 $0x80, v54;
	v57 =	vld.idx.msk [tilespmem:v36+s23+$0x0], $0xffff;
	[tilespmem:s5+$0x90] =	vst v30  }
0x39d: {  	s8 =	sshll.u32 s8, $0x5;
	v61 =	vmul.f32 v22, v44;
	v30 =	vand.u32 $0xFFFF0000, v53;
	v41 =	vadd.f32 v19, v33;
	v19 =	vmovc v37;
	v46 =	vld.idx.msk [tilespmem:v46+s23+$0x0], $0xffff  }
0x39e: {  	v49 =	vmul.f32 v14, v47;
	v39 =	vor.u32 $0x100, v50;
	s12 =	sadd.s32 s8, s17;
	s17 =	smov.u32 s7;
	s7 =	smov.u32 s11;
	v37 =	vmul.f32 v30, v55;
	v44 =	vld.idx.msk [tilespmem:v9+s23+$0x0], $0xffff;
	v9 =	vmovc v21  }
0x39f: {  	v48 =	vmul.f32 v12, v47;
	s8 =	sor.u32 $0x180, s12;
	s12 =	sadd.s32 $0x10, s12;
	v47 =	vadd.f32 v41, v61;
	v21 =	vmovc v34;
	v51 =	vld.idx.msk [tilespmem:v54+s23+$0x0], $0xffff;
	v33 =	vand.u32 $0xFFFF0000, v56  }
0x3a0: {  	v22 =	vmovc v31;
	v60 =	vadd.f32 v13, v49;
	s12 =	sor.u32 $0x180, s12;
	v41 =	vor.u32 $0x100, v54;
	v37 =	vadd.f32 v33, v37  }
0x3a1: {  	v61 =	vmul.f32 v35, v38;
	v49 =	vmul.f32 v27, v38;
	v38 =	vor.u32 $0x180, v50;
	v50 =	vld.idx.msk [tilespmem:v59+s23+$0x0], $0xffff;
	[tilespmem:s12+$0x1A000] =	vst v47  }
.Ltmp3:
0x3a2: {  	v34 =	vor.u32 $0x180, v54;
	v59 =	vmul.f32 v60, v52;
	v47 =	vmul.f32 v37, v57;
	(pc) =	sbr.rel @p0 .LBB2_9-.Ltmp3, $4  }
0x3a3: {  	v31 =	vshll.u32 v53, $0x10;
	v37 =	vshll.u32 v56, $0x10;
	v52 =	vmul.f32 v17, v46  }
0x3a4: {  	s9 =	sadd.s32 $0x20, s9;
	v55 =	vmul.f32 v31, v55;
	v54 =	vor.u32 $0x80, v32;
	v47 =	vadd.f32 v37, v47  }
0x3a5: {  	s13 =	sand.u32 $0x3E00, s11;
	s12 =	sand.u32 $0x60, s9;
	v56 =	vadd.f32 v29, v61;
	v53 =	vadd.f32 v18, v52;
	v52 =	vmul.f32 v8, v58  }
0x3a6: {  	s11 =	sadd.s32 $0x80, s11;
	s13 =	sor.u32 s12, s13;
	v57 =	vadd.f32 v47, v55;
	v55 =	vadd.f32 v11, v59;
	v47 =	vmul.f32 v7, v58  }
0x3a7: {  	v51 =	vmul.f32 v56, v51;
	_ =	sdelay $0x1  }
0x3a8: {  	v51 =	vadd.f32 v28, v51;
	_ =	sdelay $0x1  }
0x3a9: {  	s9 =	sadd.s32 $0x1A000, s13;
	v49 =	vadd.f32 v51, v49  }
0x3aa: {  	v63 =	vor.u32 $0x80, v36;
	[tilespmem:s9+$0x10] =	vst v57  }
0x3ab: {  	v54 =	vld.idx.msk [tilespmem:v54+s23+$0x0], $0xffff;
	[tilespmem:s13+$0x1A000] =	vst v49  }
0x3ac: {  	v45 =	vld.idx.msk [tilespmem:v45+s23+$0x0], $0xffff;
	_ =	sdelay $0x2  }
0x3ad: {  	v60 =	vld.idx.msk [tilespmem:v63+s23+$0x0], $0xffff  }
0x3ae: {  	v61 =	vmul.f32 v30, v54;
	v42 =	vld.idx.msk [tilespmem:v42+s23+$0x0], $0xffff  }
0x3af: {  	v62 =	vmul.f32 v35, v45  }
0x3b0: {  	v49 =	vadd.f32 v33, v61  }
0x3b1: {  	v48 =	vadd.f32 v55, v48;
	v51 =	vadd.f32 v29, v62  }
0x3b2: {  	v49 =	vmul.f32 v49, v60  }
0x3b3: {  	[tilespmem:s5+$0x80] =	vst v48;
	v42 =	vmul.f32 v51, v42  }
0x3b4: {  	v26 =	vld.idx.msk [tilespmem:v26+s23+$0x0], $0xffff;
	v63 =	vor.u32 $0x100, v32;
	v54 =	vmul.f32 v31, v54;
	v49 =	vadd.f32 v37, v49  }
0x3b5: {  	v45 =	vmul.f32 v27, v45;
	v42 =	vadd.f32 v28, v42  }
0x3b6: {  	v49 =	vadd.f32 v49, v54  }
0x3b7: {  	v42 =	vadd.f32 v42, v45  }
0x3b8: {  	v59 =	vor.u32 $0x100, v36;
	v25 =	vld.idx.msk [tilespmem:v25+s23+$0x0], $0xffff;
	[tilespmem:s9+$0x90] =	vst v49  }
0x3b9: {  	v54 =	vmul.f32 v14, v26;
	v49 =	vld.idx.msk [tilespmem:v63+s23+$0x0], $0xffff;
	[tilespmem:s9+$0x80] =	vst v42  }
0x3ba: {  	v39 =	vld.idx.msk [tilespmem:v39+s23+$0x0], $0xffff  }
0x3bb: {  	v56 =	vadd.f32 v13, v54  }
0x3bc: {  	v61 =	vmul.f32 v53, v50;
	v63 =	vadd.f32 v6, v52  }
0x3bd: {  	v26 =	vmul.f32 v12, v26;
	v60 =	vld.idx.msk [tilespmem:v59+s23+$0x0], $0xffff;
	v25 =	vmul.f32 v56, v25  }
0x3be: {  	v43 =	vmul.f32 v63, v43;
	v62 =	vmul.f32 v30, v49;
	v41 =	vld.idx.msk [tilespmem:v41+s23+$0x0], $0xffff  }
0x3bf: {  	v25 =	vadd.f32 v11, v25;
	v42 =	vadd.f32 v19, v61;
	v55 =	vmul.f32 v35, v39  }
0x3c0: {  	v46 =	vmul.f32 v22, v46;
	v43 =	vadd.f32 v4, v43;
	v48 =	vadd.f32 v33, v62  }
0x3c1: {  	v15 =	vor.u32 $0x180, v15;
	v25 =	vadd.f32 v25, v26;
	v58 =	vadd.f32 v29, v55  }
0x3c2: {  	v42 =	vadd.f32 v42, v46;
	v45 =	vmul.f32 v48, v60  }
0x3c3: {  	v16 =	vor.u32 $0x180, v16;
	v43 =	vadd.f32 v43, v47;
	[tilespmem:s5+$0x100] =	vst v25;
	v41 =	vmul.f32 v58, v41  }
0x3c4: {  	v59 =	vmul.f32 v31, v49;
	[tilespmem:s5+$0x110] =	vst v42;
	v25 =	vld.idx.msk [tilespmem:v20+s23+$0x0], $0xffff;
	v60 =	vor.u32 $0x180, v32;
	v57 =	vadd.f32 v37, v45  }
0x3c5: {  	[tilespmem:s2+$0x100] =	vst v43;
	v43 =	vld.idx.msk [tilespmem:v21+s23+$0x0], $0xffff;
	v39 =	vmul.f32 v27, v39;
	v41 =	vadd.f32 v28, v41  }
0x3c6: {  	v2 =	vmul.f32 v2, v40;
	v15 =	vld.idx.msk [tilespmem:v15+s23+$0x0], $0xffff;
	v42 =	vadd.f32 v57, v59  }
0x3c7: {  	v10 =	vld.idx.msk [tilespmem:v10+s23+$0x0], $0xffff;
	v63 =	vadd.f32 v41, v39  }
0x3c8: {  	v2 =	vadd.f32 v3, v2;
	v61 =	vor.u32 $0x180, v36;
	v16 =	vld.idx.msk [tilespmem:v16+s23+$0x0], $0xffff;
	[tilespmem:s9+$0x110] =	vst v42  }
0x3c9: {  	v1 =	vadd.f32 v1, v24;
	v62 =	vld.idx.msk [tilespmem:v60+s23+$0x0], $0xffff;
	[tilespmem:s9+$0x100] =	vst v63  }
0x3ca: {  	v2 =	vmul.f32 v2, v44;
	v39 =	vld.idx.msk [tilespmem:v38+s23+$0x0], $0xffff  }
0x3cb: {  	v5 =	vmul.f32 v5, v40;
	v1 =	vadd.f32 v1, v23;
	v9 =	vld.idx.msk [tilespmem:v9+s23+$0x0], $0xffff;
	v44 =	vmul.f32 v14, v25  }
0x3cc: {  	v0 =	vadd.f32 v0, v2;
	v17 =	vmul.f32 v17, v15;
	v8 =	vmul.f32 v8, v10  }
0x3cd: {  	v15 =	vmul.f32 v22, v15;
	v7 =	vmul.f32 v7, v10;
	v49 =	vadd.f32 v13, v44;
	v41 =	vld.idx.msk [tilespmem:v61+s23+$0x0], $0xffff  }
0x3ce: {  	v17 =	vadd.f32 v18, v17;
	v46 =	vadd.f32 v6, v8;
	v42 =	vmul.f32 v30, v62;
	v45 =	vld.idx.msk [tilespmem:v34+s23+$0x0], $0xffff  }
0x3cf: {  	v0 =	vadd.f32 v0, v5;
	v54 =	vmul.f32 v49, v43;
	v47 =	vmul.f32 v35, v39  }
0x3d0: {  	s16 =	sadd.s32 $0x1, s4;
	v16 =	vmul.f32 v17, v16;
	v50 =	vmul.f32 v46, v9;
	v20 =	vadd.f32 v33, v42  }
0x3d1: {  	s4 =	sand.u32 $0x3, s16;
	v58 =	vmul.f32 v12, v25;
	v59 =	vadd.f32 v11, v54;
	v51 =	vadd.f32 v29, v47  }
0x3d2: {  	s4 =	sshll.u32 s4, $0x5;
	s2 =	sadd.s32 $0x1, s16;
	v16 =	vadd.f32 v19, v16;
	v55 =	vadd.f32 v4, v50;
	v48 =	vmul.f32 v20, v41  }
0x3d3: {  	s4 =	sadd.s32 s4, s17;
	[tilespmem:s3+$0x1A000] =	vst v1;
	s2 =	sand.u32 $0x3, s2;
	v53 =	vmul.f32 v31, v62;
	v62 =	vadd.f32 v59, v58;
	v56 =	vmul.f32 v51, v45  }
0x3d4: {  	s18 =	sadd.s32 $0x10, s4;
	s26 =	sor.u32 $0x180, s4;
	[tilespmem:s1+$0x1A000] =	vst v0;
	s2 =	sshll.u32 s2, $0x5;
	v15 =	vadd.f32 v16, v15;
	v52 =	vadd.f32 v37, v48  }
0x3d5: {  	s22 =	sor.u32 $0x180, s18;
	s2 =	sadd.s32 s2, s7;
	v60 =	vadd.f32 v55, v7;
	[tilespmem:s26+$0x1A000] =	vst v62;
	v61 =	vmul.f32 v27, v39;
	v2 =	vadd.f32 v28, v56  }
0x3d6: {  	s31 =	sadd.s32 $0x1, s31;
	s24 =	sadd.s32 $0x10, s2;
	[tilespmem:s22+$0x1A000] =	vst v15;
	v57 =	vadd.f32 v52, v53  }
0x3d7: {  	p0 =	sne.s32 s31, $0x10;
	s25 =	sor.u32 $0x180, s24;
	[tilespmem:s8+$0x1A000] =	vst v60;
	v63 =	vadd.f32 v2, v61  }
.Ltmp4:
0x3d8: {  	s2 =	sor.u32 $0x180, s2;
	[tilespmem:s25+$0x1A000] =	vst v57;
	(pc) =	sbr.rel @p0 .LBB2_2-.Ltmp4, $4  }
0x3d9: {  	[tilespmem:s2+$0x1A000] =	vst v63  }
0x3da: {  	s1 =	rddreg [dreg:$0xd]  }
0x3db: {  	s30 =	simm.s32 $0x1A000;
	s0 =	sadd.s32 s0, s1  }
0x3dc: {  	[hbm4b:s0+s19] =	stream.strided.scatter [tilespmem:s30], [sflag:$0x4], $0x4000, s20, s19, $0x38;
	[tilespmem:$0x1E000] =	vst v63  }
0x3dd: {  	_ =	swait.ge [sflag:s28], $0x4000  }
0x3de: {  	[sflag:s28] =	ssyncset.done $0x0  }
0x3df: {  	[sflag:s28] =	ssyncadd.s32 $0xFFFFC000  }
0x3e0: {  	_ =	swait.ge [sflag:s29], $0x4000  }
0x3e1: {  	s1 =	rddreg [dreg:$0xf]  }
0x3e2: {  	s0 =	rddreg [dreg:$0xe];
	s1 =	sadd.s32 $0x1, s1  }
0x3e3: {  	p0 =	sne.s32 s1, s0  }
.Ltmp5:
0x3e4: {  	_ = 	snop;
	(pc) =	sbr.rel @p0 .LBB2_1-.Ltmp5, $3  }
0x3e5: {  	_ =	sdelay $0x1  }
0x3e6: {  	[sflag:s29] =	ssyncset.done $0x0  }
0x3e7: {  	[sflag:s29] =	ssyncadd.s32 $0xFFFFC000  }
0x3e8: {  	_ =	sfence.sel $0x180000  }
0x3e9: {  	[bflag:$0x0] =	sbarrier.arrive $0xFFFF  }
0x3ea: {  	_ =	strace $0x90000047  }
0x3eb: {  	s0 =	stileid.u32;
	[bflag:$0x2] =	sbarrier.arrive $0xFFFF  }
0x3ec: {  	p0 =	sne.s32 s0, $0x0;
	s0 =	rddreg [dreg:$0x3]  }
0x3ed: {  	s0 =	sadd.s32 @!p0 $0x100000, s0  }
0x3ee: {  	[sflag:s0] =	ssyncadd.tile.s32 @!p0 $0x1;
	_ =	shalt  }
.Lfunc_end2:
_tile_overlayer_lowered:
.L_overlay_start_2:
0x3ef: {  	(tag) =	ssettag $0x2  }
0x3f0: {  	s0 =	rddreg [dreg:$0x0];
	s2 =	stileid.u32  }
0x3f1: {  	s1 =	rddreg [dreg:$0x1];
	p0 =	sne.s32 s2, $0x0  }
0x3f2: {  	s3 =	rddreg [dreg:$0x2];
	[bflag:$0x3] =	sbarrier.arrive $0xFFFF;
	s2 =	simm.s32 @!p0 $0x1C05  }
0x3f3: {  	[timem:s3], [sflag:s2] =	dma.local @!p0 [hbm:s0], s1  }
0x3f4: {  	s0 =	simm.s32 @!p0 $0x5  }
0x3f5: {  	_ =	swait.ge @!p0 [sflag:s0], s1  }
0x3f6: {  	s1 =	ssub.s32 @!p0 $0x0, s1;
	[sflag:s0] =	ssyncset.done @!p0 $0x0  }
0x3f7: {  	[sflag:s0] =	ssyncadd.s32 @!p0 s1  }
0x3f8: {  	[bflag:$0x3] =	sbarrier.arrive $0xFFFF  }
0x3f9: {  	_ =	shalt  }

</sc_bundles>
